<compile_context>
chip_gen: v7x
topology: tpu7x:2x2x1
jax: 0.10.2.dev20260603
libtpu: 0.0.44.dev20260713+nightly
codegen_flags: <defaults>
</compile_context>

<pallas_src>
import functools

import jax
import jax.numpy as jnp
from jax import lax
from jax.experimental import pallas as pl
from jax.experimental.pallas import tpu as pltpu
from jax.experimental.pallas import tpu_sc as plsc

N_NODES = 10000
N_EDGES = 320000

NC = 2
NS = 16
NW = NC * NS
LANES = 16

EDGES_PER_TILE = N_EDGES // NW
CHUNK = 64
CHUNKS = EDGES_PER_TILE // CHUNK
TAIL = EDGES_PER_TILE - CHUNKS * CHUNK
NBUF = 4
ROWS_PER_TILE = 624
EXTRA_ROWS = N_NODES - NS * ROWS_PER_TILE


def _sc_aggregate(m, src, dst):
    F = m.shape[1]
    mesh = plsc.VectorSubcoreMesh(
        core_axis_name="c", subcore_axis_name="s", num_cores=NC, num_subcores=NS
    )

    gbytes = CHUNK * F * 4
    dbytes = CHUNK * 4

    @functools.partial(
        pl.kernel,
        out_type=jax.ShapeDtypeStruct((NC, N_NODES, F), jnp.float32),
        mesh=mesh,
        scratch_types=[
            pltpu.VMEM((EDGES_PER_TILE,), jnp.int32),
            [pltpu.VMEM((CHUNK, F), jnp.float32)] * NBUF,
            [pltpu.VMEM((CHUNK,), jnp.int32)] * NBUF,
            pltpu.VMEM((TAIL,), jnp.int32),
            pltpu.VMEM_SHARED((N_NODES, F), jnp.float32),
            pltpu.SemaphoreType.DMA,
            pltpu.SemaphoreType.DMA,
            pltpu.SemaphoreType.DMA,
        ],
    )
    def k(m_hbm, src_hbm, dst_hbm, out_hbm, src_all, rowbufs, dstbufs,
          dtail, acc_sh, gsem, ssem, dsem):
        cid = lax.axis_index("c")
        sid = lax.axis_index("s")
        wid = sid * NC + cid
        ebase = wid * EDGES_PER_TILE

        pltpu.sync_copy(src_hbm.at[pl.ds(ebase, EDGES_PER_TILE)], src_all)
        for b in range(NBUF - 1):
            pltpu.async_copy(
                m_hbm.at[src_all.at[pl.ds(b * CHUNK, CHUNK)]], rowbufs[b], gsem
            )
            pltpu.async_copy(
                dst_hbm.at[pl.ds(ebase + b * CHUNK, CHUNK)], dstbufs[b], dsem
            )

        zbuf = rowbufs[NBUF - 1]

        def zrow(i, _):
            def zcol(j, _):
                zbuf[i, pl.ds(j * LANES, LANES)] = jnp.zeros((LANES,), jnp.float32)
                return 0
            lax.fori_loop(0, F // LANES, zcol, 0)
            return 0

        lax.fori_loop(0, CHUNK, zrow, 0)

        rbase = sid * ROWS_PER_TILE
        nz = ROWS_PER_TILE // CHUNK
        rz = ROWS_PER_TILE - nz * CHUNK

        def zcopy(i, _):
            pltpu.sync_copy(zbuf, acc_sh.at[pl.ds(rbase + i * CHUNK, CHUNK)])
            return 0
        lax.fori_loop(0, nz, zcopy, 0)
        pltpu.sync_copy(
            zbuf.at[pl.ds(0, rz)],
            acc_sh.at[pl.ds(rbase + nz * CHUNK, rz)],
        )

        @pl.when(sid == 0)
        def _zero_tail():
            pltpu.sync_copy(
                zbuf.at[pl.ds(0, EXTRA_ROWS)],
                acc_sh.at[pl.ds(NS * ROWS_PER_TILE, EXTRA_ROWS)],
            )

        plsc.subcore_barrier()

        def wait_rows(sem, buf):
            pltpu.make_async_copy(m_hbm.at[pl.ds(0, CHUNK)], buf, sem).wait()

        def wait_idx(sem, buf):
            pltpu.make_async_copy(dst_hbm.at[pl.ds(0, CHUNK)], buf, sem).wait()

        @pl.loop(0, CHUNKS // NBUF)
        def _grp(o):
            j0 = o * NBUF
            for b in range(NBUF):
                j = j0 + b
                nb = (b + NBUF - 1) % NBUF
                wait_rows(gsem, rowbufs[b])
                if b == 0:
                    @pl.when(j >= 1)
                    def _retire():
                        wait_rows(ssem, rowbufs[nb])
                else:
                    wait_rows(ssem, rowbufs[nb])

                @pl.when(j + NBUF - 1 < CHUNKS)
                def _fire():
                    jn = j + NBUF - 1
                    pltpu.async_copy(
                        m_hbm.at[src_all.at[pl.ds(jn * CHUNK, CHUNK)]],
                        rowbufs[nb], gsem,
                    )
                    pltpu.async_copy(
                        dst_hbm.at[pl.ds(ebase + jn * CHUNK, CHUNK)],
                        dstbufs[nb], dsem,
                    )

                wait_idx(dsem, dstbufs[b])
                pltpu.async_copy(rowbufs[b], acc_sh.at[dstbufs[b]], ssem, add=True)

        wait_rows(ssem, rowbufs[(CHUNKS - 1) % NBUF])

        tb = ebase + CHUNKS * CHUNK
        pltpu.sync_copy(dst_hbm.at[pl.ds(tb, TAIL)], dtail)
        pltpu.async_copy(
            m_hbm.at[src_all.at[pl.ds(CHUNKS * CHUNK, TAIL)]],
            rowbufs[0].at[pl.ds(0, TAIL)], gsem,
        ).wait()
        pltpu.sync_copy(rowbufs[0].at[pl.ds(0, TAIL)], acc_sh.at[dtail], add=True)

        plsc.subcore_barrier()

        pltpu.sync_copy(
            acc_sh.at[pl.ds(rbase, ROWS_PER_TILE)],
            out_hbm.at[cid, pl.ds(rbase, ROWS_PER_TILE)],
        )

        @pl.when(sid == 0)
        def _write_tail():
            pltpu.sync_copy(
                acc_sh.at[pl.ds(NS * ROWS_PER_TILE, EXTRA_ROWS)],
                out_hbm.at[cid, pl.ds(NS * ROWS_PER_TILE, EXTRA_ROWS)],
            )

    return k(m, src, dst)


def _tc_matmul(x, W):
    def body(x_ref, w_ref, o_ref):
        o_ref[...] = jnp.dot(
            x_ref[...], w_ref[...],
            preferred_element_type=jnp.float32,
            precision=lax.Precision.HIGHEST,
        )

    return pl.pallas_call(
        body,
        out_shape=jax.ShapeDtypeStruct((x.shape[0], W.shape[1]), jnp.float32),
    )(x, W)


def _tc_combine_relu_matmul(p, W):
    def body(p_ref, w_ref, o_ref):
        h = jnp.maximum(p_ref[0] + p_ref[1], 0.0)
        o_ref[...] = jnp.dot(
            h, w_ref[...],
            preferred_element_type=jnp.float32,
            precision=lax.Precision.HIGHEST,
        )

    return pl.pallas_call(
        body,
        out_shape=jax.ShapeDtypeStruct((p.shape[1], W.shape[1]), jnp.float32),
    )(p, W)


def _tc_combine_relu(p):
    def body(p_ref, o_ref):
        o_ref[...] = jnp.maximum(p_ref[0] + p_ref[1], 0.0)

    return pl.pallas_call(
        body,
        out_shape=jax.ShapeDtypeStruct(p.shape[1:], jnp.float32),
    )(p)


def _tc_combine_matmul(p, W):
    def body(p_ref, w_ref, o_ref):
        o_ref[...] = jnp.dot(
            p_ref[0] + p_ref[1], w_ref[...],
            preferred_element_type=jnp.float32,
            precision=lax.Precision.HIGHEST,
        )

    return pl.pallas_call(
        body,
        out_shape=jax.ShapeDtypeStruct((p.shape[1], W.shape[1]), jnp.float32),
    )(p, W)


def kernel(x, edge_index, W0, W1, W2):
    src = edge_index[0].astype(jnp.int32)
    dst = edge_index[1].astype(jnp.int32)

    m0 = _tc_matmul(x, W0)
    p0 = _sc_aggregate(m0, src, dst)
    m1 = _tc_combine_relu_matmul(p0, W1)
    p1 = _sc_aggregate(m1, src, dst)
    h2 = _tc_combine_relu(p1)
    p2 = _sc_aggregate(h2, src, dst)
    return _tc_combine_matmul(p2, W2)

# --- scband reference (transcript-rebuilt; emitter-appended) ---
"""Pipeline reference for scband-gcn-39350490366322 (READ-ONLY COPY).

The authoritative reference and input builder live on the scoring server;
editing this copy changes nothing except your own understanding.
"""

import jax, jax.numpy as jnp
import numpy as np

N_NODES = 10000
N_EDGES = 320000
IN_FEATS = 128
N_HIDDEN = 128
N_CLASSES = 64


def setup_inputs(seed: int = 0) -> dict:
    key = jax.random.key(seed)
    k1, k2, k3, k4, k5 = jax.random.split(key, 5)
    x = jax.random.normal(k1, (N_NODES, IN_FEATS), dtype=jnp.float32)
    edge_index = jax.random.randint(k2, (2, N_EDGES), 0, N_NODES, dtype=jnp.int64)
    # DGL GraphConv weights: shape (in_feats, out_feats), glorot-uniform init
    def glorot(k, fan_in, fan_out):
        limit = np.sqrt(6.0 / (fan_in + fan_out))
        return jax.random.uniform(k, (fan_in, fan_out), dtype=jnp.float32, minval=-limit, maxval=limit)
    W0 = glorot(k3, IN_FEATS, N_HIDDEN)
    W1 = glorot(k4, N_HIDDEN, N_HIDDEN)
    W2 = glorot(k5, N_HIDDEN, N_CLASSES)
    return {"x": x, "edge_index": edge_index, "W0": W0, "W1": W1, "W2": W2}


def _graph_conv(h, src, dst, W, activation):
    # DGL GraphConv with norm='none', bias=False:
    # out[dst] = sum_{(src,dst) in E} (h[src] @ W)
    m = h @ W
    agg = jax.ops.segment_sum(m[src], dst, num_segments=N_NODES)
    if activation is not None:
        agg = activation(agg)
    return agg


def reference(x, edge_index, W0, W1, W2):
    src = edge_index[0]
    dst = edge_index[1]
    h = _graph_conv(x, src, dst, W0, jax.nn.relu)
    h = _graph_conv(h, src, dst, W1, jax.nn.relu)
    h = _graph_conv(h, src, dst, W2, None)
    return h

if __name__ == "__main__":
    import jax
    _d = setup_inputs()
    print(jax.jit(kernel)(*tuple(_d.values())))

</pallas_src>

<mosaic_0001>
#map = affine_map<(d0, d1) -> (0, 0)>
#map1 = affine_map<(d0, d1) -> (0)>
#map2 = affine_map<(d0, d1) -> (0, 0, 0)>
module attributes {stable_mosaic.version = 14 : i64} {
  func.func @k(%arg0: i32, %arg1: i32, %arg2: memref<10000x128xf32, #tpu.memory_space<hbm>>, %arg3: memref<320000xi32, #tpu.memory_space<hbm>>, %arg4: memref<320000xi32, #tpu.memory_space<hbm>>, %arg5: memref<2x10000x128xf32, #tpu.memory_space<hbm>>, %arg6: memref<10000xi32, #tpu.memory_space<vmem>>, %arg7: memref<64x128xf32, #tpu.memory_space<vmem>>, %arg8: memref<64x128xf32, #tpu.memory_space<vmem>>, %arg9: memref<64x128xf32, #tpu.memory_space<vmem>>, %arg10: memref<64x128xf32, #tpu.memory_space<vmem>>, %arg11: memref<64xi32, #tpu.memory_space<vmem>>, %arg12: memref<64xi32, #tpu.memory_space<vmem>>, %arg13: memref<64xi32, #tpu.memory_space<vmem>>, %arg14: memref<64xi32, #tpu.memory_space<vmem>>, %arg15: memref<16xi32, #tpu.memory_space<vmem>>, %arg16: memref<10000x128xf32, #tpu.memory_space<vmem_shared>>, %arg17: memref<!tpu.dma_semaphore, #tpu.memory_space<semaphore_mem>>, %arg18: memref<!tpu.dma_semaphore, #tpu.memory_space<semaphore_mem>>, %arg19: memref<!tpu.dma_semaphore, #tpu.memory_space<semaphore_mem>>) attributes {dimension_semantics = [#tpu.dimension_semantics<core_parallel>, #tpu.dimension_semantics<subcore_parallel>], iteration_bounds = array<i64: 2, 16>, scalar_prefetch = 0 : i64, scratch_operands = 14 : i64, tpu.core_type = #tpu.core_type<sc_vector_subcore>, window_params = [{transform_indices = #map}, {transform_indices = #map1}, {transform_indices = #map1}, {transform_indices = #map2}]} {
    %mul3A = arith.constant 2 : i32
    %mul3A_0 = arith.muli %arg1, %mul3A : i32
    %add3A = arith.addi %mul3A_0, %arg0 : i32
    %mul3A_1 = arith.constant 10000 : i32
    %mul3A_2 = arith.muli %add3A, %mul3A_1 : i32
    "tpu.region"() ({
      %run_scoped3A = tpu.sem_alloc : memref<!tpu.dma_semaphore, #tpu.memory_space<semaphore_mem>>
      %dma_start3A_82 = tpu.memref_slice %arg3[%mul3A_2] : memref<320000xi32, #tpu.memory_space<hbm>> -> memref<10000xi32, #tpu.memory_space<hbm>>
      %dma_start3A_83 = tpu.memref_slice %arg3[%mul3A_2] : memref<320000xi32, #tpu.memory_space<hbm>> -> memref<10000xi32, #tpu.memory_space<hbm>>
      tpu.enqueue_dma source(%dma_start3A_83 : memref<10000xi32, #tpu.memory_space<hbm>>) target(%arg6 : memref<10000xi32, #tpu.memory_space<vmem>>) target_semaphore(%run_scoped3A : memref<!tpu.dma_semaphore, #tpu.memory_space<semaphore_mem>>)
      %dma_wait3A_84 = tpu.memref_slice %arg3[%mul3A_2] : memref<320000xi32, #tpu.memory_space<hbm>> -> memref<10000xi32, #tpu.memory_space<hbm>>
      %dma_wait3A_85 = tpu.memref_slice %arg3[%mul3A_2] : memref<320000xi32, #tpu.memory_space<hbm>> -> memref<10000xi32, #tpu.memory_space<hbm>>
      tpu.wait_dma2 semaphore(%run_scoped3A : memref<!tpu.dma_semaphore, #tpu.memory_space<semaphore_mem>>) src(%dma_wait3A_85 : memref<10000xi32, #tpu.memory_space<hbm>>) dst(%arg6 : memref<10000xi32, #tpu.memory_space<vmem>>)
      tpu.yield
    }) : () -> ()
    %dma_start3A = arith.constant 0 : i32
    %dma_start3A_3 = tpu.memref_slice %arg6[%dma_start3A] : memref<10000xi32, #tpu.memory_space<vmem>> -> memref<64xi32, #tpu.memory_space<vmem>>
    %dma_start3A_4 = arith.constant 0 : i32
    %dma_start3A_5 = arith.constant 0 : i32
    %dma_start3A_6 = tpu.memref_slice %arg2[%dma_start3A_4, %dma_start3A_5] : memref<10000x128xf32, #tpu.memory_space<hbm>> -> memref<10000x128xf32, #tpu.memory_space<hbm>>
    tpu.enqueue_indirect_dma source(%dma_start3A_6 : memref<10000x128xf32, #tpu.memory_space<hbm>>) target(%arg7 : memref<64x128xf32, #tpu.memory_space<vmem>>) offsets(%dma_start3A_3 : memref<64xi32, #tpu.memory_space<vmem>>) semaphore(%arg17 : memref<!tpu.dma_semaphore, #tpu.memory_space<semaphore_mem>>)
    %add3A_7 = arith.constant 0 : i32
    %add3A_8 = arith.addi %mul3A_2, %add3A_7 : i32
    %dma_start3A_9 = tpu.memref_slice %arg4[%add3A_8] : memref<320000xi32, #tpu.memory_space<hbm>> -> memref<64xi32, #tpu.memory_space<hbm>>
    %dma_start3A_10 = tpu.memref_slice %arg4[%add3A_8] : memref<320000xi32, #tpu.memory_space<hbm>> -> memref<64xi32, #tpu.memory_space<hbm>>
    tpu.enqueue_dma source(%dma_start3A_10 : memref<64xi32, #tpu.memory_space<hbm>>) target(%arg11 : memref<64xi32, #tpu.memory_space<vmem>>) target_semaphore(%arg19 : memref<!tpu.dma_semaphore, #tpu.memory_space<semaphore_mem>>)
    %dma_start3A_11 = arith.constant 64 : i32
    %dma_start3A_12 = tpu.memref_slice %arg6[%dma_start3A_11] : memref<10000xi32, #tpu.memory_space<vmem>> -> memref<64xi32, #tpu.memory_space<vmem>>
    %dma_start3A_13 = arith.constant 0 : i32
    %dma_start3A_14 = arith.constant 0 : i32
    %dma_start3A_15 = tpu.memref_slice %arg2[%dma_start3A_13, %dma_start3A_14] : memref<10000x128xf32, #tpu.memory_space<hbm>> -> memref<10000x128xf32, #tpu.memory_space<hbm>>
    tpu.enqueue_indirect_dma source(%dma_start3A_15 : memref<10000x128xf32, #tpu.memory_space<hbm>>) target(%arg8 : memref<64x128xf32, #tpu.memory_space<vmem>>) offsets(%dma_start3A_12 : memref<64xi32, #tpu.memory_space<vmem>>) semaphore(%arg17 : memref<!tpu.dma_semaphore, #tpu.memory_space<semaphore_mem>>)
    %add3A_16 = arith.constant 64 : i32
    %add3A_17 = arith.addi %mul3A_2, %add3A_16 : i32
    %dma_start3A_18 = tpu.memref_slice %arg4[%add3A_17] : memref<320000xi32, #tpu.memory_space<hbm>> -> memref<64xi32, #tpu.memory_space<hbm>>
    %dma_start3A_19 = tpu.memref_slice %arg4[%add3A_17] : memref<320000xi32, #tpu.memory_space<hbm>> -> memref<64xi32, #tpu.memory_space<hbm>>
    tpu.enqueue_dma source(%dma_start3A_19 : memref<64xi32, #tpu.memory_space<hbm>>) target(%arg12 : memref<64xi32, #tpu.memory_space<vmem>>) target_semaphore(%arg19 : memref<!tpu.dma_semaphore, #tpu.memory_space<semaphore_mem>>)
    %dma_start3A_20 = arith.constant 128 : i32
    %dma_start3A_21 = tpu.memref_slice %arg6[%dma_start3A_20] : memref<10000xi32, #tpu.memory_space<vmem>> -> memref<64xi32, #tpu.memory_space<vmem>>
    %dma_start3A_22 = arith.constant 0 : i32
    %dma_start3A_23 = arith.constant 0 : i32
    %dma_start3A_24 = tpu.memref_slice %arg2[%dma_start3A_22, %dma_start3A_23] : memref<10000x128xf32, #tpu.memory_space<hbm>> -> memref<10000x128xf32, #tpu.memory_space<hbm>>
    tpu.enqueue_indirect_dma source(%dma_start3A_24 : memref<10000x128xf32, #tpu.memory_space<hbm>>) target(%arg9 : memref<64x128xf32, #tpu.memory_space<vmem>>) offsets(%dma_start3A_21 : memref<64xi32, #tpu.memory_space<vmem>>) semaphore(%arg17 : memref<!tpu.dma_semaphore, #tpu.memory_space<semaphore_mem>>)
    %add3A_25 = arith.constant 128 : i32
    %add3A_26 = arith.addi %mul3A_2, %add3A_25 : i32
    %dma_start3A_27 = tpu.memref_slice %arg4[%add3A_26] : memref<320000xi32, #tpu.memory_space<hbm>> -> memref<64xi32, #tpu.memory_space<hbm>>
    %dma_start3A_28 = tpu.memref_slice %arg4[%add3A_26] : memref<320000xi32, #tpu.memory_space<hbm>> -> memref<64xi32, #tpu.memory_space<hbm>>
    tpu.enqueue_dma source(%dma_start3A_28 : memref<64xi32, #tpu.memory_space<hbm>>) target(%arg13 : memref<64xi32, #tpu.memory_space<vmem>>) target_semaphore(%arg19 : memref<!tpu.dma_semaphore, #tpu.memory_space<semaphore_mem>>)
    %scan3A = arith.constant 0 : i32
    %scan3A_29 = arith.constant 0 : i32
    %scan3A_30 = arith.constant 64 : i32
    %scan3A_31 = arith.addi %scan3A_29, %scan3A_30 : i32
    %scan3A_32 = arith.constant 1 : i32
    %scan3A_33 = scf.for %scan3A_82 = %scan3A_29 to %scan3A_31 step %scan3A_32 iter_args(%scan3A_83 = %scan3A) -> (i32)  : i32 {
      %scan3A_84 = arith.constant 0 : i32
      %scan3A_85 = arith.constant 0 : i32
      %scan3A_86 = arith.constant 8 : i32
      %scan3A_87 = arith.addi %scan3A_85, %scan3A_86 : i32
      %scan3A_88 = arith.constant 1 : i32
      %scan3A_89 = scf.for %scan3A_92 = %scan3A_85 to %scan3A_87 step %scan3A_88 iter_args(%scan3A_93 = %scan3A_84) -> (i32)  : i32 {
        %broadcast_in_dim3A = arith.constant 0.000000e+00 : f32
        %broadcast_in_dim3A_94 = vector.broadcast %broadcast_in_dim3A : f32 to vector<16xf32>
        %mul3A_95 = arith.constant 16 : i32
        %mul3A_96 = arith.muli %scan3A_92, %mul3A_95 : i32
        %swap3A = arith.index_cast %scan3A_82 : i32 to index
        %swap3A_97 = arith.index_cast %mul3A_96 : i32 to index
        %swap3A_98 = tpu.vector_load %arg10[%swap3A, %swap3A_97] {strides = array<i32>} : memref<64x128xf32, #tpu.memory_space<vmem>>, vector<1x16xf32>,
        %swap3A_99 = vector.shape_cast %swap3A_98 : vector<1x16xf32> to vector<16xf32>
        %swap3A_100 = vector.shape_cast %broadcast_in_dim3A_94 : vector<16xf32> to vector<1x16xf32>
        tpu.vector_store %arg10[%swap3A, %swap3A_97], %swap3A_100 {strides = array<i32>} : memref<64x128xf32, #tpu.memory_space<vmem>>, vector<1x16xf32>,
        %scan3A_101 = arith.constant 0 : i32
        scf.yield %scan3A_101 : i32
      }
      %scan3A_90 = arith.constant 8 : i32
      %scan3A_91 = arith.constant 0 : i32
      scf.yield %scan3A_91 : i32
    }
    %scan3A_34 = arith.constant 64 : i32
    %mul3A_35 = arith.constant 624 : i32
    %mul3A_36 = arith.muli %arg1, %mul3A_35 : i32
    %scan3A_37 = arith.constant 0 : i32
    %scan3A_38 = arith.constant 0 : i32
    %scan3A_39 = arith.constant 9 : i32
    %scan3A_40 = arith.addi %scan3A_38, %scan3A_39 : i32
    %scan3A_41 = arith.constant 1 : i32
    %scan3A_42 = scf.for %scan3A_82 = %scan3A_38 to %scan3A_40 step %scan3A_41 iter_args(%scan3A_83 = %scan3A_37) -> (i32)  : i32 {
      %mul3A_84 = arith.constant 64 : i32
      %mul3A_85 = arith.muli %scan3A_82, %mul3A_84 : i32
      %add3A_86 = arith.addi %mul3A_36, %mul3A_85 : i32
      "tpu.region"() ({
        %run_scoped3A = tpu.sem_alloc : memref<!tpu.dma_semaphore, #tpu.memory_space<semaphore_mem>>
        %dma_start3A_88 = arith.constant 0 : i32
        %dma_start3A_89 = tpu.memref_slice %arg16[%add3A_86, %dma_start3A_88] : memref<10000x128xf32, #tpu.memory_space<vmem_shared>> -> memref<64x128xf32, #tpu.memory_space<vmem_shared>>
        %dma_start3A_90 = arith.constant 0 : i32
        %dma_start3A_91 = tpu.memref_slice %arg16[%add3A_86, %dma_start3A_90] : memref<10000x128xf32, #tpu.memory_space<vmem_shared>> -> memref<64x128xf32, #tpu.memory_space<vmem_shared>>
        tpu.enqueue_dma source(%arg10 : memref<64x128xf32, #tpu.memory_space<vmem>>) target(%dma_start3A_91 : memref<64x128xf32, #tpu.memory_space<vmem_shared>>) target_semaphore(%run_scoped3A : memref<!tpu.dma_semaphore, #tpu.memory_space<semaphore_mem>>)
        %dma_wait3A_92 = arith.constant 0 : i32
        %dma_wait3A_93 = tpu.memref_slice %arg16[%add3A_86, %dma_wait3A_92] : memref<10000x128xf32, #tpu.memory_space<vmem_shared>> -> memref<64x128xf32, #tpu.memory_space<vmem_shared>>
        %dma_wait3A_94 = arith.constant 0 : i32
        %dma_wait3A_95 = tpu.memref_slice %arg16[%add3A_86, %dma_wait3A_94] : memref<10000x128xf32, #tpu.memory_space<vmem_shared>> -> memref<64x128xf32, #tpu.memory_space<vmem_shared>>
        tpu.wait_dma2 semaphore(%run_scoped3A : memref<!tpu.dma_semaphore, #tpu.memory_space<semaphore_mem>>) src(%arg10 : memref<64x128xf32, #tpu.memory_space<vmem>>) dst(%dma_wait3A_95 : memref<64x128xf32, #tpu.memory_space<vmem_shared>>)
        tpu.yield
      }) : () -> ()
      %scan3A_87 = arith.constant 0 : i32
      scf.yield %scan3A_87 : i32
    }
    %scan3A_43 = arith.constant 9 : i32
    %add3A_44 = arith.constant 576 : i32
    %add3A_45 = arith.addi %mul3A_36, %add3A_44 : i32
    "tpu.region"() ({
      %run_scoped3A = tpu.sem_alloc : memref<!tpu.dma_semaphore, #tpu.memory_space<semaphore_mem>>
      %dma_start3A_82 = arith.constant 0 : i32
      %dma_start3A_83 = arith.constant 0 : i32
      %dma_start3A_84 = tpu.memref_slice %arg10[%dma_start3A_82, %dma_start3A_83] : memref<64x128xf32, #tpu.memory_space<vmem>> -> memref<48x128xf32, #tpu.memory_space<vmem>>
      %dma_start3A_85 = arith.constant 0 : i32
      %dma_start3A_86 = tpu.memref_slice %arg16[%add3A_45, %dma_start3A_85] : memref<10000x128xf32, #tpu.memory_space<vmem_shared>> -> memref<48x128xf32, #tpu.memory_space<vmem_shared>>
      %dma_start3A_87 = arith.constant 0 : i32
      %dma_start3A_88 = tpu.memref_slice %arg16[%add3A_45, %dma_start3A_87] : memref<10000x128xf32, #tpu.memory_space<vmem_shared>> -> memref<48x128xf32, #tpu.memory_space<vmem_shared>>
      %dma_start3A_89 = arith.constant 0 : i32
      %dma_start3A_90 = arith.constant 0 : i32
      %dma_start3A_91 = tpu.memref_slice %arg10[%dma_start3A_89, %dma_start3A_90] : memref<64x128xf32, #tpu.memory_space<vmem>> -> memref<48x128xf32, #tpu.memory_space<vmem>>
      tpu.enqueue_dma source(%dma_start3A_91 : memref<48x128xf32, #tpu.memory_space<vmem>>) target(%dma_start3A_88 : memref<48x128xf32, #tpu.memory_space<vmem_shared>>) target_semaphore(%run_scoped3A : memref<!tpu.dma_semaphore, #tpu.memory_space<semaphore_mem>>)
      %dma_wait3A_92 = arith.constant 0 : i32
      %dma_wait3A_93 = arith.constant 0 : i32
      %dma_wait3A_94 = tpu.memref_slice %arg10[%dma_wait3A_92, %dma_wait3A_93] : memref<64x128xf32, #tpu.memory_space<vmem>> -> memref<48x128xf32, #tpu.memory_space<vmem>>
      %dma_wait3A_95 = arith.constant 0 : i32
      %dma_wait3A_96 = tpu.memref_slice %arg16[%add3A_45, %dma_wait3A_95] : memref<10000x128xf32, #tpu.memory_space<vmem_shared>> -> memref<48x128xf32, #tpu.memory_space<vmem_shared>>
      %dma_wait3A_97 = arith.constant 0 : i32
      %dma_wait3A_98 = tpu.memref_slice %arg16[%add3A_45, %dma_wait3A_97] : memref<10000x128xf32, #tpu.memory_space<vmem_shared>> -> memref<48x128xf32, #tpu.memory_space<vmem_shared>>
      %dma_wait3A_99 = arith.constant 0 : i32
      %dma_wait3A_100 = arith.constant 0 : i32
      %dma_wait3A_101 = tpu.memref_slice %arg10[%dma_wait3A_99, %dma_wait3A_100] : memref<64x128xf32, #tpu.memory_space<vmem>> -> memref<48x128xf32, #tpu.memory_space<vmem>>
      tpu.wait_dma2 semaphore(%run_scoped3A : memref<!tpu.dma_semaphore, #tpu.memory_space<semaphore_mem>>) src(%dma_wait3A_101 : memref<48x128xf32, #tpu.memory_space<vmem>>) dst(%dma_wait3A_98 : memref<48x128xf32, #tpu.memory_space<vmem_shared>>)
      tpu.yield
    }) : () -> ()
    %eq3A = arith.constant 0 : i32
    %eq3A_46 = arith.cmpi eq, %arg1, %eq3A : i32
    %convert_element_type3A = arith.extui %eq3A_46 : i1 to i32
    %cond3A = arith.constant 0 : i32
    %cond3A_47 = arith.cmpi ne, %convert_element_type3A, %cond3A : i32
    scf.if %cond3A_47 {
      "tpu.region"() ({
        %run_scoped3A = tpu.sem_alloc : memref<!tpu.dma_semaphore, #tpu.memory_space<semaphore_mem>>
        %dma_start3A_82 = arith.constant 0 : i32
        %dma_start3A_83 = arith.constant 0 : i32
        %dma_start3A_84 = tpu.memref_slice %arg10[%dma_start3A_82, %dma_start3A_83] : memref<64x128xf32, #tpu.memory_space<vmem>> -> memref<16x128xf32, #tpu.memory_space<vmem>>
        %dma_start3A_85 = arith.constant 9984 : i32
        %dma_start3A_86 = arith.constant 0 : i32
        %dma_start3A_87 = tpu.memref_slice %arg16[%dma_start3A_85, %dma_start3A_86] : memref<10000x128xf32, #tpu.memory_space<vmem_shared>> -> memref<16x128xf32, #tpu.memory_space<vmem_shared>>
        %dma_start3A_88 = arith.constant 9984 : i32
        %dma_start3A_89 = arith.constant 0 : i32
        %dma_start3A_90 = tpu.memref_slice %arg16[%dma_start3A_88, %dma_start3A_89] : memref<10000x128xf32, #tpu.memory_space<vmem_shared>> -> memref<16x128xf32, #tpu.memory_space<vmem_shared>>
        %dma_start3A_91 = arith.constant 0 : i32
        %dma_start3A_92 = arith.constant 0 : i32
        %dma_start3A_93 = tpu.memref_slice %arg10[%dma_start3A_91, %dma_start3A_92] : memref<64x128xf32, #tpu.memory_space<vmem>> -> memref<16x128xf32, #tpu.memory_space<vmem>>
        tpu.enqueue_dma source(%dma_start3A_93 : memref<16x128xf32, #tpu.memory_space<vmem>>) target(%dma_start3A_90 : memref<16x128xf32, #tpu.memory_space<vmem_shared>>) target_semaphore(%run_scoped3A : memref<!tpu.dma_semaphore, #tpu.memory_space<semaphore_mem>>)
        %dma_wait3A_94 = arith.constant 0 : i32
        %dma_wait3A_95 = arith.constant 0 : i32
        %dma_wait3A_96 = tpu.memref_slice %arg10[%dma_wait3A_94, %dma_wait3A_95] : memref<64x128xf32, #tpu.memory_space<vmem>> -> memref<16x128xf32, #tpu.memory_space<vmem>>
        %dma_wait3A_97 = arith.constant 9984 : i32
        %dma_wait3A_98 = arith.constant 0 : i32
        %dma_wait3A_99 = tpu.memref_slice %arg16[%dma_wait3A_97, %dma_wait3A_98] : memref<10000x128xf32, #tpu.memory_space<vmem_shared>> -> memref<16x128xf32, #tpu.memory_space<vmem_shared>>
        %dma_wait3A_100 = arith.constant 9984 : i32
        %dma_wait3A_101 = arith.constant 0 : i32
        %dma_wait3A_102 = tpu.memref_slice %arg16[%dma_wait3A_100, %dma_wait3A_101] : memref<10000x128xf32, #tpu.memory_space<vmem_shared>> -> memref<16x128xf32, #tpu.memory_space<vmem_shared>>
        %dma_wait3A_103 = arith.constant 0 : i32
        %dma_wait3A_104 = arith.constant 0 : i32
        %dma_wait3A_105 = tpu.memref_slice %arg10[%dma_wait3A_103, %dma_wait3A_104] : memref<64x128xf32, #tpu.memory_space<vmem>> -> memref<16x128xf32, #tpu.memory_space<vmem>>
        tpu.wait_dma2 semaphore(%run_scoped3A : memref<!tpu.dma_semaphore, #tpu.memory_space<semaphore_mem>>) src(%dma_wait3A_105 : memref<16x128xf32, #tpu.memory_space<vmem>>) dst(%dma_wait3A_102 : memref<16x128xf32, #tpu.memory_space<vmem_shared>>)
        tpu.yield
      }) : () -> ()
    } else {
    }
    %barrier3A = arith.constant 0 : index
    tpu.barrier barrier_id(%barrier3A)
    %scan3A_48 = arith.constant 0 : i32
    %scan3A_49 = arith.constant 39 : i32
    %scan3A_50 = arith.addi %scan3A_48, %scan3A_49 : i32
    %scan3A_51 = arith.constant 1 : i32
    scf.for %scan3A_82 = %scan3A_48 to %scan3A_50 step %scan3A_51  : i32 {
      %mul3A_83 = arith.constant 1 : i32
      %mul3A_84 = arith.muli %scan3A_82, %mul3A_83 : i32
      %add3A_85 = arith.constant 0 : i32
      %add3A_86 = arith.addi %add3A_85, %mul3A_84 : i32
      %mul3A_87 = arith.constant 4 : i32
      %mul3A_88 = arith.muli %add3A_86, %mul3A_87 : i32
      %add3A_89 = arith.constant 0 : i32
      %add3A_90 = arith.addi %mul3A_88, %add3A_89 : i32
      %dma_wait3A_91 = arith.constant 0 : i32
      %dma_wait3A_92 = arith.constant 0 : i32
      %dma_wait3A_93 = tpu.memref_slice %arg2[%dma_wait3A_91, %dma_wait3A_92] : memref<10000x128xf32, #tpu.memory_space<hbm>> -> memref<64x128xf32, #tpu.memory_space<hbm>>
      %dma_wait3A_94 = arith.constant 0 : i32
      %dma_wait3A_95 = arith.constant 0 : i32
      %dma_wait3A_96 = tpu.memref_slice %arg2[%dma_wait3A_94, %dma_wait3A_95] : memref<10000x128xf32, #tpu.memory_space<hbm>> -> memref<64x128xf32, #tpu.memory_space<hbm>>
      tpu.wait_dma2 semaphore(%arg17 : memref<!tpu.dma_semaphore, #tpu.memory_space<semaphore_mem>>) src(%dma_wait3A_96 : memref<64x128xf32, #tpu.memory_space<hbm>>) dst(%arg7 : memref<64x128xf32, #tpu.memory_space<vmem>>)
      %ge3A = arith.constant 1 : i32
      %ge3A_97 = arith.cmpi sge, %add3A_90, %ge3A : i32
      %convert_element_type3A_98 = arith.extui %ge3A_97 : i1 to i32
      %cond3A_99 = arith.constant 0 : i32
      %cond3A_100 = arith.cmpi ne, %convert_element_type3A_98, %cond3A_99 : i32
      scf.if %cond3A_100 {
        %dma_wait3A_205 = arith.constant 0 : i32
        %dma_wait3A_206 = arith.constant 0 : i32
        %dma_wait3A_207 = tpu.memref_slice %arg2[%dma_wait3A_205, %dma_wait3A_206] : memref<10000x128xf32, #tpu.memory_space<hbm>> -> memref<64x128xf32, #tpu.memory_space<hbm>>
        %dma_wait3A_208 = arith.constant 0 : i32
        %dma_wait3A_209 = arith.constant 0 : i32
        %dma_wait3A_210 = tpu.memref_slice %arg2[%dma_wait3A_208, %dma_wait3A_209] : memref<10000x128xf32, #tpu.memory_space<hbm>> -> memref<64x128xf32, #tpu.memory_space<hbm>>
        tpu.wait_dma2 semaphore(%arg18 : memref<!tpu.dma_semaphore, #tpu.memory_space<semaphore_mem>>) src(%dma_wait3A_210 : memref<64x128xf32, #tpu.memory_space<hbm>>) dst(%arg10 : memref<64x128xf32, #tpu.memory_space<vmem>>)
      } else {
      }
      %add3A_101 = arith.constant 4 : i32
      %add3A_102 = arith.addi %add3A_90, %add3A_101 : i32
      %sub3A = arith.constant 1 : i32
      %sub3A_103 = arith.subi %add3A_102, %sub3A : i32
      %lt3A = arith.constant 156 : i32
      %lt3A_104 = arith.cmpi slt, %sub3A_103, %lt3A : i32
      %convert_element_type3A_105 = arith.extui %lt3A_104 : i1 to i32
      %cond3A_106 = arith.constant 0 : i32
      %cond3A_107 = arith.cmpi ne, %convert_element_type3A_105, %cond3A_106 : i32
      scf.if %cond3A_107 {
        %add3A_205 = arith.constant 4 : i32
        %add3A_206 = arith.addi %add3A_90, %add3A_205 : i32
        %sub3A_207 = arith.constant 1 : i32
        %sub3A_208 = arith.subi %add3A_206, %sub3A_207 : i32
        %mul3A_209 = arith.constant 64 : i32
        %mul3A_210 = arith.muli %sub3A_208, %mul3A_209 : i32
        %dma_start3A_211 = tpu.memref_slice %arg6[%mul3A_210] : memref<10000xi32, #tpu.memory_space<vmem>> -> memref<64xi32, #tpu.memory_space<vmem>>
        %dma_start3A_212 = arith.constant 0 : i32
        %dma_start3A_213 = arith.constant 0 : i32
        %dma_start3A_214 = tpu.memref_slice %arg2[%dma_start3A_212, %dma_start3A_213] : memref<10000x128xf32, #tpu.memory_space<hbm>> -> memref<10000x128xf32, #tpu.memory_space<hbm>>
        tpu.enqueue_indirect_dma source(%dma_start3A_214 : memref<10000x128xf32, #tpu.memory_space<hbm>>) target(%arg10 : memref<64x128xf32, #tpu.memory_space<vmem>>) offsets(%dma_start3A_211 : memref<64xi32, #tpu.memory_space<vmem>>) semaphore(%arg17 : memref<!tpu.dma_semaphore, #tpu.memory_space<semaphore_mem>>)
        %mul3A_215 = arith.constant 64 : i32
        %mul3A_216 = arith.muli %sub3A_208, %mul3A_215 : i32
        %add3A_217 = arith.addi %mul3A_2, %mul3A_216 : i32
        %dma_start3A_218 = tpu.memref_slice %arg4[%add3A_217] : memref<320000xi32, #tpu.memory_space<hbm>> -> memref<64xi32, #tpu.memory_space<hbm>>
        %dma_start3A_219 = tpu.memref_slice %arg4[%add3A_217] : memref<320000xi32, #tpu.memory_space<hbm>> -> memref<64xi32, #tpu.memory_space<hbm>>
        tpu.enqueue_dma source(%dma_start3A_219 : memref<64xi32, #tpu.memory_space<hbm>>) target(%arg14 : memref<64xi32, #tpu.memory_space<vmem>>) target_semaphore(%arg19 : memref<!tpu.dma_semaphore, #tpu.memory_space<semaphore_mem>>)
      } else {
      }
      %dma_wait3A_108 = arith.constant 0 : i32
      %dma_wait3A_109 = tpu.memref_slice %arg4[%dma_wait3A_108] : memref<320000xi32, #tpu.memory_space<hbm>> -> memref<64xi32, #tpu.memory_space<hbm>>
      %dma_wait3A_110 = arith.constant 0 : i32
      %dma_wait3A_111 = tpu.memref_slice %arg4[%dma_wait3A_110] : memref<320000xi32, #tpu.memory_space<hbm>> -> memref<64xi32, #tpu.memory_space<hbm>>
      tpu.wait_dma2 semaphore(%arg19 : memref<!tpu.dma_semaphore, #tpu.memory_space<semaphore_mem>>) src(%dma_wait3A_111 : memref<64xi32, #tpu.memory_space<hbm>>) dst(%arg11 : memref<64xi32, #tpu.memory_space<vmem>>)
      %dma_start3A_112 = arith.constant 0 : i32
      %dma_start3A_113 = arith.constant 0 : i32
      %dma_start3A_114 = tpu.memref_slice %arg16[%dma_start3A_112, %dma_start3A_113] : memref<10000x128xf32, #tpu.memory_space<vmem_shared>> -> memref<10000x128xf32, #tpu.memory_space<vmem_shared>>
      tpu.enqueue_indirect_dma source(%arg7 : memref<64x128xf32, #tpu.memory_space<vmem>>) target(%dma_start3A_114 : memref<10000x128xf32, #tpu.memory_space<vmem_shared>>) offsets(%arg11 : memref<64xi32, #tpu.memory_space<vmem>>) semaphore(%arg18 : memref<!tpu.dma_semaphore, #tpu.memory_space<semaphore_mem>>) {add = true}
      %add3A_115 = arith.constant 1 : i32
      %add3A_116 = arith.addi %mul3A_88, %add3A_115 : i32
      %dma_wait3A_117 = arith.constant 0 : i32
      %dma_wait3A_118 = arith.constant 0 : i32
      %dma_wait3A_119 = tpu.memref_slice %arg2[%dma_wait3A_117, %dma_wait3A_118] : memref<10000x128xf32, #tpu.memory_space<hbm>> -> memref<64x128xf32, #tpu.memory_space<hbm>>
      %dma_wait3A_120 = arith.constant 0 : i32
      %dma_wait3A_121 = arith.constant 0 : i32
      %dma_wait3A_122 = tpu.memref_slice %arg2[%dma_wait3A_120, %dma_wait3A_121] : memref<10000x128xf32, #tpu.memory_space<hbm>> -> memref<64x128xf32, #tpu.memory_space<hbm>>
      tpu.wait_dma2 semaphore(%arg17 : memref<!tpu.dma_semaphore, #tpu.memory_space<semaphore_mem>>) src(%dma_wait3A_122 : memref<64x128xf32, #tpu.memory_space<hbm>>) dst(%arg8 : memref<64x128xf32, #tpu.memory_space<vmem>>)
      %dma_wait3A_123 = arith.constant 0 : i32
      %dma_wait3A_124 = arith.constant 0 : i32
      %dma_wait3A_125 = tpu.memref_slice %arg2[%dma_wait3A_123, %dma_wait3A_124] : memref<10000x128xf32, #tpu.memory_space<hbm>> -> memref<64x128xf32, #tpu.memory_space<hbm>>
      %dma_wait3A_126 = arith.constant 0 : i32
      %dma_wait3A_127 = arith.constant 0 : i32
      %dma_wait3A_128 = tpu.memref_slice %arg2[%dma_wait3A_126, %dma_wait3A_127] : memref<10000x128xf32, #tpu.memory_space<hbm>> -> memref<64x128xf32, #tpu.memory_space<hbm>>
      tpu.wait_dma2 semaphore(%arg18 : memref<!tpu.dma_semaphore, #tpu.memory_space<semaphore_mem>>) src(%dma_wait3A_128 : memref<64x128xf32, #tpu.memory_space<hbm>>) dst(%arg7 : memref<64x128xf32, #tpu.memory_space<vmem>>)
      %add3A_129 = arith.constant 4 : i32
      %add3A_130 = arith.addi %add3A_116, %add3A_129 : i32
      %sub3A_131 = arith.constant 1 : i32
      %sub3A_132 = arith.subi %add3A_130, %sub3A_131 : i32
      %lt3A_133 = arith.constant 156 : i32
      %lt3A_134 = arith.cmpi slt, %sub3A_132, %lt3A_133 : i32
      %convert_element_type3A_135 = arith.extui %lt3A_134 : i1 to i32
      %cond3A_136 = arith.constant 0 : i32
      %cond3A_137 = arith.cmpi ne, %convert_element_type3A_135, %cond3A_136 : i32
      scf.if %cond3A_137 {
        %add3A_205 = arith.constant 4 : i32
        %add3A_206 = arith.addi %add3A_116, %add3A_205 : i32
        %sub3A_207 = arith.constant 1 : i32
        %sub3A_208 = arith.subi %add3A_206, %sub3A_207 : i32
        %mul3A_209 = arith.constant 64 : i32
        %mul3A_210 = arith.muli %sub3A_208, %mul3A_209 : i32
        %dma_start3A_211 = tpu.memref_slice %arg6[%mul3A_210] : memref<10000xi32, #tpu.memory_space<vmem>> -> memref<64xi32, #tpu.memory_space<vmem>>
        %dma_start3A_212 = arith.constant 0 : i32
        %dma_start3A_213 = arith.constant 0 : i32
        %dma_start3A_214 = tpu.memref_slice %arg2[%dma_start3A_212, %dma_start3A_213] : memref<10000x128xf32, #tpu.memory_space<hbm>> -> memref<10000x128xf32, #tpu.memory_space<hbm>>
        tpu.enqueue_indirect_dma source(%dma_start3A_214 : memref<10000x128xf32, #tpu.memory_space<hbm>>) target(%arg7 : memref<64x128xf32, #tpu.memory_space<vmem>>) offsets(%dma_start3A_211 : memref<64xi32, #tpu.memory_space<vmem>>) semaphore(%arg17 : memref<!tpu.dma_semaphore, #tpu.memory_space<semaphore_mem>>)
        %mul3A_215 = arith.constant 64 : i32
        %mul3A_216 = arith.muli %sub3A_208, %mul3A_215 : i32
        %add3A_217 = arith.addi %mul3A_2, %mul3A_216 : i32
        %dma_start3A_218 = tpu.memref_slice %arg4[%add3A_217] : memref<320000xi32, #tpu.memory_space<hbm>> -> memref<64xi32, #tpu.memory_space<hbm>>
        %dma_start3A_219 = tpu.memref_slice %arg4[%add3A_217] : memref<320000xi32, #tpu.memory_space<hbm>> -> memref<64xi32, #tpu.memory_space<hbm>>
        tpu.enqueue_dma source(%dma_start3A_219 : memref<64xi32, #tpu.memory_space<hbm>>) target(%arg11 : memref<64xi32, #tpu.memory_space<vmem>>) target_semaphore(%arg19 : memref<!tpu.dma_semaphore, #tpu.memory_space<semaphore_mem>>)
      } else {
      }
      %dma_wait3A_138 = arith.constant 0 : i32
      %dma_wait3A_139 = tpu.memref_slice %arg4[%dma_wait3A_138] : memref<320000xi32, #tpu.memory_space<hbm>> -> memref<64xi32, #tpu.memory_space<hbm>>
      %dma_wait3A_140 = arith.constant 0 : i32
      %dma_wait3A_141 = tpu.memref_slice %arg4[%dma_wait3A_140] : memref<320000xi32, #tpu.memory_space<hbm>> -> memref<64xi32, #tpu.memory_space<hbm>>
      tpu.wait_dma2 semaphore(%arg19 : memref<!tpu.dma_semaphore, #tpu.memory_space<semaphore_mem>>) src(%dma_wait3A_141 : memref<64xi32, #tpu.memory_space<hbm>>) dst(%arg12 : memref<64xi32, #tpu.memory_space<vmem>>)
      %dma_start3A_142 = arith.constant 0 : i32
      %dma_start3A_143 = arith.constant 0 : i32
      %dma_start3A_144 = tpu.memref_slice %arg16[%dma_start3A_142, %dma_start3A_143] : memref<10000x128xf32, #tpu.memory_space<vmem_shared>> -> memref<10000x128xf32, #tpu.memory_space<vmem_shared>>
      tpu.enqueue_indirect_dma source(%arg8 : memref<64x128xf32, #tpu.memory_space<vmem>>) target(%dma_start3A_144 : memref<10000x128xf32, #tpu.memory_space<vmem_shared>>) offsets(%arg12 : memref<64xi32, #tpu.memory_space<vmem>>) semaphore(%arg18 : memref<!tpu.dma_semaphore, #tpu.memory_space<semaphore_mem>>) {add = true}
      %add3A_145 = arith.constant 2 : i32
      %add3A_146 = arith.addi %mul3A_88, %add3A_145 : i32
      %dma_wait3A_147 = arith.constant 0 : i32
      %dma_wait3A_148 = arith.constant 0 : i32
      %dma_wait3A_149 = tpu.memref_slice %arg2[%dma_wait3A_147, %dma_wait3A_148] : memref<10000x128xf32, #tpu.memory_space<hbm>> -> memref<64x128xf32, #tpu.memory_space<hbm>>
      %dma_wait3A_150 = arith.constant 0 : i32
      %dma_wait3A_151 = arith.constant 0 : i32
      %dma_wait3A_152 = tpu.memref_slice %arg2[%dma_wait3A_150, %dma_wait3A_151] : memref<10000x128xf32, #tpu.memory_space<hbm>> -> memref<64x128xf32, #tpu.memory_space<hbm>>
      tpu.wait_dma2 semaphore(%arg17 : memref<!tpu.dma_semaphore, #tpu.memory_space<semaphore_mem>>) src(%dma_wait3A_152 : memref<64x128xf32, #tpu.memory_space<hbm>>) dst(%arg9 : memref<64x128xf32, #tpu.memory_space<vmem>>)
      %dma_wait3A_153 = arith.constant 0 : i32
      %dma_wait3A_154 = arith.constant 0 : i32
      %dma_wait3A_155 = tpu.memref_slice %arg2[%dma_wait3A_153, %dma_wait3A_154] : memref<10000x128xf32, #tpu.memory_space<hbm>> -> memref<64x128xf32, #tpu.memory_space<hbm>>
      %dma_wait3A_156 = arith.constant 0 : i32
      %dma_wait3A_157 = arith.constant 0 : i32
      %dma_wait3A_158 = tpu.memref_slice %arg2[%dma_wait3A_156, %dma_wait3A_157] : memref<10000x128xf32, #tpu.memory_space<hbm>> -> memref<64x128xf32, #tpu.memory_space<hbm>>
      tpu.wait_dma2 semaphore(%arg18 : memref<!tpu.dma_semaphore, #tpu.memory_space<semaphore_mem>>) src(%dma_wait3A_158 : memref<64x128xf32, #tpu.memory_space<hbm>>) dst(%arg8 : memref<64x128xf32, #tpu.memory_space<vmem>>)
      %add3A_159 = arith.constant 4 : i32
      %add3A_160 = arith.addi %add3A_146, %add3A_159 : i32
      %sub3A_161 = arith.constant 1 : i32
      %sub3A_162 = arith.subi %add3A_160, %sub3A_161 : i32
      %lt3A_163 = arith.constant 156 : i32
      %lt3A_164 = arith.cmpi slt, %sub3A_162, %lt3A_163 : i32
      %convert_element_type3A_165 = arith.extui %lt3A_164 : i1 to i32
      %cond3A_166 = arith.constant 0 : i32
      %cond3A_167 = arith.cmpi ne, %convert_element_type3A_165, %cond3A_166 : i32
      scf.if %cond3A_167 {
        %add3A_205 = arith.constant 4 : i32
        %add3A_206 = arith.addi %add3A_146, %add3A_205 : i32
        %sub3A_207 = arith.constant 1 : i32
        %sub3A_208 = arith.subi %add3A_206, %sub3A_207 : i32
        %mul3A_209 = arith.constant 64 : i32
        %mul3A_210 = arith.muli %sub3A_208, %mul3A_209 : i32
        %dma_start3A_211 = tpu.memref_slice %arg6[%mul3A_210] : memref<10000xi32, #tpu.memory_space<vmem>> -> memref<64xi32, #tpu.memory_space<vmem>>
        %dma_start3A_212 = arith.constant 0 : i32
        %dma_start3A_213 = arith.constant 0 : i32
        %dma_start3A_214 = tpu.memref_slice %arg2[%dma_start3A_212, %dma_start3A_213] : memref<10000x128xf32, #tpu.memory_space<hbm>> -> memref<10000x128xf32, #tpu.memory_space<hbm>>
        tpu.enqueue_indirect_dma source(%dma_start3A_214 : memref<10000x128xf32, #tpu.memory_space<hbm>>) target(%arg8 : memref<64x128xf32, #tpu.memory_space<vmem>>) offsets(%dma_start3A_211 : memref<64xi32, #tpu.memory_space<vmem>>) semaphore(%arg17 : memref<!tpu.dma_semaphore, #tpu.memory_space<semaphore_mem>>)
        %mul3A_215 = arith.constant 64 : i32
        %mul3A_216 = arith.muli %sub3A_208, %mul3A_215 : i32
        %add3A_217 = arith.addi %mul3A_2, %mul3A_216 : i32
        %dma_start3A_218 = tpu.memref_slice %arg4[%add3A_217] : memref<320000xi32, #tpu.memory_space<hbm>> -> memref<64xi32, #tpu.memory_space<hbm>>
        %dma_start3A_219 = tpu.memref_slice %arg4[%add3A_217] : memref<320000xi32, #tpu.memory_space<hbm>> -> memref<64xi32, #tpu.memory_space<hbm>>
        tpu.enqueue_dma source(%dma_start3A_219 : memref<64xi32, #tpu.memory_space<hbm>>) target(%arg12 : memref<64xi32, #tpu.memory_space<vmem>>) target_semaphore(%arg19 : memref<!tpu.dma_semaphore, #tpu.memory_space<semaphore_mem>>)
      } else {
      }
      %dma_wait3A_168 = arith.constant 0 : i32
      %dma_wait3A_169 = tpu.memref_slice %arg4[%dma_wait3A_168] : memref<320000xi32, #tpu.memory_space<hbm>> -> memref<64xi32, #tpu.memory_space<hbm>>
      %dma_wait3A_170 = arith.constant 0 : i32
      %dma_wait3A_171 = tpu.memref_slice %arg4[%dma_wait3A_170] : memref<320000xi32, #tpu.memory_space<hbm>> -> memref<64xi32, #tpu.memory_space<hbm>>
      tpu.wait_dma2 semaphore(%arg19 : memref<!tpu.dma_semaphore, #tpu.memory_space<semaphore_mem>>) src(%dma_wait3A_171 : memref<64xi32, #tpu.memory_space<hbm>>) dst(%arg13 : memref<64xi32, #tpu.memory_space<vmem>>)
      %dma_start3A_172 = arith.constant 0 : i32
      %dma_start3A_173 = arith.constant 0 : i32
      %dma_start3A_174 = tpu.memref_slice %arg16[%dma_start3A_172, %dma_start3A_173] : memref<10000x128xf32, #tpu.memory_space<vmem_shared>> -> memref<10000x128xf32, #tpu.memory_space<vmem_shared>>
      tpu.enqueue_indirect_dma source(%arg9 : memref<64x128xf32, #tpu.memory_space<vmem>>) target(%dma_start3A_174 : memref<10000x128xf32, #tpu.memory_space<vmem_shared>>) offsets(%arg13 : memref<64xi32, #tpu.memory_space<vmem>>) semaphore(%arg18 : memref<!tpu.dma_semaphore, #tpu.memory_space<semaphore_mem>>) {add = true}
      %add3A_175 = arith.constant 3 : i32
      %add3A_176 = arith.addi %mul3A_88, %add3A_175 : i32
      %dma_wait3A_177 = arith.constant 0 : i32
      %dma_wait3A_178 = arith.constant 0 : i32
      %dma_wait3A_179 = tpu.memref_slice %arg2[%dma_wait3A_177, %dma_wait3A_178] : memref<10000x128xf32, #tpu.memory_space<hbm>> -> memref<64x128xf32, #tpu.memory_space<hbm>>
      %dma_wait3A_180 = arith.constant 0 : i32
      %dma_wait3A_181 = arith.constant 0 : i32
      %dma_wait3A_182 = tpu.memref_slice %arg2[%dma_wait3A_180, %dma_wait3A_181] : memref<10000x128xf32, #tpu.memory_space<hbm>> -> memref<64x128xf32, #tpu.memory_space<hbm>>
      tpu.wait_dma2 semaphore(%arg17 : memref<!tpu.dma_semaphore, #tpu.memory_space<semaphore_mem>>) src(%dma_wait3A_182 : memref<64x128xf32, #tpu.memory_space<hbm>>) dst(%arg10 : memref<64x128xf32, #tpu.memory_space<vmem>>)
      %dma_wait3A_183 = arith.constant 0 : i32
      %dma_wait3A_184 = arith.constant 0 : i32
      %dma_wait3A_185 = tpu.memref_slice %arg2[%dma_wait3A_183, %dma_wait3A_184] : memref<10000x128xf32, #tpu.memory_space<hbm>> -> memref<64x128xf32, #tpu.memory_space<hbm>>
      %dma_wait3A_186 = arith.constant 0 : i32
      %dma_wait3A_187 = arith.constant 0 : i32
      %dma_wait3A_188 = tpu.memref_slice %arg2[%dma_wait3A_186, %dma_wait3A_187] : memref<10000x128xf32, #tpu.memory_space<hbm>> -> memref<64x128xf32, #tpu.memory_space<hbm>>
      tpu.wait_dma2 semaphore(%arg18 : memref<!tpu.dma_semaphore, #tpu.memory_space<semaphore_mem>>) src(%dma_wait3A_188 : memref<64x128xf32, #tpu.memory_space<hbm>>) dst(%arg9 : memref<64x128xf32, #tpu.memory_space<vmem>>)
      %add3A_189 = arith.constant 4 : i32
      %add3A_190 = arith.addi %add3A_176, %add3A_189 : i32
      %sub3A_191 = arith.constant 1 : i32
      %sub3A_192 = arith.subi %add3A_190, %sub3A_191 : i32
      %lt3A_193 = arith.constant 156 : i32
      %lt3A_194 = arith.cmpi slt, %sub3A_192, %lt3A_193 : i32
      %convert_element_type3A_195 = arith.extui %lt3A_194 : i1 to i32
      %cond3A_196 = arith.constant 0 : i32
      %cond3A_197 = arith.cmpi ne, %convert_element_type3A_195, %cond3A_196 : i32
      scf.if %cond3A_197 {
        %add3A_205 = arith.constant 4 : i32
        %add3A_206 = arith.addi %add3A_176, %add3A_205 : i32
        %sub3A_207 = arith.constant 1 : i32
        %sub3A_208 = arith.subi %add3A_206, %sub3A_207 : i32
        %mul3A_209 = arith.constant 64 : i32
        %mul3A_210 = arith.muli %sub3A_208, %mul3A_209 : i32
        %dma_start3A_211 = tpu.memref_slice %arg6[%mul3A_210] : memref<10000xi32, #tpu.memory_space<vmem>> -> memref<64xi32, #tpu.memory_space<vmem>>
        %dma_start3A_212 = arith.constant 0 : i32
        %dma_start3A_213 = arith.constant 0 : i32
        %dma_start3A_214 = tpu.memref_slice %arg2[%dma_start3A_212, %dma_start3A_213] : memref<10000x128xf32, #tpu.memory_space<hbm>> -> memref<10000x128xf32, #tpu.memory_space<hbm>>
        tpu.enqueue_indirect_dma source(%dma_start3A_214 : memref<10000x128xf32, #tpu.memory_space<hbm>>) target(%arg9 : memref<64x128xf32, #tpu.memory_space<vmem>>) offsets(%dma_start3A_211 : memref<64xi32, #tpu.memory_space<vmem>>) semaphore(%arg17 : memref<!tpu.dma_semaphore, #tpu.memory_space<semaphore_mem>>)
        %mul3A_215 = arith.constant 64 : i32
        %mul3A_216 = arith.muli %sub3A_208, %mul3A_215 : i32
        %add3A_217 = arith.addi %mul3A_2, %mul3A_216 : i32
        %dma_start3A_218 = tpu.memref_slice %arg4[%add3A_217] : memref<320000xi32, #tpu.memory_space<hbm>> -> memref<64xi32, #tpu.memory_space<hbm>>
        %dma_start3A_219 = tpu.memref_slice %arg4[%add3A_217] : memref<320000xi32, #tpu.memory_space<hbm>> -> memref<64xi32, #tpu.memory_space<hbm>>
        tpu.enqueue_dma source(%dma_start3A_219 : memref<64xi32, #tpu.memory_space<hbm>>) target(%arg13 : memref<64xi32, #tpu.memory_space<vmem>>) target_semaphore(%arg19 : memref<!tpu.dma_semaphore, #tpu.memory_space<semaphore_mem>>)
      } else {
      }
      %dma_wait3A_198 = arith.constant 0 : i32
      %dma_wait3A_199 = tpu.memref_slice %arg4[%dma_wait3A_198] : memref<320000xi32, #tpu.memory_space<hbm>> -> memref<64xi32, #tpu.memory_space<hbm>>
      %dma_wait3A_200 = arith.constant 0 : i32
      %dma_wait3A_201 = tpu.memref_slice %arg4[%dma_wait3A_200] : memref<320000xi32, #tpu.memory_space<hbm>> -> memref<64xi32, #tpu.memory_space<hbm>>
      tpu.wait_dma2 semaphore(%arg19 : memref<!tpu.dma_semaphore, #tpu.memory_space<semaphore_mem>>) src(%dma_wait3A_201 : memref<64xi32, #tpu.memory_space<hbm>>) dst(%arg14 : memref<64xi32, #tpu.memory_space<vmem>>)
      %dma_start3A_202 = arith.constant 0 : i32
      %dma_start3A_203 = arith.constant 0 : i32
      %dma_start3A_204 = tpu.memref_slice %arg16[%dma_start3A_202, %dma_start3A_203] : memref<10000x128xf32, #tpu.memory_space<vmem_shared>> -> memref<10000x128xf32, #tpu.memory_space<vmem_shared>>
      tpu.enqueue_indirect_dma source(%arg10 : memref<64x128xf32, #tpu.memory_space<vmem>>) target(%dma_start3A_204 : memref<10000x128xf32, #tpu.memory_space<vmem_shared>>) offsets(%arg14 : memref<64xi32, #tpu.memory_space<vmem>>) semaphore(%arg18 : memref<!tpu.dma_semaphore, #tpu.memory_space<semaphore_mem>>) {add = true}
    }
    %scan3A_52 = arith.constant 39 : i32
    %dma_wait3A = arith.constant 0 : i32
    %dma_wait3A_53 = arith.constant 0 : i32
    %dma_wait3A_54 = tpu.memref_slice %arg2[%dma_wait3A, %dma_wait3A_53] : memref<10000x128xf32, #tpu.memory_space<hbm>> -> memref<64x128xf32, #tpu.memory_space<hbm>>
    %dma_wait3A_55 = arith.constant 0 : i32
    %dma_wait3A_56 = arith.constant 0 : i32
    %dma_wait3A_57 = tpu.memref_slice %arg2[%dma_wait3A_55, %dma_wait3A_56] : memref<10000x128xf32, #tpu.memory_space<hbm>> -> memref<64x128xf32, #tpu.memory_space<hbm>>
    tpu.wait_dma2 semaphore(%arg18 : memref<!tpu.dma_semaphore, #tpu.memory_space<semaphore_mem>>) src(%dma_wait3A_57 : memref<64x128xf32, #tpu.memory_space<hbm>>) dst(%arg10 : memref<64x128xf32, #tpu.memory_space<vmem>>)
    %add3A_58 = arith.constant 9984 : i32
    %add3A_59 = arith.addi %mul3A_2, %add3A_58 : i32
    "tpu.region"() ({
      %run_scoped3A = tpu.sem_alloc : memref<!tpu.dma_semaphore, #tpu.memory_space<semaphore_mem>>
      %dma_start3A_82 = tpu.memref_slice %arg4[%add3A_59] : memref<320000xi32, #tpu.memory_space<hbm>> -> memref<16xi32, #tpu.memory_space<hbm>>
      %dma_start3A_83 = tpu.memref_slice %arg4[%add3A_59] : memref<320000xi32, #tpu.memory_space<hbm>> -> memref<16xi32, #tpu.memory_space<hbm>>
      tpu.enqueue_dma source(%dma_start3A_83 : memref<16xi32, #tpu.memory_space<hbm>>) target(%arg15 : memref<16xi32, #tpu.memory_space<vmem>>) target_semaphore(%run_scoped3A : memref<!tpu.dma_semaphore, #tpu.memory_space<semaphore_mem>>)
      %dma_wait3A_84 = tpu.memref_slice %arg4[%add3A_59] : memref<320000xi32, #tpu.memory_space<hbm>> -> memref<16xi32, #tpu.memory_space<hbm>>
      %dma_wait3A_85 = tpu.memref_slice %arg4[%add3A_59] : memref<320000xi32, #tpu.memory_space<hbm>> -> memref<16xi32, #tpu.memory_space<hbm>>
      tpu.wait_dma2 semaphore(%run_scoped3A : memref<!tpu.dma_semaphore, #tpu.memory_space<semaphore_mem>>) src(%dma_wait3A_85 : memref<16xi32, #tpu.memory_space<hbm>>) dst(%arg15 : memref<16xi32, #tpu.memory_space<vmem>>)
      tpu.yield
    }) : () -> ()
    %dma_start3A_60 = arith.constant 0 : i32
    %dma_start3A_61 = arith.constant 0 : i32
    %dma_start3A_62 = tpu.memref_slice %arg7[%dma_start3A_60, %dma_start3A_61] : memref<64x128xf32, #tpu.memory_space<vmem>> -> memref<16x128xf32, #tpu.memory_space<vmem>>
    %dma_start3A_63 = arith.constant 9984 : i32
    %dma_start3A_64 = tpu.memref_slice %arg6[%dma_start3A_63] : memref<10000xi32, #tpu.memory_space<vmem>> -> memref<16xi32, #tpu.memory_space<vmem>>
    %dma_start3A_65 = arith.constant 0 : i32
    %dma_start3A_66 = arith.constant 0 : i32
    %dma_start3A_67 = tpu.memref_slice %arg2[%dma_start3A_65, %dma_start3A_66] : memref<10000x128xf32, #tpu.memory_space<hbm>> -> memref<10000x128xf32, #tpu.memory_space<hbm>>
    tpu.enqueue_indirect_dma source(%dma_start3A_67 : memref<10000x128xf32, #tpu.memory_space<hbm>>) target(%dma_start3A_62 : memref<16x128xf32, #tpu.memory_space<vmem>>) offsets(%dma_start3A_64 : memref<16xi32, #tpu.memory_space<vmem>>) semaphore(%arg17 : memref<!tpu.dma_semaphore, #tpu.memory_space<semaphore_mem>>)
    %dma_wait3A_68 = arith.constant 0 : i32
    %dma_wait3A_69 = arith.constant 0 : i32
    %dma_wait3A_70 = tpu.memref_slice %arg7[%dma_wait3A_68, %dma_wait3A_69] : memref<64x128xf32, #tpu.memory_space<vmem>> -> memref<16x128xf32, #tpu.memory_space<vmem>>
    %dma_wait3A_71 = arith.constant 9984 : i32
    %dma_wait3A_72 = tpu.memref_slice %arg6[%dma_wait3A_71] : memref<10000xi32, #tpu.memory_space<vmem>> -> memref<16xi32, #tpu.memory_space<vmem>>
    %dma_wait3A_73 = arith.constant 0 : i32
    %dma_wait3A_74 = arith.constant 0 : i32
    %dma_wait3A_75 = tpu.memref_slice %arg2[%dma_wait3A_73, %dma_wait3A_74] : memref<10000x128xf32, #tpu.memory_space<hbm>> -> memref<10000x128xf32, #tpu.memory_space<hbm>>
    tpu.wait_indirect_dma semaphore(%arg17 : memref<!tpu.dma_semaphore, #tpu.memory_space<semaphore_mem>>) src(%dma_wait3A_75 : memref<10000x128xf32, #tpu.memory_space<hbm>>) dst(%dma_wait3A_70 : memref<16x128xf32, #tpu.memory_space<vmem>>)
    "tpu.region"() ({
      %run_scoped3A = tpu.sem_alloc : memref<!tpu.dma_semaphore, #tpu.memory_space<semaphore_mem>>
      %dma_start3A_82 = arith.constant 0 : i32
      %dma_start3A_83 = arith.constant 0 : i32
      %dma_start3A_84 = tpu.memref_slice %arg7[%dma_start3A_82, %dma_start3A_83] : memref<64x128xf32, #tpu.memory_space<vmem>> -> memref<16x128xf32, #tpu.memory_space<vmem>>
      %dma_start3A_85 = arith.constant 0 : i32
      %dma_start3A_86 = arith.constant 0 : i32
      %dma_start3A_87 = tpu.memref_slice %arg16[%dma_start3A_85, %dma_start3A_86] : memref<10000x128xf32, #tpu.memory_space<vmem_shared>> -> memref<10000x128xf32, #tpu.memory_space<vmem_shared>>
      tpu.enqueue_indirect_dma source(%dma_start3A_84 : memref<16x128xf32, #tpu.memory_space<vmem>>) target(%dma_start3A_87 : memref<10000x128xf32, #tpu.memory_space<vmem_shared>>) offsets(%arg15 : memref<16xi32, #tpu.memory_space<vmem>>) semaphore(%run_scoped3A : memref<!tpu.dma_semaphore, #tpu.memory_space<semaphore_mem>>) {add = true}
      %dma_wait3A_88 = arith.constant 0 : i32
      %dma_wait3A_89 = arith.constant 0 : i32
      %dma_wait3A_90 = tpu.memref_slice %arg7[%dma_wait3A_88, %dma_wait3A_89] : memref<64x128xf32, #tpu.memory_space<vmem>> -> memref<16x128xf32, #tpu.memory_space<vmem>>
      %dma_wait3A_91 = arith.constant 0 : i32
      %dma_wait3A_92 = arith.constant 0 : i32
      %dma_wait3A_93 = tpu.memref_slice %arg16[%dma_wait3A_91, %dma_wait3A_92] : memref<10000x128xf32, #tpu.memory_space<vmem_shared>> -> memref<10000x128xf32, #tpu.memory_space<vmem_shared>>
      tpu.wait_indirect_dma semaphore(%run_scoped3A : memref<!tpu.dma_semaphore, #tpu.memory_space<semaphore_mem>>) src(%dma_wait3A_90 : memref<16x128xf32, #tpu.memory_space<vmem>>) dst(%dma_wait3A_93 : memref<10000x128xf32, #tpu.memory_space<vmem_shared>>)
      tpu.yield
    }) : () -> ()
    %barrier3A_76 = arith.constant 0 : index
    tpu.barrier barrier_id(%barrier3A_76)
    "tpu.region"() ({
      %run_scoped3A = tpu.sem_alloc : memref<!tpu.dma_semaphore, #tpu.memory_space<semaphore_mem>>
      %dma_start3A_82 = arith.constant 0 : i32
      %dma_start3A_83 = tpu.memref_slice %arg5[%arg0, %mul3A_36, %dma_start3A_82] : memref<2x10000x128xf32, #tpu.memory_space<hbm>> -> memref<1x624x128xf32, #tpu.memory_space<hbm>>
      %dma_start3A_84 = tpu.memref_squeeze %dma_start3A_83 : memref<1x624x128xf32, #tpu.memory_space<hbm>> -> memref<624x128xf32, #tpu.memory_space<hbm>>
      %dma_start3A_85 = arith.constant 0 : i32
      %dma_start3A_86 = tpu.memref_slice %arg16[%mul3A_36, %dma_start3A_85] : memref<10000x128xf32, #tpu.memory_space<vmem_shared>> -> memref<624x128xf32, #tpu.memory_space<vmem_shared>>
      tpu.enqueue_dma source(%dma_start3A_86 : memref<624x128xf32, #tpu.memory_space<vmem_shared>>) target(%dma_start3A_84 : memref<624x128xf32, #tpu.memory_space<hbm>>) target_semaphore(%run_scoped3A : memref<!tpu.dma_semaphore, #tpu.memory_space<semaphore_mem>>)
      %dma_wait3A_87 = arith.constant 0 : i32
      %dma_wait3A_88 = tpu.memref_slice %arg5[%arg0, %mul3A_36, %dma_wait3A_87] : memref<2x10000x128xf32, #tpu.memory_space<hbm>> -> memref<1x624x128xf32, #tpu.memory_space<hbm>>
      %dma_wait3A_89 = tpu.memref_squeeze %dma_wait3A_88 : memref<1x624x128xf32, #tpu.memory_space<hbm>> -> memref<624x128xf32, #tpu.memory_space<hbm>>
      %dma_wait3A_90 = arith.constant 0 : i32
      %dma_wait3A_91 = tpu.memref_slice %arg16[%mul3A_36, %dma_wait3A_90] : memref<10000x128xf32, #tpu.memory_space<vmem_shared>> -> memref<624x128xf32, #tpu.memory_space<vmem_shared>>
      tpu.wait_dma2 semaphore(%run_scoped3A : memref<!tpu.dma_semaphore, #tpu.memory_space<semaphore_mem>>) src(%dma_wait3A_91 : memref<624x128xf32, #tpu.memory_space<vmem_shared>>) dst(%dma_wait3A_89 : memref<624x128xf32, #tpu.memory_space<hbm>>)
      tpu.yield
    }) : () -> ()
    %eq3A_77 = arith.constant 0 : i32
    %eq3A_78 = arith.cmpi eq, %arg1, %eq3A_77 : i32
    %convert_element_type3A_79 = arith.extui %eq3A_78 : i1 to i32
    %cond3A_80 = arith.constant 0 : i32
    %cond3A_81 = arith.cmpi ne, %convert_element_type3A_79, %cond3A_80 : i32
    scf.if %cond3A_81 {
      "tpu.region"() ({
        %run_scoped3A = tpu.sem_alloc : memref<!tpu.dma_semaphore, #tpu.memory_space<semaphore_mem>>
        %dma_start3A_82 = arith.constant 9984 : i32
        %dma_start3A_83 = arith.constant 0 : i32
        %dma_start3A_84 = tpu.memref_slice %arg5[%arg0, %dma_start3A_82, %dma_start3A_83] : memref<2x10000x128xf32, #tpu.memory_space<hbm>> -> memref<1x16x128xf32, #tpu.memory_space<hbm>>
        %dma_start3A_85 = tpu.memref_squeeze %dma_start3A_84 : memref<1x16x128xf32, #tpu.memory_space<hbm>> -> memref<16x128xf32, #tpu.memory_space<hbm>>
        %dma_start3A_86 = arith.constant 9984 : i32
        %dma_start3A_87 = arith.constant 0 : i32
        %dma_start3A_88 = tpu.memref_slice %arg16[%dma_start3A_86, %dma_start3A_87] : memref<10000x128xf32, #tpu.memory_space<vmem_shared>> -> memref<16x128xf32, #tpu.memory_space<vmem_shared>>
        tpu.enqueue_dma source(%dma_start3A_88 : memref<16x128xf32, #tpu.memory_space<vmem_shared>>) target(%dma_start3A_85 : memref<16x128xf32, #tpu.memory_space<hbm>>) target_semaphore(%run_scoped3A : memref<!tpu.dma_semaphore, #tpu.memory_space<semaphore_mem>>)
        %dma_wait3A_89 = arith.constant 9984 : i32
        %dma_wait3A_90 = arith.constant 0 : i32
        %dma_wait3A_91 = tpu.memref_slice %arg5[%arg0, %dma_wait3A_89, %dma_wait3A_90] : memref<2x10000x128xf32, #tpu.memory_space<hbm>> -> memref<1x16x128xf32, #tpu.memory_space<hbm>>
        %dma_wait3A_92 = tpu.memref_squeeze %dma_wait3A_91 : memref<1x16x128xf32, #tpu.memory_space<hbm>> -> memref<16x128xf32, #tpu.memory_space<hbm>>
        %dma_wait3A_93 = arith.constant 9984 : i32
        %dma_wait3A_94 = arith.constant 0 : i32
        %dma_wait3A_95 = tpu.memref_slice %arg16[%dma_wait3A_93, %dma_wait3A_94] : memref<10000x128xf32, #tpu.memory_space<vmem_shared>> -> memref<16x128xf32, #tpu.memory_space<vmem_shared>>
        tpu.wait_dma2 semaphore(%run_scoped3A : memref<!tpu.dma_semaphore, #tpu.memory_space<semaphore_mem>>) src(%dma_wait3A_95 : memref<16x128xf32, #tpu.memory_space<vmem_shared>>) dst(%dma_wait3A_92 : memref<16x128xf32, #tpu.memory_space<hbm>>)
        tpu.yield
      }) : () -> ()
    } else {
    }
    return
  }
}

#map = affine_map<(d0, d1) -> (0, 0)>
#map1 = affine_map<(d0, d1) -> (0)>
#map2 = affine_map<(d0, d1) -> (0, 0, 0)>
module attributes {stable_mosaic.version = 14 : i64} {
  func.func @k(%arg0: i32, %arg1: i32, %arg2: memref<10000x128xf32, #tpu.memory_space<hbm>>, %arg3: memref<320000xi32, #tpu.memory_space<hbm>>, %arg4: memref<320000xi32, #tpu.memory_space<hbm>>, %arg5: memref<2x10000x128xf32, #tpu.memory_space<hbm>>, %arg6: memref<10000xi32, #tpu.memory_space<vmem>>, %arg7: memref<64x128xf32, #tpu.memory_space<vmem>>, %arg8: memref<64x128xf32, #tpu.memory_space<vmem>>, %arg9: memref<64x128xf32, #tpu.memory_space<vmem>>, %arg10: memref<64x128xf32, #tpu.memory_space<vmem>>, %arg11: memref<64xi32, #tpu.memory_space<vmem>>, %arg12: memref<64xi32, #tpu.memory_space<vmem>>, %arg13: memref<64xi32, #tpu.memory_space<vmem>>, %arg14: memref<64xi32, #tpu.memory_space<vmem>>, %arg15: memref<16xi32, #tpu.memory_space<vmem>>, %arg16: memref<10000x128xf32, #tpu.memory_space<vmem_shared>>, %arg17: memref<!tpu.dma_semaphore, #tpu.memory_space<semaphore_mem>>, %arg18: memref<!tpu.dma_semaphore, #tpu.memory_space<semaphore_mem>>, %arg19: memref<!tpu.dma_semaphore, #tpu.memory_space<semaphore_mem>>) attributes {dimension_semantics = [#tpu.dimension_semantics<core_parallel>, #tpu.dimension_semantics<subcore_parallel>], iteration_bounds = array<i64: 2, 16>, scalar_prefetch = 0 : i64, scratch_operands = 14 : i64, tpu.core_type = #tpu.core_type<sc_vector_subcore>, window_params = [{transform_indices = #map}, {transform_indices = #map1}, {transform_indices = #map1}, {transform_indices = #map2}]} {
    %mul3A = arith.constant 2 : i32
    %mul3A_0 = arith.muli %arg1, %mul3A : i32
    %add3A = arith.addi %mul3A_0, %arg0 : i32
    %mul3A_1 = arith.constant 10000 : i32
    %mul3A_2 = arith.muli %add3A, %mul3A_1 : i32
    "tpu.region"() ({
      %run_scoped3A = tpu.sem_alloc : memref<!tpu.dma_semaphore, #tpu.memory_space<semaphore_mem>>
      %dma_start3A_82 = tpu.memref_slice %arg3[%mul3A_2] : memref<320000xi32, #tpu.memory_space<hbm>> -> memref<10000xi32, #tpu.memory_space<hbm>>
      %dma_start3A_83 = tpu.memref_slice %arg3[%mul3A_2] : memref<320000xi32, #tpu.memory_space<hbm>> -> memref<10000xi32, #tpu.memory_space<hbm>>
      tpu.enqueue_dma source(%dma_start3A_83 : memref<10000xi32, #tpu.memory_space<hbm>>) target(%arg6 : memref<10000xi32, #tpu.memory_space<vmem>>) target_semaphore(%run_scoped3A : memref<!tpu.dma_semaphore, #tpu.memory_space<semaphore_mem>>)
      %dma_wait3A_84 = tpu.memref_slice %arg3[%mul3A_2] : memref<320000xi32, #tpu.memory_space<hbm>> -> memref<10000xi32, #tpu.memory_space<hbm>>
      %dma_wait3A_85 = tpu.memref_slice %arg3[%mul3A_2] : memref<320000xi32, #tpu.memory_space<hbm>> -> memref<10000xi32, #tpu.memory_space<hbm>>
      tpu.wait_dma2 semaphore(%run_scoped3A : memref<!tpu.dma_semaphore, #tpu.memory_space<semaphore_mem>>) src(%dma_wait3A_85 : memref<10000xi32, #tpu.memory_space<hbm>>) dst(%arg6 : memref<10000xi32, #tpu.memory_space<vmem>>)
      tpu.yield
    }) : () -> ()
    %dma_start3A = arith.constant 0 : i32
    %dma_start3A_3 = tpu.memref_slice %arg6[%dma_start3A] : memref<10000xi32, #tpu.memory_space<vmem>> -> memref<64xi32, #tpu.memory_space<vmem>>
    %dma_start3A_4 = arith.constant 0 : i32
    %dma_start3A_5 = arith.constant 0 : i32
    %dma_start3A_6 = tpu.memref_slice %arg2[%dma_start3A_4, %dma_start3A_5] : memref<10000x128xf32, #tpu.memory_space<hbm>> -> memref<10000x128xf32, #tpu.memory_space<hbm>>
    tpu.enqueue_indirect_dma source(%dma_start3A_6 : memref<10000x128xf32, #tpu.memory_space<hbm>>) target(%arg7 : memref<64x128xf32, #tpu.memory_space<vmem>>) offsets(%dma_start3A_3 : memref<64xi32, #tpu.memory_space<vmem>>) semaphore(%arg17 : memref<!tpu.dma_semaphore, #tpu.memory_space<semaphore_mem>>)
    %add3A_7 = arith.constant 0 : i32
    %add3A_8 = arith.addi %mul3A_2, %add3A_7 : i32
    %dma_start3A_9 = tpu.memref_slice %arg4[%add3A_8] : memref<320000xi32, #tpu.memory_space<hbm>> -> memref<64xi32, #tpu.memory_space<hbm>>
    %dma_start3A_10 = tpu.memref_slice %arg4[%add3A_8] : memref<320000xi32, #tpu.memory_space<hbm>> -> memref<64xi32, #tpu.memory_space<hbm>>
    tpu.enqueue_dma source(%dma_start3A_10 : memref<64xi32, #tpu.memory_space<hbm>>) target(%arg11 : memref<64xi32, #tpu.memory_space<vmem>>) target_semaphore(%arg19 : memref<!tpu.dma_semaphore, #tpu.memory_space<semaphore_mem>>)
    %dma_start3A_11 = arith.constant 64 : i32
    %dma_start3A_12 = tpu.memref_slice %arg6[%dma_start3A_11] : memref<10000xi32, #tpu.memory_space<vmem>> -> memref<64xi32, #tpu.memory_space<vmem>>
    %dma_start3A_13 = arith.constant 0 : i32
    %dma_start3A_14 = arith.constant 0 : i32
    %dma_start3A_15 = tpu.memref_slice %arg2[%dma_start3A_13, %dma_start3A_14] : memref<10000x128xf32, #tpu.memory_space<hbm>> -> memref<10000x128xf32, #tpu.memory_space<hbm>>
    tpu.enqueue_indirect_dma source(%dma_start3A_15 : memref<10000x128xf32, #tpu.memory_space<hbm>>) target(%arg8 : memref<64x128xf32, #tpu.memory_space<vmem>>) offsets(%dma_start3A_12 : memref<64xi32, #tpu.memory_space<vmem>>) semaphore(%arg17 : memref<!tpu.dma_semaphore, #tpu.memory_space<semaphore_mem>>)
    %add3A_16 = arith.constant 64 : i32
    %add3A_17 = arith.addi %mul3A_2, %add3A_16 : i32
    %dma_start3A_18 = tpu.memref_slice %arg4[%add3A_17] : memref<320000xi32, #tpu.memory_space<hbm>> -> memref<64xi32, #tpu.memory_space<hbm>>
    %dma_start3A_19 = tpu.memref_slice %arg4[%add3A_17] : memref<320000xi32, #tpu.memory_space<hbm>> -> memref<64xi32, #tpu.memory_space<hbm>>
    tpu.enqueue_dma source(%dma_start3A_19 : memref<64xi32, #tpu.memory_space<hbm>>) target(%arg12 : memref<64xi32, #tpu.memory_space<vmem>>) target_semaphore(%arg19 : memref<!tpu.dma_semaphore, #tpu.memory_space<semaphore_mem>>)
    %dma_start3A_20 = arith.constant 128 : i32
    %dma_start3A_21 = tpu.memref_slice %arg6[%dma_start3A_20] : memref<10000xi32, #tpu.memory_space<vmem>> -> memref<64xi32, #tpu.memory_space<vmem>>
    %dma_start3A_22 = arith.constant 0 : i32
    %dma_start3A_23 = arith.constant 0 : i32
    %dma_start3A_24 = tpu.memref_slice %arg2[%dma_start3A_22, %dma_start3A_23] : memref<10000x128xf32, #tpu.memory_space<hbm>> -> memref<10000x128xf32, #tpu.memory_space<hbm>>
    tpu.enqueue_indirect_dma source(%dma_start3A_24 : memref<10000x128xf32, #tpu.memory_space<hbm>>) target(%arg9 : memref<64x128xf32, #tpu.memory_space<vmem>>) offsets(%dma_start3A_21 : memref<64xi32, #tpu.memory_space<vmem>>) semaphore(%arg17 : memref<!tpu.dma_semaphore, #tpu.memory_space<semaphore_mem>>)
    %add3A_25 = arith.constant 128 : i32
    %add3A_26 = arith.addi %mul3A_2, %add3A_25 : i32
    %dma_start3A_27 = tpu.memref_slice %arg4[%add3A_26] : memref<320000xi32, #tpu.memory_space<hbm>> -> memref<64xi32, #tpu.memory_space<hbm>>
    %dma_start3A_28 = tpu.memref_slice %arg4[%add3A_26] : memref<320000xi32, #tpu.memory_space<hbm>> -> memref<64xi32, #tpu.memory_space<hbm>>
    tpu.enqueue_dma source(%dma_start3A_28 : memref<64xi32, #tpu.memory_space<hbm>>) target(%arg13 : memref<64xi32, #tpu.memory_space<vmem>>) target_semaphore(%arg19 : memref<!tpu.dma_semaphore, #tpu.memory_space<semaphore_mem>>)
    %scan3A = arith.constant 0 : i32
    %scan3A_29 = arith.constant 0 : i32
    %scan3A_30 = arith.constant 64 : i32
    %scan3A_31 = arith.addi %scan3A_29, %scan3A_30 : i32
    %scan3A_32 = arith.constant 1 : i32
    %scan3A_33 = scf.for %scan3A_82 = %scan3A_29 to %scan3A_31 step %scan3A_32 iter_args(%scan3A_83 = %scan3A) -> (i32)  : i32 {
      %scan3A_84 = arith.constant 0 : i32
      %scan3A_85 = arith.constant 0 : i32
      %scan3A_86 = arith.constant 8 : i32
      %scan3A_87 = arith.addi %scan3A_85, %scan3A_86 : i32
      %scan3A_88 = arith.constant 1 : i32
      %scan3A_89 = scf.for %scan3A_92 = %scan3A_85 to %scan3A_87 step %scan3A_88 iter_args(%scan3A_93 = %scan3A_84) -> (i32)  : i32 {
        %broadcast_in_dim3A = arith.constant 0.000000e+00 : f32
        %broadcast_in_dim3A_94 = vector.broadcast %broadcast_in_dim3A : f32 to vector<16xf32>
        %mul3A_95 = arith.constant 16 : i32
        %mul3A_96 = arith.muli %scan3A_92, %mul3A_95 : i32
        %swap3A = arith.index_cast %scan3A_82 : i32 to index
        %swap3A_97 = arith.index_cast %mul3A_96 : i32 to index
        %swap3A_98 = tpu.vector_load %arg10[%swap3A, %swap3A_97] {strides = array<i32>} : memref<64x128xf32, #tpu.memory_space<vmem>>, vector<1x16xf32>,
        %swap3A_99 = vector.shape_cast %swap3A_98 : vector<1x16xf32> to vector<16xf32>
        %swap3A_100 = vector.shape_cast %broadcast_in_dim3A_94 : vector<16xf32> to vector<1x16xf32>
        tpu.vector_store %arg10[%swap3A, %swap3A_97], %swap3A_100 {strides = array<i32>} : memref<64x128xf32, #tpu.memory_space<vmem>>, vector<1x16xf32>,
        %scan3A_101 = arith.constant 0 : i32
        scf.yield %scan3A_101 : i32
      }
      %scan3A_90 = arith.constant 8 : i32
      %scan3A_91 = arith.constant 0 : i32
      scf.yield %scan3A_91 : i32
    }
    %scan3A_34 = arith.constant 64 : i32
    %mul3A_35 = arith.constant 624 : i32
    %mul3A_36 = arith.muli %arg1, %mul3A_35 : i32
    %scan3A_37 = arith.constant 0 : i32
    %scan3A_38 = arith.constant 0 : i32
    %scan3A_39 = arith.constant 9 : i32
    %scan3A_40 = arith.addi %scan3A_38, %scan3A_39 : i32
    %scan3A_41 = arith.constant 1 : i32
    %scan3A_42 = scf.for %scan3A_82 = %scan3A_38 to %scan3A_40 step %scan3A_41 iter_args(%scan3A_83 = %scan3A_37) -> (i32)  : i32 {
      %mul3A_84 = arith.constant 64 : i32
      %mul3A_85 = arith.muli %scan3A_82, %mul3A_84 : i32
      %add3A_86 = arith.addi %mul3A_36, %mul3A_85 : i32
      "tpu.region"() ({
        %run_scoped3A = tpu.sem_alloc : memref<!tpu.dma_semaphore, #tpu.memory_space<semaphore_mem>>
        %dma_start3A_88 = arith.constant 0 : i32
        %dma_start3A_89 = tpu.memref_slice %arg16[%add3A_86, %dma_start3A_88] : memref<10000x128xf32, #tpu.memory_space<vmem_shared>> -> memref<64x128xf32, #tpu.memory_space<vmem_shared>>
        %dma_start3A_90 = arith.constant 0 : i32
        %dma_start3A_91 = tpu.memref_slice %arg16[%add3A_86, %dma_start3A_90] : memref<10000x128xf32, #tpu.memory_space<vmem_shared>> -> memref<64x128xf32, #tpu.memory_space<vmem_shared>>
        tpu.enqueue_dma source(%arg10 : memref<64x128xf32, #tpu.memory_space<vmem>>) target(%dma_start3A_91 : memref<64x128xf32, #tpu.memory_space<vmem_shared>>) target_semaphore(%run_scoped3A : memref<!tpu.dma_semaphore, #tpu.memory_space<semaphore_mem>>)
        %dma_wait3A_92 = arith.constant 0 : i32
        %dma_wait3A_93 = tpu.memref_slice %arg16[%add3A_86, %dma_wait3A_92] : memref<10000x128xf32, #tpu.memory_space<vmem_shared>> -> memref<64x128xf32, #tpu.memory_space<vmem_shared>>
        %dma_wait3A_94 = arith.constant 0 : i32
        %dma_wait3A_95 = tpu.memref_slice %arg16[%add3A_86, %dma_wait3A_94] : memref<10000x128xf32, #tpu.memory_space<vmem_shared>> -> memref<64x128xf32, #tpu.memory_space<vmem_shared>>
        tpu.wait_dma2 semaphore(%run_scoped3A : memref<!tpu.dma_semaphore, #tpu.memory_space<semaphore_mem>>) src(%arg10 : memref<64x128xf32, #tpu.memory_space<vmem>>) dst(%dma_wait3A_95 : memref<64x128xf32, #tpu.memory_space<vmem_shared>>)
        tpu.yield
      }) : () -> ()
      %scan3A_87 = arith.constant 0 : i32
      scf.yield %scan3A_87 : i32
    }
    %scan3A_43 = arith.constant 9 : i32
    %add3A_44 = arith.constant 576 : i32
    %add3A_45 = arith.addi %mul3A_36, %add3A_44 : i32
    "tpu.region"() ({
      %run_scoped3A = tpu.sem_alloc : memref<!tpu.dma_semaphore, #tpu.memory_space<semaphore_mem>>
      %dma_start3A_82 = arith.constant 0 : i32
      %dma_start3A_83 = arith.constant 0 : i32
      %dma_start3A_84 = tpu.memref_slice %arg10[%dma_start3A_82, %dma_start3A_83] : memref<64x128xf32, #tpu.memory_space<vmem>> -> memref<48x128xf32, #tpu.memory_space<vmem>>
      %dma_start3A_85 = arith.constant 0 : i32
      %dma_start3A_86 = tpu.memref_slice %arg16[%add3A_45, %dma_start3A_85] : memref<10000x128xf32, #tpu.memory_space<vmem_shared>> -> memref<48x128xf32, #tpu.memory_space<vmem_shared>>
      %dma_start3A_87 = arith.constant 0 : i32
      %dma_start3A_88 = tpu.memref_slice %arg16[%add3A_45, %dma_start3A_87] : memref<10000x128xf32, #tpu.memory_space<vmem_shared>> -> memref<48x128xf32, #tpu.memory_space<vmem_shared>>
      %dma_start3A_89 = arith.constant 0 : i32
      %dma_start3A_90 = arith.constant 0 : i32
      %dma_start3A_91 = tpu.memref_slice %arg10[%dma_start3A_89, %dma_start3A_90] : memref<64x128xf32, #tpu.memory_space<vmem>> -> memref<48x128xf32, #tpu.memory_space<vmem>>
      tpu.enqueue_dma source(%dma_start3A_91 : memref<48x128xf32, #tpu.memory_space<vmem>>) target(%dma_start3A_88 : memref<48x128xf32, #tpu.memory_space<vmem_shared>>) target_semaphore(%run_scoped3A : memref<!tpu.dma_semaphore, #tpu.memory_space<semaphore_mem>>)
      %dma_wait3A_92 = arith.constant 0 : i32
      %dma_wait3A_93 = arith.constant 0 : i32
      %dma_wait3A_94 = tpu.memref_slice %arg10[%dma_wait3A_92, %dma_wait3A_93] : memref<64x128xf32, #tpu.memory_space<vmem>> -> memref<48x128xf32, #tpu.memory_space<vmem>>
      %dma_wait3A_95 = arith.constant 0 : i32
      %dma_wait3A_96 = tpu.memref_slice %arg16[%add3A_45, %dma_wait3A_95] : memref<10000x128xf32, #tpu.memory_space<vmem_shared>> -> memref<48x128xf32, #tpu.memory_space<vmem_shared>>
      %dma_wait3A_97 = arith.constant 0 : i32
      %dma_wait3A_98 = tpu.memref_slice %arg16[%add3A_45, %dma_wait3A_97] : memref<10000x128xf32, #tpu.memory_space<vmem_shared>> -> memref<48x128xf32, #tpu.memory_space<vmem_shared>>
      %dma_wait3A_99 = arith.constant 0 : i32
      %dma_wait3A_100 = arith.constant 0 : i32
      %dma_wait3A_101 = tpu.memref_slice %arg10[%dma_wait3A_99, %dma_wait3A_100] : memref<64x128xf32, #tpu.memory_space<vmem>> -> memref<48x128xf32, #tpu.memory_space<vmem>>
      tpu.wait_dma2 semaphore(%run_scoped3A : memref<!tpu.dma_semaphore, #tpu.memory_space<semaphore_mem>>) src(%dma_wait3A_101 : memref<48x128xf32, #tpu.memory_space<vmem>>) dst(%dma_wait3A_98 : memref<48x128xf32, #tpu.memory_space<vmem_shared>>)
      tpu.yield
    }) : () -> ()
    %eq3A = arith.constant 0 : i32
    %eq3A_46 = arith.cmpi eq, %arg1, %eq3A : i32
    %convert_element_type3A = arith.extui %eq3A_46 : i1 to i32
    %cond3A = arith.constant 0 : i32
    %cond3A_47 = arith.cmpi ne, %convert_element_type3A, %cond3A : i32
    scf.if %cond3A_47 {
      "tpu.region"() ({
        %run_scoped3A = tpu.sem_alloc : memref<!tpu.dma_semaphore, #tpu.memory_space<semaphore_mem>>
        %dma_start3A_82 = arith.constant 0 : i32
        %dma_start3A_83 = arith.constant 0 : i32
        %dma_start3A_84 = tpu.memref_slice %arg10[%dma_start3A_82, %dma_start3A_83] : memref<64x128xf32, #tpu.memory_space<vmem>> -> memref<16x128xf32, #tpu.memory_space<vmem>>
        %dma_start3A_85 = arith.constant 9984 : i32
        %dma_start3A_86 = arith.constant 0 : i32
        %dma_start3A_87 = tpu.memref_slice %arg16[%dma_start3A_85, %dma_start3A_86] : memref<10000x128xf32, #tpu.memory_space<vmem_shared>> -> memref<16x128xf32, #tpu.memory_space<vmem_shared>>
        %dma_start3A_88 = arith.constant 9984 : i32
        %dma_start3A_89 = arith.constant 0 : i32
        %dma_start3A_90 = tpu.memref_slice %arg16[%dma_start3A_88, %dma_start3A_89] : memref<10000x128xf32, #tpu.memory_space<vmem_shared>> -> memref<16x128xf32, #tpu.memory_space<vmem_shared>>
        %dma_start3A_91 = arith.constant 0 : i32
        %dma_start3A_92 = arith.constant 0 : i32
        %dma_start3A_93 = tpu.memref_slice %arg10[%dma_start3A_91, %dma_start3A_92] : memref<64x128xf32, #tpu.memory_space<vmem>> -> memref<16x128xf32, #tpu.memory_space<vmem>>
        tpu.enqueue_dma source(%dma_start3A_93 : memref<16x128xf32, #tpu.memory_space<vmem>>) target(%dma_start3A_90 : memref<16x128xf32, #tpu.memory_space<vmem_shared>>) target_semaphore(%run_scoped3A : memref<!tpu.dma_semaphore, #tpu.memory_space<semaphore_mem>>)
        %dma_wait3A_94 = arith.constant 0 : i32
        %dma_wait3A_95 = arith.constant 0 : i32
        %dma_wait3A_96 = tpu.memref_slice %arg10[%dma_wait3A_94, %dma_wait3A_95] : memref<64x128xf32, #tpu.memory_space<vmem>> -> memref<16x128xf32, #tpu.memory_space<vmem>>
        %dma_wait3A_97 = arith.constant 9984 : i32
        %dma_wait3A_98 = arith.constant 0 : i32
        %dma_wait3A_99 = tpu.memref_slice %arg16[%dma_wait3A_97, %dma_wait3A_98] : memref<10000x128xf32, #tpu.memory_space<vmem_shared>> -> memref<16x128xf32, #tpu.memory_space<vmem_shared>>
        %dma_wait3A_100 = arith.constant 9984 : i32
        %dma_wait3A_101 = arith.constant 0 : i32
        %dma_wait3A_102 = tpu.memref_slice %arg16[%dma_wait3A_100, %dma_wait3A_101] : memref<10000x128xf32, #tpu.memory_space<vmem_shared>> -> memref<16x128xf32, #tpu.memory_space<vmem_shared>>
        %dma_wait3A_103 = arith.constant 0 : i32
        %dma_wait3A_104 = arith.constant 0 : i32
        %dma_wait3A_105 = tpu.memref_slice %arg10[%dma_wait3A_103, %dma_wait3A_104] : memref<64x128xf32, #tpu.memory_space<vmem>> -> memref<16x128xf32, #tpu.memory_space<vmem>>
        tpu.wait_dma2 semaphore(%run_scoped3A : memref<!tpu.dma_semaphore, #tpu.memory_space<semaphore_mem>>) src(%dma_wait3A_105 : memref<16x128xf32, #tpu.memory_space<vmem>>) dst(%dma_wait3A_102 : memref<16x128xf32, #tpu.memory_space<vmem_shared>>)
        tpu.yield
      }) : () -> ()
    } else {
    }
    %barrier3A = arith.constant 0 : index
    tpu.barrier barrier_id(%barrier3A)
    %scan3A_48 = arith.constant 0 : i32
    %scan3A_49 = arith.constant 39 : i32
    %scan3A_50 = arith.addi %scan3A_48, %scan3A_49 : i32
    %scan3A_51 = arith.constant 1 : i32
    scf.for %scan3A_82 = %scan3A_48 to %scan3A_50 step %scan3A_51  : i32 {
      %mul3A_83 = arith.constant 1 : i32
      %mul3A_84 = arith.muli %scan3A_82, %mul3A_83 : i32
      %add3A_85 = arith.constant 0 : i32
      %add3A_86 = arith.addi %add3A_85, %mul3A_84 : i32
      %mul3A_87 = arith.constant 4 : i32
      %mul3A_88 = arith.muli %add3A_86, %mul3A_87 : i32
      %add3A_89 = arith.constant 0 : i32
      %add3A_90 = arith.addi %mul3A_88, %add3A_89 : i32
      %dma_wait3A_91 = arith.constant 0 : i32
      %dma_wait3A_92 = arith.constant 0 : i32
      %dma_wait3A_93 = tpu.memref_slice %arg2[%dma_wait3A_91, %dma_wait3A_92] : memref<10000x128xf32, #tpu.memory_space<hbm>> -> memref<64x128xf32, #tpu.memory_space<hbm>>
      %dma_wait3A_94 = arith.constant 0 : i32
      %dma_wait3A_95 = arith.constant 0 : i32
      %dma_wait3A_96 = tpu.memref_slice %arg2[%dma_wait3A_94, %dma_wait3A_95] : memref<10000x128xf32, #tpu.memory_space<hbm>> -> memref<64x128xf32, #tpu.memory_space<hbm>>
      tpu.wait_dma2 semaphore(%arg17 : memref<!tpu.dma_semaphore, #tpu.memory_space<semaphore_mem>>) src(%dma_wait3A_96 : memref<64x128xf32, #tpu.memory_space<hbm>>) dst(%arg7 : memref<64x128xf32, #tpu.memory_space<vmem>>)
      %ge3A = arith.constant 1 : i32
      %ge3A_97 = arith.cmpi sge, %add3A_90, %ge3A : i32
      %convert_element_type3A_98 = arith.extui %ge3A_97 : i1 to i32
      %cond3A_99 = arith.constant 0 : i32
      %cond3A_100 = arith.cmpi ne, %convert_element_type3A_98, %cond3A_99 : i32
      scf.if %cond3A_100 {
        %dma_wait3A_205 = arith.constant 0 : i32
        %dma_wait3A_206 = arith.constant 0 : i32
        %dma_wait3A_207 = tpu.memref_slice %arg2[%dma_wait3A_205, %dma_wait3A_206] : memref<10000x128xf32, #tpu.memory_space<hbm>> -> memref<64x128xf32, #tpu.memory_space<hbm>>
        %dma_wait3A_208 = arith.constant 0 : i32
        %dma_wait3A_209 = arith.constant 0 : i32
        %dma_wait3A_210 = tpu.memref_slice %arg2[%dma_wait3A_208, %dma_wait3A_209] : memref<10000x128xf32, #tpu.memory_space<hbm>> -> memref<64x128xf32, #tpu.memory_space<hbm>>
        tpu.wait_dma2 semaphore(%arg18 : memref<!tpu.dma_semaphore, #tpu.memory_space<semaphore_mem>>) src(%dma_wait3A_210 : memref<64x128xf32, #tpu.memory_space<hbm>>) dst(%arg10 : memref<64x128xf32, #tpu.memory_space<vmem>>)
      } else {
      }
      %add3A_101 = arith.constant 4 : i32
      %add3A_102 = arith.addi %add3A_90, %add3A_101 : i32
      %sub3A = arith.constant 1 : i32
      %sub3A_103 = arith.subi %add3A_102, %sub3A : i32
      %lt3A = arith.constant 156 : i32
      %lt3A_104 = arith.cmpi slt, %sub3A_103, %lt3A : i32
      %convert_element_type3A_105 = arith.extui %lt3A_104 : i1 to i32
      %cond3A_106 = arith.constant 0 : i32
      %cond3A_107 = arith.cmpi ne, %convert_element_type3A_105, %cond3A_106 : i32
      scf.if %cond3A_107 {
        %add3A_205 = arith.constant 4 : i32
        %add3A_206 = arith.addi %add3A_90, %add3A_205 : i32
        %sub3A_207 = arith.constant 1 : i32
        %sub3A_208 = arith.subi %add3A_206, %sub3A_207 : i32
        %mul3A_209 = arith.constant 64 : i32
        %mul3A_210 = arith.muli %sub3A_208, %mul3A_209 : i32
        %dma_start3A_211 = tpu.memref_slice %arg6[%mul3A_210] : memref<10000xi32, #tpu.memory_space<vmem>> -> memref<64xi32, #tpu.memory_space<vmem>>
        %dma_start3A_212 = arith.constant 0 : i32
        %dma_start3A_213 = arith.constant 0 : i32
        %dma_start3A_214 = tpu.memref_slice %arg2[%dma_start3A_212, %dma_start3A_213] : memref<10000x128xf32, #tpu.memory_space<hbm>> -> memref<10000x128xf32, #tpu.memory_space<hbm>>
        tpu.enqueue_indirect_dma source(%dma_start3A_214 : memref<10000x128xf32, #tpu.memory_space<hbm>>) target(%arg10 : memref<64x128xf32, #tpu.memory_space<vmem>>) offsets(%dma_start3A_211 : memref<64xi32, #tpu.memory_space<vmem>>) semaphore(%arg17 : memref<!tpu.dma_semaphore, #tpu.memory_space<semaphore_mem>>)
        %mul3A_215 = arith.constant 64 : i32
        %mul3A_216 = arith.muli %sub3A_208, %mul3A_215 : i32
        %add3A_217 = arith.addi %mul3A_2, %mul3A_216 : i32
        %dma_start3A_218 = tpu.memref_slice %arg4[%add3A_217] : memref<320000xi32, #tpu.memory_space<hbm>> -> memref<64xi32, #tpu.memory_space<hbm>>
        %dma_start3A_219 = tpu.memref_slice %arg4[%add3A_217] : memref<320000xi32, #tpu.memory_space<hbm>> -> memref<64xi32, #tpu.memory_space<hbm>>
        tpu.enqueue_dma source(%dma_start3A_219 : memref<64xi32, #tpu.memory_space<hbm>>) target(%arg14 : memref<64xi32, #tpu.memory_space<vmem>>) target_semaphore(%arg19 : memref<!tpu.dma_semaphore, #tpu.memory_space<semaphore_mem>>)
      } else {
      }
      %dma_wait3A_108 = arith.constant 0 : i32
      %dma_wait3A_109 = tpu.memref_slice %arg4[%dma_wait3A_108] : memref<320000xi32, #tpu.memory_space<hbm>> -> memref<64xi32, #tpu.memory_space<hbm>>
      %dma_wait3A_110 = arith.constant 0 : i32
      %dma_wait3A_111 = tpu.memref_slice %arg4[%dma_wait3A_110] : memref<320000xi32, #tpu.memory_space<hbm>> -> memref<64xi32, #tpu.memory_space<hbm>>
      tpu.wait_dma2 semaphore(%arg19 : memref<!tpu.dma_semaphore, #tpu.memory_space<semaphore_mem>>) src(%dma_wait3A_111 : memref<64xi32, #tpu.memory_space<hbm>>) dst(%arg11 : memref<64xi32, #tpu.memory_space<vmem>>)
      %dma_start3A_112 = arith.constant 0 : i32
      %dma_start3A_113 = arith.constant 0 : i32
      %dma_start3A_114 = tpu.memref_slice %arg16[%dma_start3A_112, %dma_start3A_113] : memref<10000x128xf32, #tpu.memory_space<vmem_shared>> -> memref<10000x128xf32, #tpu.memory_space<vmem_shared>>
      tpu.enqueue_indirect_dma source(%arg7 : memref<64x128xf32, #tpu.memory_space<vmem>>) target(%dma_start3A_114 : memref<10000x128xf32, #tpu.memory_space<vmem_shared>>) offsets(%arg11 : memref<64xi32, #tpu.memory_space<vmem>>) semaphore(%arg18 : memref<!tpu.dma_semaphore, #tpu.memory_space<semaphore_mem>>) {add = true}
      %add3A_115 = arith.constant 1 : i32
      %add3A_116 = arith.addi %mul3A_88, %add3A_115 : i32
      %dma_wait3A_117 = arith.constant 0 : i32
      %dma_wait3A_118 = arith.constant 0 : i32
      %dma_wait3A_119 = tpu.memref_slice %arg2[%dma_wait3A_117, %dma_wait3A_118] : memref<10000x128xf32, #tpu.memory_space<hbm>> -> memref<64x128xf32, #tpu.memory_space<hbm>>
      %dma_wait3A_120 = arith.constant 0 : i32
      %dma_wait3A_121 = arith.constant 0 : i32
      %dma_wait3A_122 = tpu.memref_slice %arg2[%dma_wait3A_120, %dma_wait3A_121] : memref<10000x128xf32, #tpu.memory_space<hbm>> -> memref<64x128xf32, #tpu.memory_space<hbm>>
      tpu.wait_dma2 semaphore(%arg17 : memref<!tpu.dma_semaphore, #tpu.memory_space<semaphore_mem>>) src(%dma_wait3A_122 : memref<64x128xf32, #tpu.memory_space<hbm>>) dst(%arg8 : memref<64x128xf32, #tpu.memory_space<vmem>>)
      %dma_wait3A_123 = arith.constant 0 : i32
      %dma_wait3A_124 = arith.constant 0 : i32
      %dma_wait3A_125 = tpu.memref_slice %arg2[%dma_wait3A_123, %dma_wait3A_124] : memref<10000x128xf32, #tpu.memory_space<hbm>> -> memref<64x128xf32, #tpu.memory_space<hbm>>
      %dma_wait3A_126 = arith.constant 0 : i32
      %dma_wait3A_127 = arith.constant 0 : i32
      %dma_wait3A_128 = tpu.memref_slice %arg2[%dma_wait3A_126, %dma_wait3A_127] : memref<10000x128xf32, #tpu.memory_space<hbm>> -> memref<64x128xf32, #tpu.memory_space<hbm>>
      tpu.wait_dma2 semaphore(%arg18 : memref<!tpu.dma_semaphore, #tpu.memory_space<semaphore_mem>>) src(%dma_wait3A_128 : memref<64x128xf32, #tpu.memory_space<hbm>>) dst(%arg7 : memref<64x128xf32, #tpu.memory_space<vmem>>)
      %add3A_129 = arith.constant 4 : i32
      %add3A_130 = arith.addi %add3A_116, %add3A_129 : i32
      %sub3A_131 = arith.constant 1 : i32
      %sub3A_132 = arith.subi %add3A_130, %sub3A_131 : i32
      %lt3A_133 = arith.constant 156 : i32
      %lt3A_134 = arith.cmpi slt, %sub3A_132, %lt3A_133 : i32
      %convert_element_type3A_135 = arith.extui %lt3A_134 : i1 to i32
      %cond3A_136 = arith.constant 0 : i32
      %cond3A_137 = arith.cmpi ne, %convert_element_type3A_135, %cond3A_136 : i32
      scf.if %cond3A_137 {
        %add3A_205 = arith.constant 4 : i32
        %add3A_206 = arith.addi %add3A_116, %add3A_205 : i32
        %sub3A_207 = arith.constant 1 : i32
        %sub3A_208 = arith.subi %add3A_206, %sub3A_207 : i32
        %mul3A_209 = arith.constant 64 : i32
        %mul3A_210 = arith.muli %sub3A_208, %mul3A_209 : i32
        %dma_start3A_211 = tpu.memref_slice %arg6[%mul3A_210] : memref<10000xi32, #tpu.memory_space<vmem>> -> memref<64xi32, #tpu.memory_space<vmem>>
        %dma_start3A_212 = arith.constant 0 : i32
        %dma_start3A_213 = arith.constant 0 : i32
        %dma_start3A_214 = tpu.memref_slice %arg2[%dma_start3A_212, %dma_start3A_213] : memref<10000x128xf32, #tpu.memory_space<hbm>> -> memref<10000x128xf32, #tpu.memory_space<hbm>>
        tpu.enqueue_indirect_dma source(%dma_start3A_214 : memref<10000x128xf32, #tpu.memory_space<hbm>>) target(%arg7 : memref<64x128xf32, #tpu.memory_space<vmem>>) offsets(%dma_start3A_211 : memref<64xi32, #tpu.memory_space<vmem>>) semaphore(%arg17 : memref<!tpu.dma_semaphore, #tpu.memory_space<semaphore_mem>>)
        %mul3A_215 = arith.constant 64 : i32
        %mul3A_216 = arith.muli %sub3A_208, %mul3A_215 : i32
        %add3A_217 = arith.addi %mul3A_2, %mul3A_216 : i32
        %dma_start3A_218 = tpu.memref_slice %arg4[%add3A_217] : memref<320000xi32, #tpu.memory_space<hbm>> -> memref<64xi32, #tpu.memory_space<hbm>>
        %dma_start3A_219 = tpu.memref_slice %arg4[%add3A_217] : memref<320000xi32, #tpu.memory_space<hbm>> -> memref<64xi32, #tpu.memory_space<hbm>>
        tpu.enqueue_dma source(%dma_start3A_219 : memref<64xi32, #tpu.memory_space<hbm>>) target(%arg11 : memref<64xi32, #tpu.memory_space<vmem>>) target_semaphore(%arg19 : memref<!tpu.dma_semaphore, #tpu.memory_space<semaphore_mem>>)
      } else {
      }
      %dma_wait3A_138 = arith.constant 0 : i32
      %dma_wait3A_139 = tpu.memref_slice %arg4[%dma_wait3A_138] : memref<320000xi32, #tpu.memory_space<hbm>> -> memref<64xi32, #tpu.memory_space<hbm>>
      %dma_wait3A_140 = arith.constant 0 : i32
      %dma_wait3A_141 = tpu.memref_slice %arg4[%dma_wait3A_140] : memref<320000xi32, #tpu.memory_space<hbm>> -> memref<64xi32, #tpu.memory_space<hbm>>
      tpu.wait_dma2 semaphore(%arg19 : memref<!tpu.dma_semaphore, #tpu.memory_space<semaphore_mem>>) src(%dma_wait3A_141 : memref<64xi32, #tpu.memory_space<hbm>>) dst(%arg12 : memref<64xi32, #tpu.memory_space<vmem>>)
      %dma_start3A_142 = arith.constant 0 : i32
      %dma_start3A_143 = arith.constant 0 : i32
      %dma_start3A_144 = tpu.memref_slice %arg16[%dma_start3A_142, %dma_start3A_143] : memref<10000x128xf32, #tpu.memory_space<vmem_shared>> -> memref<10000x128xf32, #tpu.memory_space<vmem_shared>>
      tpu.enqueue_indirect_dma source(%arg8 : memref<64x128xf32, #tpu.memory_space<vmem>>) target(%dma_start3A_144 : memref<10000x128xf32, #tpu.memory_space<vmem_shared>>) offsets(%arg12 : memref<64xi32, #tpu.memory_space<vmem>>) semaphore(%arg18 : memref<!tpu.dma_semaphore, #tpu.memory_space<semaphore_mem>>) {add = true}
      %add3A_145 = arith.constant 2 : i32
      %add3A_146 = arith.addi %mul3A_88, %add3A_145 : i32
      %dma_wait3A_147 = arith.constant 0 : i32
      %dma_wait3A_148 = arith.constant 0 : i32
      %dma_wait3A_149 = tpu.memref_slice %arg2[%dma_wait3A_147, %dma_wait3A_148] : memref<10000x128xf32, #tpu.memory_space<hbm>> -> memref<64x128xf32, #tpu.memory_space<hbm>>
      %dma_wait3A_150 = arith.constant 0 : i32
      %dma_wait3A_151 = arith.constant 0 : i32
      %dma_wait3A_152 = tpu.memref_slice %arg2[%dma_wait3A_150, %dma_wait3A_151] : memref<10000x128xf32, #tpu.memory_space<hbm>> -> memref<64x128xf32, #tpu.memory_space<hbm>>
      tpu.wait_dma2 semaphore(%arg17 : memref<!tpu.dma_semaphore, #tpu.memory_space<semaphore_mem>>) src(%dma_wait3A_152 : memref<64x128xf32, #tpu.memory_space<hbm>>) dst(%arg9 : memref<64x128xf32, #tpu.memory_space<vmem>>)
      %dma_wait3A_153 = arith.constant 0 : i32
      %dma_wait3A_154 = arith.constant 0 : i32
      %dma_wait3A_155 = tpu.memref_slice %arg2[%dma_wait3A_153, %dma_wait3A_154] : memref<10000x128xf32, #tpu.memory_space<hbm>> -> memref<64x128xf32, #tpu.memory_space<hbm>>
      %dma_wait3A_156 = arith.constant 0 : i32
      %dma_wait3A_157 = arith.constant 0 : i32
      %dma_wait3A_158 = tpu.memref_slice %arg2[%dma_wait3A_156, %dma_wait3A_157] : memref<10000x128xf32, #tpu.memory_space<hbm>> -> memref<64x128xf32, #tpu.memory_space<hbm>>
      tpu.wait_dma2 semaphore(%arg18 : memref<!tpu.dma_semaphore, #tpu.memory_space<semaphore_mem>>) src(%dma_wait3A_158 : memref<64x128xf32, #tpu.memory_space<hbm>>) dst(%arg8 : memref<64x128xf32, #tpu.memory_space<vmem>>)
      %add3A_159 = arith.constant 4 : i32
      %add3A_160 = arith.addi %add3A_146, %add3A_159 : i32
      %sub3A_161 = arith.constant 1 : i32
      %sub3A_162 = arith.subi %add3A_160, %sub3A_161 : i32
      %lt3A_163 = arith.constant 156 : i32
      %lt3A_164 = arith.cmpi slt, %sub3A_162, %lt3A_163 : i32
      %convert_element_type3A_165 = arith.extui %lt3A_164 : i1 to i32
      %cond3A_166 = arith.constant 0 : i32
      %cond3A_167 = arith.cmpi ne, %convert_element_type3A_165, %cond3A_166 : i32
      scf.if %cond3A_167 {
        %add3A_205 = arith.constant 4 : i32
        %add3A_206 = arith.addi %add3A_146, %add3A_205 : i32
        %sub3A_207 = arith.constant 1 : i32
        %sub3A_208 = arith.subi %add3A_206, %sub3A_207 : i32
        %mul3A_209 = arith.constant 64 : i32
        %mul3A_210 = arith.muli %sub3A_208, %mul3A_209 : i32
        %dma_start3A_211 = tpu.memref_slice %arg6[%mul3A_210] : memref<10000xi32, #tpu.memory_space<vmem>> -> memref<64xi32, #tpu.memory_space<vmem>>
        %dma_start3A_212 = arith.constant 0 : i32
        %dma_start3A_213 = arith.constant 0 : i32
        %dma_start3A_214 = tpu.memref_slice %arg2[%dma_start3A_212, %dma_start3A_213] : memref<10000x128xf32, #tpu.memory_space<hbm>> -> memref<10000x128xf32, #tpu.memory_space<hbm>>
        tpu.enqueue_indirect_dma source(%dma_start3A_214 : memref<10000x128xf32, #tpu.memory_space<hbm>>) target(%arg8 : memref<64x128xf32, #tpu.memory_space<vmem>>) offsets(%dma_start3A_211 : memref<64xi32, #tpu.memory_space<vmem>>) semaphore(%arg17 : memref<!tpu.dma_semaphore, #tpu.memory_space<semaphore_mem>>)
        %mul3A_215 = arith.constant 64 : i32
        %mul3A_216 = arith.muli %sub3A_208, %mul3A_215 : i32
        %add3A_217 = arith.addi %mul3A_2, %mul3A_216 : i32
        %dma_start3A_218 = tpu.memref_slice %arg4[%add3A_217] : memref<320000xi32, #tpu.memory_space<hbm>> -> memref<64xi32, #tpu.memory_space<hbm>>
        %dma_start3A_219 = tpu.memref_slice %arg4[%add3A_217] : memref<320000xi32, #tpu.memory_space<hbm>> -> memref<64xi32, #tpu.memory_space<hbm>>
        tpu.enqueue_dma source(%dma_start3A_219 : memref<64xi32, #tpu.memory_space<hbm>>) target(%arg12 : memref<64xi32, #tpu.memory_space<vmem>>) target_semaphore(%arg19 : memref<!tpu.dma_semaphore, #tpu.memory_space<semaphore_mem>>)
      } else {
      }
      %dma_wait3A_168 = arith.constant 0 : i32
      %dma_wait3A_169 = tpu.memref_slice %arg4[%dma_wait3A_168] : memref<320000xi32, #tpu.memory_space<hbm>> -> memref<64xi32, #tpu.memory_space<hbm>>
      %dma_wait3A_170 = arith.constant 0 : i32
      %dma_wait3A_171 = tpu.memref_slice %arg4[%dma_wait3A_170] : memref<320000xi32, #tpu.memory_space<hbm>> -> memref<64xi32, #tpu.memory_space<hbm>>
      tpu.wait_dma2 semaphore(%arg19 : memref<!tpu.dma_semaphore, #tpu.memory_space<semaphore_mem>>) src(%dma_wait3A_171 : memref<64xi32, #tpu.memory_space<hbm>>) dst(%arg13 : memref<64xi32, #tpu.memory_space<vmem>>)
      %dma_start3A_172 = arith.constant 0 : i32
      %dma_start3A_173 = arith.constant 0 : i32
      %dma_start3A_174 = tpu.memref_slice %arg16[%dma_start3A_172, %dma_start3A_173] : memref<10000x128xf32, #tpu.memory_space<vmem_shared>> -> memref<10000x128xf32, #tpu.memory_space<vmem_shared>>
      tpu.enqueue_indirect_dma source(%arg9 : memref<64x128xf32, #tpu.memory_space<vmem>>) target(%dma_start3A_174 : memref<10000x128xf32, #tpu.memory_space<vmem_shared>>) offsets(%arg13 : memref<64xi32, #tpu.memory_space<vmem>>) semaphore(%arg18 : memref<!tpu.dma_semaphore, #tpu.memory_space<semaphore_mem>>) {add = true}
      %add3A_175 = arith.constant 3 : i32
      %add3A_176 = arith.addi %mul3A_88, %add3A_175 : i32
      %dma_wait3A_177 = arith.constant 0 : i32
      %dma_wait3A_178 = arith.constant 0 : i32
      %dma_wait3A_179 = tpu.memref_slice %arg2[%dma_wait3A_177, %dma_wait3A_178] : memref<10000x128xf32, #tpu.memory_space<hbm>> -> memref<64x128xf32, #tpu.memory_space<hbm>>
      %dma_wait3A_180 = arith.constant 0 : i32
      %dma_wait3A_181 = arith.constant 0 : i32
      %dma_wait3A_182 = tpu.memref_slice %arg2[%dma_wait3A_180, %dma_wait3A_181] : memref<10000x128xf32, #tpu.memory_space<hbm>> -> memref<64x128xf32, #tpu.memory_space<hbm>>
      tpu.wait_dma2 semaphore(%arg17 : memref<!tpu.dma_semaphore, #tpu.memory_space<semaphore_mem>>) src(%dma_wait3A_182 : memref<64x128xf32, #tpu.memory_space<hbm>>) dst(%arg10 : memref<64x128xf32, #tpu.memory_space<vmem>>)
      %dma_wait3A_183 = arith.constant 0 : i32
      %dma_wait3A_184 = arith.constant 0 : i32
      %dma_wait3A_185 = tpu.memref_slice %arg2[%dma_wait3A_183, %dma_wait3A_184] : memref<10000x128xf32, #tpu.memory_space<hbm>> -> memref<64x128xf32, #tpu.memory_space<hbm>>
      %dma_wait3A_186 = arith.constant 0 : i32
      %dma_wait3A_187 = arith.constant 0 : i32
      %dma_wait3A_188 = tpu.memref_slice %arg2[%dma_wait3A_186, %dma_wait3A_187] : memref<10000x128xf32, #tpu.memory_space<hbm>> -> memref<64x128xf32, #tpu.memory_space<hbm>>
      tpu.wait_dma2 semaphore(%arg18 : memref<!tpu.dma_semaphore, #tpu.memory_space<semaphore_mem>>) src(%dma_wait3A_188 : memref<64x128xf32, #tpu.memory_space<hbm>>) dst(%arg9 : memref<64x128xf32, #tpu.memory_space<vmem>>)
      %add3A_189 = arith.constant 4 : i32
      %add3A_190 = arith.addi %add3A_176, %add3A_189 : i32
      %sub3A_191 = arith.constant 1 : i32
      %sub3A_192 = arith.subi %add3A_190, %sub3A_191 : i32
      %lt3A_193 = arith.constant 156 : i32
      %lt3A_194 = arith.cmpi slt, %sub3A_192, %lt3A_193 : i32
      %convert_element_type3A_195 = arith.extui %lt3A_194 : i1 to i32
      %cond3A_196 = arith.constant 0 : i32
      %cond3A_197 = arith.cmpi ne, %convert_element_type3A_195, %cond3A_196 : i32
      scf.if %cond3A_197 {
        %add3A_205 = arith.constant 4 : i32
        %add3A_206 = arith.addi %add3A_176, %add3A_205 : i32
        %sub3A_207 = arith.constant 1 : i32
        %sub3A_208 = arith.subi %add3A_206, %sub3A_207 : i32
        %mul3A_209 = arith.constant 64 : i32
        %mul3A_210 = arith.muli %sub3A_208, %mul3A_209 : i32
        %dma_start3A_211 = tpu.memref_slice %arg6[%mul3A_210] : memref<10000xi32, #tpu.memory_space<vmem>> -> memref<64xi32, #tpu.memory_space<vmem>>
        %dma_start3A_212 = arith.constant 0 : i32
        %dma_start3A_213 = arith.constant 0 : i32
        %dma_start3A_214 = tpu.memref_slice %arg2[%dma_start3A_212, %dma_start3A_213] : memref<10000x128xf32, #tpu.memory_space<hbm>> -> memref<10000x128xf32, #tpu.memory_space<hbm>>
        tpu.enqueue_indirect_dma source(%dma_start3A_214 : memref<10000x128xf32, #tpu.memory_space<hbm>>) target(%arg9 : memref<64x128xf32, #tpu.memory_space<vmem>>) offsets(%dma_start3A_211 : memref<64xi32, #tpu.memory_space<vmem>>) semaphore(%arg17 : memref<!tpu.dma_semaphore, #tpu.memory_space<semaphore_mem>>)
        %mul3A_215 = arith.constant 64 : i32
        %mul3A_216 = arith.muli %sub3A_208, %mul3A_215 : i32
        %add3A_217 = arith.addi %mul3A_2, %mul3A_216 : i32
        %dma_start3A_218 = tpu.memref_slice %arg4[%add3A_217] : memref<320000xi32, #tpu.memory_space<hbm>> -> memref<64xi32, #tpu.memory_space<hbm>>
        %dma_start3A_219 = tpu.memref_slice %arg4[%add3A_217] : memref<320000xi32, #tpu.memory_space<hbm>> -> memref<64xi32, #tpu.memory_space<hbm>>
        tpu.enqueue_dma source(%dma_start3A_219 : memref<64xi32, #tpu.memory_space<hbm>>) target(%arg13 : memref<64xi32, #tpu.memory_space<vmem>>) target_semaphore(%arg19 : memref<!tpu.dma_semaphore, #tpu.memory_space<semaphore_mem>>)
      } else {
      }
      %dma_wait3A_198 = arith.constant 0 : i32
      %dma_wait3A_199 = tpu.memref_slice %arg4[%dma_wait3A_198] : memref<320000xi32, #tpu.memory_space<hbm>> -> memref<64xi32, #tpu.memory_space<hbm>>
      %dma_wait3A_200 = arith.constant 0 : i32
      %dma_wait3A_201 = tpu.memref_slice %arg4[%dma_wait3A_200] : memref<320000xi32, #tpu.memory_space<hbm>> -> memref<64xi32, #tpu.memory_space<hbm>>
      tpu.wait_dma2 semaphore(%arg19 : memref<!tpu.dma_semaphore, #tpu.memory_space<semaphore_mem>>) src(%dma_wait3A_201 : memref<64xi32, #tpu.memory_space<hbm>>) dst(%arg14 : memref<64xi32, #tpu.memory_space<vmem>>)
      %dma_start3A_202 = arith.constant 0 : i32
      %dma_start3A_203 = arith.constant 0 : i32
      %dma_start3A_204 = tpu.memref_slice %arg16[%dma_start3A_202, %dma_start3A_203] : memref<10000x128xf32, #tpu.memory_space<vmem_shared>> -> memref<10000x128xf32, #tpu.memory_space<vmem_shared>>
      tpu.enqueue_indirect_dma source(%arg10 : memref<64x128xf32, #tpu.memory_space<vmem>>) target(%dma_start3A_204 : memref<10000x128xf32, #tpu.memory_space<vmem_shared>>) offsets(%arg14 : memref<64xi32, #tpu.memory_space<vmem>>) semaphore(%arg18 : memref<!tpu.dma_semaphore, #tpu.memory_space<semaphore_mem>>) {add = true}
    }
    %scan3A_52 = arith.constant 39 : i32
    %dma_wait3A = arith.constant 0 : i32
    %dma_wait3A_53 = arith.constant 0 : i32
    %dma_wait3A_54 = tpu.memref_slice %arg2[%dma_wait3A, %dma_wait3A_53] : memref<10000x128xf32, #tpu.memory_space<hbm>> -> memref<64x128xf32, #tpu.memory_space<hbm>>
    %dma_wait3A_55 = arith.constant 0 : i32
    %dma_wait3A_56 = arith.constant 0 : i32
    %dma_wait3A_57 = tpu.memref_slice %arg2[%dma_wait3A_55, %dma_wait3A_56] : memref<10000x128xf32, #tpu.memory_space<hbm>> -> memref<64x128xf32, #tpu.memory_space<hbm>>
    tpu.wait_dma2 semaphore(%arg18 : memref<!tpu.dma_semaphore, #tpu.memory_space<semaphore_mem>>) src(%dma_wait3A_57 : memref<64x128xf32, #tpu.memory_space<hbm>>) dst(%arg10 : memref<64x128xf32, #tpu.memory_space<vmem>>)
    %add3A_58 = arith.constant 9984 : i32
    %add3A_59 = arith.addi %mul3A_2, %add3A_58 : i32
    "tpu.region"() ({
      %run_scoped3A = tpu.sem_alloc : memref<!tpu.dma_semaphore, #tpu.memory_space<semaphore_mem>>
      %dma_start3A_82 = tpu.memref_slice %arg4[%add3A_59] : memref<320000xi32, #tpu.memory_space<hbm>> -> memref<16xi32, #tpu.memory_space<hbm>>
      %dma_start3A_83 = tpu.memref_slice %arg4[%add3A_59] : memref<320000xi32, #tpu.memory_space<hbm>> -> memref<16xi32, #tpu.memory_space<hbm>>
      tpu.enqueue_dma source(%dma_start3A_83 : memref<16xi32, #tpu.memory_space<hbm>>) target(%arg15 : memref<16xi32, #tpu.memory_space<vmem>>) target_semaphore(%run_scoped3A : memref<!tpu.dma_semaphore, #tpu.memory_space<semaphore_mem>>)
      %dma_wait3A_84 = tpu.memref_slice %arg4[%add3A_59] : memref<320000xi32, #tpu.memory_space<hbm>> -> memref<16xi32, #tpu.memory_space<hbm>>
      %dma_wait3A_85 = tpu.memref_slice %arg4[%add3A_59] : memref<320000xi32, #tpu.memory_space<hbm>> -> memref<16xi32, #tpu.memory_space<hbm>>
      tpu.wait_dma2 semaphore(%run_scoped3A : memref<!tpu.dma_semaphore, #tpu.memory_space<semaphore_mem>>) src(%dma_wait3A_85 : memref<16xi32, #tpu.memory_space<hbm>>) dst(%arg15 : memref<16xi32, #tpu.memory_space<vmem>>)
      tpu.yield
    }) : () -> ()
    %dma_start3A_60 = arith.constant 0 : i32
    %dma_start3A_61 = arith.constant 0 : i32
    %dma_start3A_62 = tpu.memref_slice %arg7[%dma_start3A_60, %dma_start3A_61] : memref<64x128xf32, #tpu.memory_space<vmem>> -> memref<16x128xf32, #tpu.memory_space<vmem>>
    %dma_start3A_63 = arith.constant 9984 : i32
    %dma_start3A_64 = tpu.memref_slice %arg6[%dma_start3A_63] : memref<10000xi32, #tpu.memory_space<vmem>> -> memref<16xi32, #tpu.memory_space<vmem>>
    %dma_start3A_65 = arith.constant 0 : i32
    %dma_start3A_66 = arith.constant 0 : i32
    %dma_start3A_67 = tpu.memref_slice %arg2[%dma_start3A_65, %dma_start3A_66] : memref<10000x128xf32, #tpu.memory_space<hbm>> -> memref<10000x128xf32, #tpu.memory_space<hbm>>
    tpu.enqueue_indirect_dma source(%dma_start3A_67 : memref<10000x128xf32, #tpu.memory_space<hbm>>) target(%dma_start3A_62 : memref<16x128xf32, #tpu.memory_space<vmem>>) offsets(%dma_start3A_64 : memref<16xi32, #tpu.memory_space<vmem>>) semaphore(%arg17 : memref<!tpu.dma_semaphore, #tpu.memory_space<semaphore_mem>>)
    %dma_wait3A_68 = arith.constant 0 : i32
    %dma_wait3A_69 = arith.constant 0 : i32
    %dma_wait3A_70 = tpu.memref_slice %arg7[%dma_wait3A_68, %dma_wait3A_69] : memref<64x128xf32, #tpu.memory_space<vmem>> -> memref<16x128xf32, #tpu.memory_space<vmem>>
    %dma_wait3A_71 = arith.constant 9984 : i32
    %dma_wait3A_72 = tpu.memref_slice %arg6[%dma_wait3A_71] : memref<10000xi32, #tpu.memory_space<vmem>> -> memref<16xi32, #tpu.memory_space<vmem>>
    %dma_wait3A_73 = arith.constant 0 : i32
    %dma_wait3A_74 = arith.constant 0 : i32
    %dma_wait3A_75 = tpu.memref_slice %arg2[%dma_wait3A_73, %dma_wait3A_74] : memref<10000x128xf32, #tpu.memory_space<hbm>> -> memref<10000x128xf32, #tpu.memory_space<hbm>>
    tpu.wait_indirect_dma semaphore(%arg17 : memref<!tpu.dma_semaphore, #tpu.memory_space<semaphore_mem>>) src(%dma_wait3A_75 : memref<10000x128xf32, #tpu.memory_space<hbm>>) dst(%dma_wait3A_70 : memref<16x128xf32, #tpu.memory_space<vmem>>)
    "tpu.region"() ({
      %run_scoped3A = tpu.sem_alloc : memref<!tpu.dma_semaphore, #tpu.memory_space<semaphore_mem>>
      %dma_start3A_82 = arith.constant 0 : i32
      %dma_start3A_83 = arith.constant 0 : i32
      %dma_start3A_84 = tpu.memref_slice %arg7[%dma_start3A_82, %dma_start3A_83] : memref<64x128xf32, #tpu.memory_space<vmem>> -> memref<16x128xf32, #tpu.memory_space<vmem>>
      %dma_start3A_85 = arith.constant 0 : i32
      %dma_start3A_86 = arith.constant 0 : i32
      %dma_start3A_87 = tpu.memref_slice %arg16[%dma_start3A_85, %dma_start3A_86] : memref<10000x128xf32, #tpu.memory_space<vmem_shared>> -> memref<10000x128xf32, #tpu.memory_space<vmem_shared>>
      tpu.enqueue_indirect_dma source(%dma_start3A_84 : memref<16x128xf32, #tpu.memory_space<vmem>>) target(%dma_start3A_87 : memref<10000x128xf32, #tpu.memory_space<vmem_shared>>) offsets(%arg15 : memref<16xi32, #tpu.memory_space<vmem>>) semaphore(%run_scoped3A : memref<!tpu.dma_semaphore, #tpu.memory_space<semaphore_mem>>) {add = true}
      %dma_wait3A_88 = arith.constant 0 : i32
      %dma_wait3A_89 = arith.constant 0 : i32
      %dma_wait3A_90 = tpu.memref_slice %arg7[%dma_wait3A_88, %dma_wait3A_89] : memref<64x128xf32, #tpu.memory_space<vmem>> -> memref<16x128xf32, #tpu.memory_space<vmem>>
      %dma_wait3A_91 = arith.constant 0 : i32
      %dma_wait3A_92 = arith.constant 0 : i32
      %dma_wait3A_93 = tpu.memref_slice %arg16[%dma_wait3A_91, %dma_wait3A_92] : memref<10000x128xf32, #tpu.memory_space<vmem_shared>> -> memref<10000x128xf32, #tpu.memory_space<vmem_shared>>
      tpu.wait_indirect_dma semaphore(%run_scoped3A : memref<!tpu.dma_semaphore, #tpu.memory_space<semaphore_mem>>) src(%dma_wait3A_90 : memref<16x128xf32, #tpu.memory_space<vmem>>) dst(%dma_wait3A_93 : memref<10000x128xf32, #tpu.memory_space<vmem_shared>>)
      tpu.yield
    }) : () -> ()
    %barrier3A_76 = arith.constant 0 : index
    tpu.barrier barrier_id(%barrier3A_76)
    "tpu.region"() ({
      %run_scoped3A = tpu.sem_alloc : memref<!tpu.dma_semaphore, #tpu.memory_space<semaphore_mem>>
      %dma_start3A_82 = arith.constant 0 : i32
      %dma_start3A_83 = tpu.memref_slice %arg5[%arg0, %mul3A_36, %dma_start3A_82] : memref<2x10000x128xf32, #tpu.memory_space<hbm>> -> memref<1x624x128xf32, #tpu.memory_space<hbm>>
      %dma_start3A_84 = tpu.memref_squeeze %dma_start3A_83 : memref<1x624x128xf32, #tpu.memory_space<hbm>> -> memref<624x128xf32, #tpu.memory_space<hbm>>
      %dma_start3A_85 = arith.constant 0 : i32
      %dma_start3A_86 = tpu.memref_slice %arg16[%mul3A_36, %dma_start3A_85] : memref<10000x128xf32, #tpu.memory_space<vmem_shared>> -> memref<624x128xf32, #tpu.memory_space<vmem_shared>>
      tpu.enqueue_dma source(%dma_start3A_86 : memref<624x128xf32, #tpu.memory_space<vmem_shared>>) target(%dma_start3A_84 : memref<624x128xf32, #tpu.memory_space<hbm>>) target_semaphore(%run_scoped3A : memref<!tpu.dma_semaphore, #tpu.memory_space<semaphore_mem>>)
      %dma_wait3A_87 = arith.constant 0 : i32
      %dma_wait3A_88 = tpu.memref_slice %arg5[%arg0, %mul3A_36, %dma_wait3A_87] : memref<2x10000x128xf32, #tpu.memory_space<hbm>> -> memref<1x624x128xf32, #tpu.memory_space<hbm>>
      %dma_wait3A_89 = tpu.memref_squeeze %dma_wait3A_88 : memref<1x624x128xf32, #tpu.memory_space<hbm>> -> memref<624x128xf32, #tpu.memory_space<hbm>>
      %dma_wait3A_90 = arith.constant 0 : i32
      %dma_wait3A_91 = tpu.memref_slice %arg16[%mul3A_36, %dma_wait3A_90] : memref<10000x128xf32, #tpu.memory_space<vmem_shared>> -> memref<624x128xf32, #tpu.memory_space<vmem_shared>>
      tpu.wait_dma2 semaphore(%run_scoped3A : memref<!tpu.dma_semaphore, #tpu.memory_space<semaphore_mem>>) src(%dma_wait3A_91 : memref<624x128xf32, #tpu.memory_space<vmem_shared>>) dst(%dma_wait3A_89 : memref<624x128xf32, #tpu.memory_space<hbm>>)
      tpu.yield
    }) : () -> ()
    %eq3A_77 = arith.constant 0 : i32
    %eq3A_78 = arith.cmpi eq, %arg1, %eq3A_77 : i32
    %convert_element_type3A_79 = arith.extui %eq3A_78 : i1 to i32
    %cond3A_80 = arith.constant 0 : i32
    %cond3A_81 = arith.cmpi ne, %convert_element_type3A_79, %cond3A_80 : i32
    scf.if %cond3A_81 {
      "tpu.region"() ({
        %run_scoped3A = tpu.sem_alloc : memref<!tpu.dma_semaphore, #tpu.memory_space<semaphore_mem>>
        %dma_start3A_82 = arith.constant 9984 : i32
        %dma_start3A_83 = arith.constant 0 : i32
        %dma_start3A_84 = tpu.memref_slice %arg5[%arg0, %dma_start3A_82, %dma_start3A_83] : memref<2x10000x128xf32, #tpu.memory_space<hbm>> -> memref<1x16x128xf32, #tpu.memory_space<hbm>>
        %dma_start3A_85 = tpu.memref_squeeze %dma_start3A_84 : memref<1x16x128xf32, #tpu.memory_space<hbm>> -> memref<16x128xf32, #tpu.memory_space<hbm>>
        %dma_start3A_86 = arith.constant 9984 : i32
        %dma_start3A_87 = arith.constant 0 : i32
        %dma_start3A_88 = tpu.memref_slice %arg16[%dma_start3A_86, %dma_start3A_87] : memref<10000x128xf32, #tpu.memory_space<vmem_shared>> -> memref<16x128xf32, #tpu.memory_space<vmem_shared>>
        tpu.enqueue_dma source(%dma_start3A_88 : memref<16x128xf32, #tpu.memory_space<vmem_shared>>) target(%dma_start3A_85 : memref<16x128xf32, #tpu.memory_space<hbm>>) target_semaphore(%run_scoped3A : memref<!tpu.dma_semaphore, #tpu.memory_space<semaphore_mem>>)
        %dma_wait3A_89 = arith.constant 9984 : i32
        %dma_wait3A_90 = arith.constant 0 : i32
        %dma_wait3A_91 = tpu.memref_slice %arg5[%arg0, %dma_wait3A_89, %dma_wait3A_90] : memref<2x10000x128xf32, #tpu.memory_space<hbm>> -> memref<1x16x128xf32, #tpu.memory_space<hbm>>
        %dma_wait3A_92 = tpu.memref_squeeze %dma_wait3A_91 : memref<1x16x128xf32, #tpu.memory_space<hbm>> -> memref<16x128xf32, #tpu.memory_space<hbm>>
        %dma_wait3A_93 = arith.constant 9984 : i32
        %dma_wait3A_94 = arith.constant 0 : i32
        %dma_wait3A_95 = tpu.memref_slice %arg16[%dma_wait3A_93, %dma_wait3A_94] : memref<10000x128xf32, #tpu.memory_space<vmem_shared>> -> memref<16x128xf32, #tpu.memory_space<vmem_shared>>
        tpu.wait_dma2 semaphore(%run_scoped3A : memref<!tpu.dma_semaphore, #tpu.memory_space<semaphore_mem>>) src(%dma_wait3A_95 : memref<16x128xf32, #tpu.memory_space<vmem_shared>>) dst(%dma_wait3A_92 : memref<16x128xf32, #tpu.memory_space<hbm>>)
        tpu.yield
      }) : () -> ()
    } else {
    }
    return
  }
}

#map = affine_map<(d0, d1) -> (0, 0)>
#map1 = affine_map<(d0, d1) -> (0)>
#map2 = affine_map<(d0, d1) -> (0, 0, 0)>
module attributes {stable_mosaic.version = 14 : i64} {
  func.func @k(%arg0: i32, %arg1: i32, %arg2: memref<10000x128xf32, #tpu.memory_space<hbm>>, %arg3: memref<320000xi32, #tpu.memory_space<hbm>>, %arg4: memref<320000xi32, #tpu.memory_space<hbm>>, %arg5: memref<2x10000x128xf32, #tpu.memory_space<hbm>>, %arg6: memref<10000xi32, #tpu.memory_space<vmem>>, %arg7: memref<64x128xf32, #tpu.memory_space<vmem>>, %arg8: memref<64x128xf32, #tpu.memory_space<vmem>>, %arg9: memref<64x128xf32, #tpu.memory_space<vmem>>, %arg10: memref<64x128xf32, #tpu.memory_space<vmem>>, %arg11: memref<64xi32, #tpu.memory_space<vmem>>, %arg12: memref<64xi32, #tpu.memory_space<vmem>>, %arg13: memref<64xi32, #tpu.memory_space<vmem>>, %arg14: memref<64xi32, #tpu.memory_space<vmem>>, %arg15: memref<16xi32, #tpu.memory_space<vmem>>, %arg16: memref<10000x128xf32, #tpu.memory_space<vmem_shared>>, %arg17: memref<!tpu.dma_semaphore, #tpu.memory_space<semaphore_mem>>, %arg18: memref<!tpu.dma_semaphore, #tpu.memory_space<semaphore_mem>>, %arg19: memref<!tpu.dma_semaphore, #tpu.memory_space<semaphore_mem>>) attributes {dimension_semantics = [#tpu.dimension_semantics<core_parallel>, #tpu.dimension_semantics<subcore_parallel>], iteration_bounds = array<i64: 2, 16>, scalar_prefetch = 0 : i64, scratch_operands = 14 : i64, tpu.core_type = #tpu.core_type<sc_vector_subcore>, window_params = [{transform_indices = #map}, {transform_indices = #map1}, {transform_indices = #map1}, {transform_indices = #map2}]} {
    %mul3A = arith.constant 2 : i32
    %mul3A_0 = arith.muli %arg1, %mul3A : i32
    %add3A = arith.addi %mul3A_0, %arg0 : i32
    %mul3A_1 = arith.constant 10000 : i32
    %mul3A_2 = arith.muli %add3A, %mul3A_1 : i32
    "tpu.region"() ({
      %run_scoped3A = tpu.sem_alloc : memref<!tpu.dma_semaphore, #tpu.memory_space<semaphore_mem>>
      %dma_start3A_82 = tpu.memref_slice %arg3[%mul3A_2] : memref<320000xi32, #tpu.memory_space<hbm>> -> memref<10000xi32, #tpu.memory_space<hbm>>
      %dma_start3A_83 = tpu.memref_slice %arg3[%mul3A_2] : memref<320000xi32, #tpu.memory_space<hbm>> -> memref<10000xi32, #tpu.memory_space<hbm>>
      tpu.enqueue_dma source(%dma_start3A_83 : memref<10000xi32, #tpu.memory_space<hbm>>) target(%arg6 : memref<10000xi32, #tpu.memory_space<vmem>>) target_semaphore(%run_scoped3A : memref<!tpu.dma_semaphore, #tpu.memory_space<semaphore_mem>>)
      %dma_wait3A_84 = tpu.memref_slice %arg3[%mul3A_2] : memref<320000xi32, #tpu.memory_space<hbm>> -> memref<10000xi32, #tpu.memory_space<hbm>>
      %dma_wait3A_85 = tpu.memref_slice %arg3[%mul3A_2] : memref<320000xi32, #tpu.memory_space<hbm>> -> memref<10000xi32, #tpu.memory_space<hbm>>
      tpu.wait_dma2 semaphore(%run_scoped3A : memref<!tpu.dma_semaphore, #tpu.memory_space<semaphore_mem>>) src(%dma_wait3A_85 : memref<10000xi32, #tpu.memory_space<hbm>>) dst(%arg6 : memref<10000xi32, #tpu.memory_space<vmem>>)
      tpu.yield
    }) : () -> ()
    %dma_start3A = arith.constant 0 : i32
    %dma_start3A_3 = tpu.memref_slice %arg6[%dma_start3A] : memref<10000xi32, #tpu.memory_space<vmem>> -> memref<64xi32, #tpu.memory_space<vmem>>
    %dma_start3A_4 = arith.constant 0 : i32
    %dma_start3A_5 = arith.constant 0 : i32
    %dma_start3A_6 = tpu.memref_slice %arg2[%dma_start3A_4, %dma_start3A_5] : memref<10000x128xf32, #tpu.memory_space<hbm>> -> memref<10000x128xf32, #tpu.memory_space<hbm>>
    tpu.enqueue_indirect_dma source(%dma_start3A_6 : memref<10000x128xf32, #tpu.memory_space<hbm>>) target(%arg7 : memref<64x128xf32, #tpu.memory_space<vmem>>) offsets(%dma_start3A_3 : memref<64xi32, #tpu.memory_space<vmem>>) semaphore(%arg17 : memref<!tpu.dma_semaphore, #tpu.memory_space<semaphore_mem>>)
    %add3A_7 = arith.constant 0 : i32
    %add3A_8 = arith.addi %mul3A_2, %add3A_7 : i32
    %dma_start3A_9 = tpu.memref_slice %arg4[%add3A_8] : memref<320000xi32, #tpu.memory_space<hbm>> -> memref<64xi32, #tpu.memory_space<hbm>>
    %dma_start3A_10 = tpu.memref_slice %arg4[%add3A_8] : memref<320000xi32, #tpu.memory_space<hbm>> -> memref<64xi32, #tpu.memory_space<hbm>>
    tpu.enqueue_dma source(%dma_start3A_10 : memref<64xi32, #tpu.memory_space<hbm>>) target(%arg11 : memref<64xi32, #tpu.memory_space<vmem>>) target_semaphore(%arg19 : memref<!tpu.dma_semaphore, #tpu.memory_space<semaphore_mem>>)
    %dma_start3A_11 = arith.constant 64 : i32
    %dma_start3A_12 = tpu.memref_slice %arg6[%dma_start3A_11] : memref<10000xi32, #tpu.memory_space<vmem>> -> memref<64xi32, #tpu.memory_space<vmem>>
    %dma_start3A_13 = arith.constant 0 : i32
    %dma_start3A_14 = arith.constant 0 : i32
    %dma_start3A_15 = tpu.memref_slice %arg2[%dma_start3A_13, %dma_start3A_14] : memref<10000x128xf32, #tpu.memory_space<hbm>> -> memref<10000x128xf32, #tpu.memory_space<hbm>>
    tpu.enqueue_indirect_dma source(%dma_start3A_15 : memref<10000x128xf32, #tpu.memory_space<hbm>>) target(%arg8 : memref<64x128xf32, #tpu.memory_space<vmem>>) offsets(%dma_start3A_12 : memref<64xi32, #tpu.memory_space<vmem>>) semaphore(%arg17 : memref<!tpu.dma_semaphore, #tpu.memory_space<semaphore_mem>>)
    %add3A_16 = arith.constant 64 : i32
    %add3A_17 = arith.addi %mul3A_2, %add3A_16 : i32
    %dma_start3A_18 = tpu.memref_slice %arg4[%add3A_17] : memref<320000xi32, #tpu.memory_space<hbm>> -> memref<64xi32, #tpu.memory_space<hbm>>
    %dma_start3A_19 = tpu.memref_slice %arg4[%add3A_17] : memref<320000xi32, #tpu.memory_space<hbm>> -> memref<64xi32, #tpu.memory_space<hbm>>
    tpu.enqueue_dma source(%dma_start3A_19 : memref<64xi32, #tpu.memory_space<hbm>>) target(%arg12 : memref<64xi32, #tpu.memory_space<vmem>>) target_semaphore(%arg19 : memref<!tpu.dma_semaphore, #tpu.memory_space<semaphore_mem>>)
    %dma_start3A_20 = arith.constant 128 : i32
    %dma_start3A_21 = tpu.memref_slice %arg6[%dma_start3A_20] : memref<10000xi32, #tpu.memory_space<vmem>> -> memref<64xi32, #tpu.memory_space<vmem>>
    %dma_start3A_22 = arith.constant 0 : i32
    %dma_start3A_23 = arith.constant 0 : i32
    %dma_start3A_24 = tpu.memref_slice %arg2[%dma_start3A_22, %dma_start3A_23] : memref<10000x128xf32, #tpu.memory_space<hbm>> -> memref<10000x128xf32, #tpu.memory_space<hbm>>
    tpu.enqueue_indirect_dma source(%dma_start3A_24 : memref<10000x128xf32, #tpu.memory_space<hbm>>) target(%arg9 : memref<64x128xf32, #tpu.memory_space<vmem>>) offsets(%dma_start3A_21 : memref<64xi32, #tpu.memory_space<vmem>>) semaphore(%arg17 : memref<!tpu.dma_semaphore, #tpu.memory_space<semaphore_mem>>)
    %add3A_25 = arith.constant 128 : i32
    %add3A_26 = arith.addi %mul3A_2, %add3A_25 : i32
    %dma_start3A_27 = tpu.memref_slice %arg4[%add3A_26] : memref<320000xi32, #tpu.memory_space<hbm>> -> memref<64xi32, #tpu.memory_space<hbm>>
    %dma_start3A_28 = tpu.memref_slice %arg4[%add3A_26] : memref<320000xi32, #tpu.memory_space<hbm>> -> memref<64xi32, #tpu.memory_space<hbm>>
    tpu.enqueue_dma source(%dma_start3A_28 : memref<64xi32, #tpu.memory_space<hbm>>) target(%arg13 : memref<64xi32, #tpu.memory_space<vmem>>) target_semaphore(%arg19 : memref<!tpu.dma_semaphore, #tpu.memory_space<semaphore_mem>>)
    %scan3A = arith.constant 0 : i32
    %scan3A_29 = arith.constant 0 : i32
    %scan3A_30 = arith.constant 64 : i32
    %scan3A_31 = arith.addi %scan3A_29, %scan3A_30 : i32
    %scan3A_32 = arith.constant 1 : i32
    %scan3A_33 = scf.for %scan3A_82 = %scan3A_29 to %scan3A_31 step %scan3A_32 iter_args(%scan3A_83 = %scan3A) -> (i32)  : i32 {
      %scan3A_84 = arith.constant 0 : i32
      %scan3A_85 = arith.constant 0 : i32
      %scan3A_86 = arith.constant 8 : i32
      %scan3A_87 = arith.addi %scan3A_85, %scan3A_86 : i32
      %scan3A_88 = arith.constant 1 : i32
      %scan3A_89 = scf.for %scan3A_92 = %scan3A_85 to %scan3A_87 step %scan3A_88 iter_args(%scan3A_93 = %scan3A_84) -> (i32)  : i32 {
        %broadcast_in_dim3A = arith.constant 0.000000e+00 : f32
        %broadcast_in_dim3A_94 = vector.broadcast %broadcast_in_dim3A : f32 to vector<16xf32>
        %mul3A_95 = arith.constant 16 : i32
        %mul3A_96 = arith.muli %scan3A_92, %mul3A_95 : i32
        %swap3A = arith.index_cast %scan3A_82 : i32 to index
        %swap3A_97 = arith.index_cast %mul3A_96 : i32 to index
        %swap3A_98 = tpu.vector_load %arg10[%swap3A, %swap3A_97] {strides = array<i32>} : memref<64x128xf32, #tpu.memory_space<vmem>>, vector<1x16xf32>,
        %swap3A_99 = vector.shape_cast %swap3A_98 : vector<1x16xf32> to vector<16xf32>
        %swap3A_100 = vector.shape_cast %broadcast_in_dim3A_94 : vector<16xf32> to vector<1x16xf32>
        tpu.vector_store %arg10[%swap3A, %swap3A_97], %swap3A_100 {strides = array<i32>} : memref<64x128xf32, #tpu.memory_space<vmem>>, vector<1x16xf32>,
        %scan3A_101 = arith.constant 0 : i32
        scf.yield %scan3A_101 : i32
      }
      %scan3A_90 = arith.constant 8 : i32
      %scan3A_91 = arith.constant 0 : i32
      scf.yield %scan3A_91 : i32
    }
    %scan3A_34 = arith.constant 64 : i32
    %mul3A_35 = arith.constant 624 : i32
    %mul3A_36 = arith.muli %arg1, %mul3A_35 : i32
    %scan3A_37 = arith.constant 0 : i32
    %scan3A_38 = arith.constant 0 : i32
    %scan3A_39 = arith.constant 9 : i32
    %scan3A_40 = arith.addi %scan3A_38, %scan3A_39 : i32
    %scan3A_41 = arith.constant 1 : i32
    %scan3A_42 = scf.for %scan3A_82 = %scan3A_38 to %scan3A_40 step %scan3A_41 iter_args(%scan3A_83 = %scan3A_37) -> (i32)  : i32 {
      %mul3A_84 = arith.constant 64 : i32
      %mul3A_85 = arith.muli %scan3A_82, %mul3A_84 : i32
      %add3A_86 = arith.addi %mul3A_36, %mul3A_85 : i32
      "tpu.region"() ({
        %run_scoped3A = tpu.sem_alloc : memref<!tpu.dma_semaphore, #tpu.memory_space<semaphore_mem>>
        %dma_start3A_88 = arith.constant 0 : i32
        %dma_start3A_89 = tpu.memref_slice %arg16[%add3A_86, %dma_start3A_88] : memref<10000x128xf32, #tpu.memory_space<vmem_shared>> -> memref<64x128xf32, #tpu.memory_space<vmem_shared>>
        %dma_start3A_90 = arith.constant 0 : i32
        %dma_start3A_91 = tpu.memref_slice %arg16[%add3A_86, %dma_start3A_90] : memref<10000x128xf32, #tpu.memory_space<vmem_shared>> -> memref<64x128xf32, #tpu.memory_space<vmem_shared>>
        tpu.enqueue_dma source(%arg10 : memref<64x128xf32, #tpu.memory_space<vmem>>) target(%dma_start3A_91 : memref<64x128xf32, #tpu.memory_space<vmem_shared>>) target_semaphore(%run_scoped3A : memref<!tpu.dma_semaphore, #tpu.memory_space<semaphore_mem>>)
        %dma_wait3A_92 = arith.constant 0 : i32
        %dma_wait3A_93 = tpu.memref_slice %arg16[%add3A_86, %dma_wait3A_92] : memref<10000x128xf32, #tpu.memory_space<vmem_shared>> -> memref<64x128xf32, #tpu.memory_space<vmem_shared>>
        %dma_wait3A_94 = arith.constant 0 : i32
        %dma_wait3A_95 = tpu.memref_slice %arg16[%add3A_86, %dma_wait3A_94] : memref<10000x128xf32, #tpu.memory_space<vmem_shared>> -> memref<64x128xf32, #tpu.memory_space<vmem_shared>>
        tpu.wait_dma2 semaphore(%run_scoped3A : memref<!tpu.dma_semaphore, #tpu.memory_space<semaphore_mem>>) src(%arg10 : memref<64x128xf32, #tpu.memory_space<vmem>>) dst(%dma_wait3A_95 : memref<64x128xf32, #tpu.memory_space<vmem_shared>>)
        tpu.yield
      }) : () -> ()
      %scan3A_87 = arith.constant 0 : i32
      scf.yield %scan3A_87 : i32
    }
    %scan3A_43 = arith.constant 9 : i32
    %add3A_44 = arith.constant 576 : i32
    %add3A_45 = arith.addi %mul3A_36, %add3A_44 : i32
    "tpu.region"() ({
      %run_scoped3A = tpu.sem_alloc : memref<!tpu.dma_semaphore, #tpu.memory_space<semaphore_mem>>
      %dma_start3A_82 = arith.constant 0 : i32
      %dma_start3A_83 = arith.constant 0 : i32
      %dma_start3A_84 = tpu.memref_slice %arg10[%dma_start3A_82, %dma_start3A_83] : memref<64x128xf32, #tpu.memory_space<vmem>> -> memref<48x128xf32, #tpu.memory_space<vmem>>
      %dma_start3A_85 = arith.constant 0 : i32
      %dma_start3A_86 = tpu.memref_slice %arg16[%add3A_45, %dma_start3A_85] : memref<10000x128xf32, #tpu.memory_space<vmem_shared>> -> memref<48x128xf32, #tpu.memory_space<vmem_shared>>
      %dma_start3A_87 = arith.constant 0 : i32
      %dma_start3A_88 = tpu.memref_slice %arg16[%add3A_45, %dma_start3A_87] : memref<10000x128xf32, #tpu.memory_space<vmem_shared>> -> memref<48x128xf32, #tpu.memory_space<vmem_shared>>
      %dma_start3A_89 = arith.constant 0 : i32
      %dma_start3A_90 = arith.constant 0 : i32
      %dma_start3A_91 = tpu.memref_slice %arg10[%dma_start3A_89, %dma_start3A_90] : memref<64x128xf32, #tpu.memory_space<vmem>> -> memref<48x128xf32, #tpu.memory_space<vmem>>
      tpu.enqueue_dma source(%dma_start3A_91 : memref<48x128xf32, #tpu.memory_space<vmem>>) target(%dma_start3A_88 : memref<48x128xf32, #tpu.memory_space<vmem_shared>>) target_semaphore(%run_scoped3A : memref<!tpu.dma_semaphore, #tpu.memory_space<semaphore_mem>>)
      %dma_wait3A_92 = arith.constant 0 : i32
      %dma_wait3A_93 = arith.constant 0 : i32
      %dma_wait3A_94 = tpu.memref_slice %arg10[%dma_wait3A_92, %dma_wait3A_93] : memref<64x128xf32, #tpu.memory_space<vmem>> -> memref<48x128xf32, #tpu.memory_space<vmem>>
      %dma_wait3A_95 = arith.constant 0 : i32
      %dma_wait3A_96 = tpu.memref_slice %arg16[%add3A_45, %dma_wait3A_95] : memref<10000x128xf32, #tpu.memory_space<vmem_shared>> -> memref<48x128xf32, #tpu.memory_space<vmem_shared>>
      %dma_wait3A_97 = arith.constant 0 : i32
      %dma_wait3A_98 = tpu.memref_slice %arg16[%add3A_45, %dma_wait3A_97] : memref<10000x128xf32, #tpu.memory_space<vmem_shared>> -> memref<48x128xf32, #tpu.memory_space<vmem_shared>>
      %dma_wait3A_99 = arith.constant 0 : i32
      %dma_wait3A_100 = arith.constant 0 : i32
      %dma_wait3A_101 = tpu.memref_slice %arg10[%dma_wait3A_99, %dma_wait3A_100] : memref<64x128xf32, #tpu.memory_space<vmem>> -> memref<48x128xf32, #tpu.memory_space<vmem>>
      tpu.wait_dma2 semaphore(%run_scoped3A : memref<!tpu.dma_semaphore, #tpu.memory_space<semaphore_mem>>) src(%dma_wait3A_101 : memref<48x128xf32, #tpu.memory_space<vmem>>) dst(%dma_wait3A_98 : memref<48x128xf32, #tpu.memory_space<vmem_shared>>)
      tpu.yield
    }) : () -> ()
    %eq3A = arith.constant 0 : i32
    %eq3A_46 = arith.cmpi eq, %arg1, %eq3A : i32
    %convert_element_type3A = arith.extui %eq3A_46 : i1 to i32
    %cond3A = arith.constant 0 : i32
    %cond3A_47 = arith.cmpi ne, %convert_element_type3A, %cond3A : i32
    scf.if %cond3A_47 {
      "tpu.region"() ({
        %run_scoped3A = tpu.sem_alloc : memref<!tpu.dma_semaphore, #tpu.memory_space<semaphore_mem>>
        %dma_start3A_82 = arith.constant 0 : i32
        %dma_start3A_83 = arith.constant 0 : i32
        %dma_start3A_84 = tpu.memref_slice %arg10[%dma_start3A_82, %dma_start3A_83] : memref<64x128xf32, #tpu.memory_space<vmem>> -> memref<16x128xf32, #tpu.memory_space<vmem>>
        %dma_start3A_85 = arith.constant 9984 : i32
        %dma_start3A_86 = arith.constant 0 : i32
        %dma_start3A_87 = tpu.memref_slice %arg16[%dma_start3A_85, %dma_start3A_86] : memref<10000x128xf32, #tpu.memory_space<vmem_shared>> -> memref<16x128xf32, #tpu.memory_space<vmem_shared>>
        %dma_start3A_88 = arith.constant 9984 : i32
        %dma_start3A_89 = arith.constant 0 : i32
        %dma_start3A_90 = tpu.memref_slice %arg16[%dma_start3A_88, %dma_start3A_89] : memref<10000x128xf32, #tpu.memory_space<vmem_shared>> -> memref<16x128xf32, #tpu.memory_space<vmem_shared>>
        %dma_start3A_91 = arith.constant 0 : i32
        %dma_start3A_92 = arith.constant 0 : i32
        %dma_start3A_93 = tpu.memref_slice %arg10[%dma_start3A_91, %dma_start3A_92] : memref<64x128xf32, #tpu.memory_space<vmem>> -> memref<16x128xf32, #tpu.memory_space<vmem>>
        tpu.enqueue_dma source(%dma_start3A_93 : memref<16x128xf32, #tpu.memory_space<vmem>>) target(%dma_start3A_90 : memref<16x128xf32, #tpu.memory_space<vmem_shared>>) target_semaphore(%run_scoped3A : memref<!tpu.dma_semaphore, #tpu.memory_space<semaphore_mem>>)
        %dma_wait3A_94 = arith.constant 0 : i32
        %dma_wait3A_95 = arith.constant 0 : i32
        %dma_wait3A_96 = tpu.memref_slice %arg10[%dma_wait3A_94, %dma_wait3A_95] : memref<64x128xf32, #tpu.memory_space<vmem>> -> memref<16x128xf32, #tpu.memory_space<vmem>>
        %dma_wait3A_97 = arith.constant 9984 : i32
        %dma_wait3A_98 = arith.constant 0 : i32
        %dma_wait3A_99 = tpu.memref_slice %arg16[%dma_wait3A_97, %dma_wait3A_98] : memref<10000x128xf32, #tpu.memory_space<vmem_shared>> -> memref<16x128xf32, #tpu.memory_space<vmem_shared>>
        %dma_wait3A_100 = arith.constant 9984 : i32
        %dma_wait3A_101 = arith.constant 0 : i32
        %dma_wait3A_102 = tpu.memref_slice %arg16[%dma_wait3A_100, %dma_wait3A_101] : memref<10000x128xf32, #tpu.memory_space<vmem_shared>> -> memref<16x128xf32, #tpu.memory_space<vmem_shared>>
        %dma_wait3A_103 = arith.constant 0 : i32
        %dma_wait3A_104 = arith.constant 0 : i32
        %dma_wait3A_105 = tpu.memref_slice %arg10[%dma_wait3A_103, %dma_wait3A_104] : memref<64x128xf32, #tpu.memory_space<vmem>> -> memref<16x128xf32, #tpu.memory_space<vmem>>
        tpu.wait_dma2 semaphore(%run_scoped3A : memref<!tpu.dma_semaphore, #tpu.memory_space<semaphore_mem>>) src(%dma_wait3A_105 : memref<16x128xf32, #tpu.memory_space<vmem>>) dst(%dma_wait3A_102 : memref<16x128xf32, #tpu.memory_space<vmem_shared>>)
        tpu.yield
      }) : () -> ()
    } else {
    }
    %barrier3A = arith.constant 0 : index
    tpu.barrier barrier_id(%barrier3A)
    %scan3A_48 = arith.constant 0 : i32
    %scan3A_49 = arith.constant 39 : i32
    %scan3A_50 = arith.addi %scan3A_48, %scan3A_49 : i32
    %scan3A_51 = arith.constant 1 : i32
    scf.for %scan3A_82 = %scan3A_48 to %scan3A_50 step %scan3A_51  : i32 {
      %mul3A_83 = arith.constant 1 : i32
      %mul3A_84 = arith.muli %scan3A_82, %mul3A_83 : i32
      %add3A_85 = arith.constant 0 : i32
      %add3A_86 = arith.addi %add3A_85, %mul3A_84 : i32
      %mul3A_87 = arith.constant 4 : i32
      %mul3A_88 = arith.muli %add3A_86, %mul3A_87 : i32
      %add3A_89 = arith.constant 0 : i32
      %add3A_90 = arith.addi %mul3A_88, %add3A_89 : i32
      %dma_wait3A_91 = arith.constant 0 : i32
      %dma_wait3A_92 = arith.constant 0 : i32
      %dma_wait3A_93 = tpu.memref_slice %arg2[%dma_wait3A_91, %dma_wait3A_92] : memref<10000x128xf32, #tpu.memory_space<hbm>> -> memref<64x128xf32, #tpu.memory_space<hbm>>
      %dma_wait3A_94 = arith.constant 0 : i32
      %dma_wait3A_95 = arith.constant 0 : i32
      %dma_wait3A_96 = tpu.memref_slice %arg2[%dma_wait3A_94, %dma_wait3A_95] : memref<10000x128xf32, #tpu.memory_space<hbm>> -> memref<64x128xf32, #tpu.memory_space<hbm>>
      tpu.wait_dma2 semaphore(%arg17 : memref<!tpu.dma_semaphore, #tpu.memory_space<semaphore_mem>>) src(%dma_wait3A_96 : memref<64x128xf32, #tpu.memory_space<hbm>>) dst(%arg7 : memref<64x128xf32, #tpu.memory_space<vmem>>)
      %ge3A = arith.constant 1 : i32
      %ge3A_97 = arith.cmpi sge, %add3A_90, %ge3A : i32
      %convert_element_type3A_98 = arith.extui %ge3A_97 : i1 to i32
      %cond3A_99 = arith.constant 0 : i32
      %cond3A_100 = arith.cmpi ne, %convert_element_type3A_98, %cond3A_99 : i32
      scf.if %cond3A_100 {
        %dma_wait3A_205 = arith.constant 0 : i32
        %dma_wait3A_206 = arith.constant 0 : i32
        %dma_wait3A_207 = tpu.memref_slice %arg2[%dma_wait3A_205, %dma_wait3A_206] : memref<10000x128xf32, #tpu.memory_space<hbm>> -> memref<64x128xf32, #tpu.memory_space<hbm>>
        %dma_wait3A_208 = arith.constant 0 : i32
        %dma_wait3A_209 = arith.constant 0 : i32
        %dma_wait3A_210 = tpu.memref_slice %arg2[%dma_wait3A_208, %dma_wait3A_209] : memref<10000x128xf32, #tpu.memory_space<hbm>> -> memref<64x128xf32, #tpu.memory_space<hbm>>
        tpu.wait_dma2 semaphore(%arg18 : memref<!tpu.dma_semaphore, #tpu.memory_space<semaphore_mem>>) src(%dma_wait3A_210 : memref<64x128xf32, #tpu.memory_space<hbm>>) dst(%arg10 : memref<64x128xf32, #tpu.memory_space<vmem>>)
      } else {
      }
      %add3A_101 = arith.constant 4 : i32
      %add3A_102 = arith.addi %add3A_90, %add3A_101 : i32
      %sub3A = arith.constant 1 : i32
      %sub3A_103 = arith.subi %add3A_102, %sub3A : i32
      %lt3A = arith.constant 156 : i32
      %lt3A_104 = arith.cmpi slt, %sub3A_103, %lt3A : i32
      %convert_element_type3A_105 = arith.extui %lt3A_104 : i1 to i32
      %cond3A_106 = arith.constant 0 : i32
      %cond3A_107 = arith.cmpi ne, %convert_element_type3A_105, %cond3A_106 : i32
      scf.if %cond3A_107 {
        %add3A_205 = arith.constant 4 : i32
        %add3A_206 = arith.addi %add3A_90, %add3A_205 : i32
        %sub3A_207 = arith.constant 1 : i32
        %sub3A_208 = arith.subi %add3A_206, %sub3A_207 : i32
        %mul3A_209 = arith.constant 64 : i32
        %mul3A_210 = arith.muli %sub3A_208, %mul3A_209 : i32
        %dma_start3A_211 = tpu.memref_slice %arg6[%mul3A_210] : memref<10000xi32, #tpu.memory_space<vmem>> -> memref<64xi32, #tpu.memory_space<vmem>>
        %dma_start3A_212 = arith.constant 0 : i32
        %dma_start3A_213 = arith.constant 0 : i32
        %dma_start3A_214 = tpu.memref_slice %arg2[%dma_start3A_212, %dma_start3A_213] : memref<10000x128xf32, #tpu.memory_space<hbm>> -> memref<10000x128xf32, #tpu.memory_space<hbm>>
        tpu.enqueue_indirect_dma source(%dma_start3A_214 : memref<10000x128xf32, #tpu.memory_space<hbm>>) target(%arg10 : memref<64x128xf32, #tpu.memory_space<vmem>>) offsets(%dma_start3A_211 : memref<64xi32, #tpu.memory_space<vmem>>) semaphore(%arg17 : memref<!tpu.dma_semaphore, #tpu.memory_space<semaphore_mem>>)
        %mul3A_215 = arith.constant 64 : i32
        %mul3A_216 = arith.muli %sub3A_208, %mul3A_215 : i32
        %add3A_217 = arith.addi %mul3A_2, %mul3A_216 : i32
        %dma_start3A_218 = tpu.memref_slice %arg4[%add3A_217] : memref<320000xi32, #tpu.memory_space<hbm>> -> memref<64xi32, #tpu.memory_space<hbm>>
        %dma_start3A_219 = tpu.memref_slice %arg4[%add3A_217] : memref<320000xi32, #tpu.memory_space<hbm>> -> memref<64xi32, #tpu.memory_space<hbm>>
        tpu.enqueue_dma source(%dma_start3A_219 : memref<64xi32, #tpu.memory_space<hbm>>) target(%arg14 : memref<64xi32, #tpu.memory_space<vmem>>) target_semaphore(%arg19 : memref<!tpu.dma_semaphore, #tpu.memory_space<semaphore_mem>>)
      } else {
      }
      %dma_wait3A_108 = arith.constant 0 : i32
      %dma_wait3A_109 = tpu.memref_slice %arg4[%dma_wait3A_108] : memref<320000xi32, #tpu.memory_space<hbm>> -> memref<64xi32, #tpu.memory_space<hbm>>
      %dma_wait3A_110 = arith.constant 0 : i32
      %dma_wait3A_111 = tpu.memref_slice %arg4[%dma_wait3A_110] : memref<320000xi32, #tpu.memory_space<hbm>> -> memref<64xi32, #tpu.memory_space<hbm>>
      tpu.wait_dma2 semaphore(%arg19 : memref<!tpu.dma_semaphore, #tpu.memory_space<semaphore_mem>>) src(%dma_wait3A_111 : memref<64xi32, #tpu.memory_space<hbm>>) dst(%arg11 : memref<64xi32, #tpu.memory_space<vmem>>)
      %dma_start3A_112 = arith.constant 0 : i32
      %dma_start3A_113 = arith.constant 0 : i32
      %dma_start3A_114 = tpu.memref_slice %arg16[%dma_start3A_112, %dma_start3A_113] : memref<10000x128xf32, #tpu.memory_space<vmem_shared>> -> memref<10000x128xf32, #tpu.memory_space<vmem_shared>>
      tpu.enqueue_indirect_dma source(%arg7 : memref<64x128xf32, #tpu.memory_space<vmem>>) target(%dma_start3A_114 : memref<10000x128xf32, #tpu.memory_space<vmem_shared>>) offsets(%arg11 : memref<64xi32, #tpu.memory_space<vmem>>) semaphore(%arg18 : memref<!tpu.dma_semaphore, #tpu.memory_space<semaphore_mem>>) {add = true}
      %add3A_115 = arith.constant 1 : i32
      %add3A_116 = arith.addi %mul3A_88, %add3A_115 : i32
      %dma_wait3A_117 = arith.constant 0 : i32
      %dma_wait3A_118 = arith.constant 0 : i32
      %dma_wait3A_119 = tpu.memref_slice %arg2[%dma_wait3A_117, %dma_wait3A_118] : memref<10000x128xf32, #tpu.memory_space<hbm>> -> memref<64x128xf32, #tpu.memory_space<hbm>>
      %dma_wait3A_120 = arith.constant 0 : i32
      %dma_wait3A_121 = arith.constant 0 : i32
      %dma_wait3A_122 = tpu.memref_slice %arg2[%dma_wait3A_120, %dma_wait3A_121] : memref<10000x128xf32, #tpu.memory_space<hbm>> -> memref<64x128xf32, #tpu.memory_space<hbm>>
      tpu.wait_dma2 semaphore(%arg17 : memref<!tpu.dma_semaphore, #tpu.memory_space<semaphore_mem>>) src(%dma_wait3A_122 : memref<64x128xf32, #tpu.memory_space<hbm>>) dst(%arg8 : memref<64x128xf32, #tpu.memory_space<vmem>>)
      %dma_wait3A_123 = arith.constant 0 : i32
      %dma_wait3A_124 = arith.constant 0 : i32
      %dma_wait3A_125 = tpu.memref_slice %arg2[%dma_wait3A_123, %dma_wait3A_124] : memref<10000x128xf32, #tpu.memory_space<hbm>> -> memref<64x128xf32, #tpu.memory_space<hbm>>
      %dma_wait3A_126 = arith.constant 0 : i32
      %dma_wait3A_127 = arith.constant 0 : i32
      %dma_wait3A_128 = tpu.memref_slice %arg2[%dma_wait3A_126, %dma_wait3A_127] : memref<10000x128xf32, #tpu.memory_space<hbm>> -> memref<64x128xf32, #tpu.memory_space<hbm>>
      tpu.wait_dma2 semaphore(%arg18 : memref<!tpu.dma_semaphore, #tpu.memory_space<semaphore_mem>>) src(%dma_wait3A_128 : memref<64x128xf32, #tpu.memory_space<hbm>>) dst(%arg7 : memref<64x128xf32, #tpu.memory_space<vmem>>)
      %add3A_129 = arith.constant 4 : i32
      %add3A_130 = arith.addi %add3A_116, %add3A_129 : i32
      %sub3A_131 = arith.constant 1 : i32
      %sub3A_132 = arith.subi %add3A_130, %sub3A_131 : i32
      %lt3A_133 = arith.constant 156 : i32
      %lt3A_134 = arith.cmpi slt, %sub3A_132, %lt3A_133 : i32
      %convert_element_type3A_135 = arith.extui %lt3A_134 : i1 to i32
      %cond3A_136 = arith.constant 0 : i32
      %cond3A_137 = arith.cmpi ne, %convert_element_type3A_135, %cond3A_136 : i32
      scf.if %cond3A_137 {
        %add3A_205 = arith.constant 4 : i32
        %add3A_206 = arith.addi %add3A_116, %add3A_205 : i32
        %sub3A_207 = arith.constant 1 : i32
        %sub3A_208 = arith.subi %add3A_206, %sub3A_207 : i32
        %mul3A_209 = arith.constant 64 : i32
        %mul3A_210 = arith.muli %sub3A_208, %mul3A_209 : i32
        %dma_start3A_211 = tpu.memref_slice %arg6[%mul3A_210] : memref<10000xi32, #tpu.memory_space<vmem>> -> memref<64xi32, #tpu.memory_space<vmem>>
        %dma_start3A_212 = arith.constant 0 : i32
        %dma_start3A_213 = arith.constant 0 : i32
        %dma_start3A_214 = tpu.memref_slice %arg2[%dma_start3A_212, %dma_start3A_213] : memref<10000x128xf32, #tpu.memory_space<hbm>> -> memref<10000x128xf32, #tpu.memory_space<hbm>>
        tpu.enqueue_indirect_dma source(%dma_start3A_214 : memref<10000x128xf32, #tpu.memory_space<hbm>>) target(%arg7 : memref<64x128xf32, #tpu.memory_space<vmem>>) offsets(%dma_start3A_211 : memref<64xi32, #tpu.memory_space<vmem>>) semaphore(%arg17 : memref<!tpu.dma_semaphore, #tpu.memory_space<semaphore_mem>>)
        %mul3A_215 = arith.constant 64 : i32
        %mul3A_216 = arith.muli %sub3A_208, %mul3A_215 : i32
        %add3A_217 = arith.addi %mul3A_2, %mul3A_216 : i32
        %dma_start3A_218 = tpu.memref_slice %arg4[%add3A_217] : memref<320000xi32, #tpu.memory_space<hbm>> -> memref<64xi32, #tpu.memory_space<hbm>>
        %dma_start3A_219 = tpu.memref_slice %arg4[%add3A_217] : memref<320000xi32, #tpu.memory_space<hbm>> -> memref<64xi32, #tpu.memory_space<hbm>>
        tpu.enqueue_dma source(%dma_start3A_219 : memref<64xi32, #tpu.memory_space<hbm>>) target(%arg11 : memref<64xi32, #tpu.memory_space<vmem>>) target_semaphore(%arg19 : memref<!tpu.dma_semaphore, #tpu.memory_space<semaphore_mem>>)
      } else {
      }
      %dma_wait3A_138 = arith.constant 0 : i32
      %dma_wait3A_139 = tpu.memref_slice %arg4[%dma_wait3A_138] : memref<320000xi32, #tpu.memory_space<hbm>> -> memref<64xi32, #tpu.memory_space<hbm>>
      %dma_wait3A_140 = arith.constant 0 : i32
      %dma_wait3A_141 = tpu.memref_slice %arg4[%dma_wait3A_140] : memref<320000xi32, #tpu.memory_space<hbm>> -> memref<64xi32, #tpu.memory_space<hbm>>
      tpu.wait_dma2 semaphore(%arg19 : memref<!tpu.dma_semaphore, #tpu.memory_space<semaphore_mem>>) src(%dma_wait3A_141 : memref<64xi32, #tpu.memory_space<hbm>>) dst(%arg12 : memref<64xi32, #tpu.memory_space<vmem>>)
      %dma_start3A_142 = arith.constant 0 : i32
      %dma_start3A_143 = arith.constant 0 : i32
      %dma_start3A_144 = tpu.memref_slice %arg16[%dma_start3A_142, %dma_start3A_143] : memref<10000x128xf32, #tpu.memory_space<vmem_shared>> -> memref<10000x128xf32, #tpu.memory_space<vmem_shared>>
      tpu.enqueue_indirect_dma source(%arg8 : memref<64x128xf32, #tpu.memory_space<vmem>>) target(%dma_start3A_144 : memref<10000x128xf32, #tpu.memory_space<vmem_shared>>) offsets(%arg12 : memref<64xi32, #tpu.memory_space<vmem>>) semaphore(%arg18 : memref<!tpu.dma_semaphore, #tpu.memory_space<semaphore_mem>>) {add = true}
      %add3A_145 = arith.constant 2 : i32
      %add3A_146 = arith.addi %mul3A_88, %add3A_145 : i32
      %dma_wait3A_147 = arith.constant 0 : i32
      %dma_wait3A_148 = arith.constant 0 : i32
      %dma_wait3A_149 = tpu.memref_slice %arg2[%dma_wait3A_147, %dma_wait3A_148] : memref<10000x128xf32, #tpu.memory_space<hbm>> -> memref<64x128xf32, #tpu.memory_space<hbm>>
      %dma_wait3A_150 = arith.constant 0 : i32
      %dma_wait3A_151 = arith.constant 0 : i32
      %dma_wait3A_152 = tpu.memref_slice %arg2[%dma_wait3A_150, %dma_wait3A_151] : memref<10000x128xf32, #tpu.memory_space<hbm>> -> memref<64x128xf32, #tpu.memory_space<hbm>>
      tpu.wait_dma2 semaphore(%arg17 : memref<!tpu.dma_semaphore, #tpu.memory_space<semaphore_mem>>) src(%dma_wait3A_152 : memref<64x128xf32, #tpu.memory_space<hbm>>) dst(%arg9 : memref<64x128xf32, #tpu.memory_space<vmem>>)
      %dma_wait3A_153 = arith.constant 0 : i32
      %dma_wait3A_154 = arith.constant 0 : i32
      %dma_wait3A_155 = tpu.memref_slice %arg2[%dma_wait3A_153, %dma_wait3A_154] : memref<10000x128xf32, #tpu.memory_space<hbm>> -> memref<64x128xf32, #tpu.memory_space<hbm>>
      %dma_wait3A_156 = arith.constant 0 : i32
      %dma_wait3A_157 = arith.constant 0 : i32
      %dma_wait3A_158 = tpu.memref_slice %arg2[%dma_wait3A_156, %dma_wait3A_157] : memref<10000x128xf32, #tpu.memory_space<hbm>> -> memref<64x128xf32, #tpu.memory_space<hbm>>
      tpu.wait_dma2 semaphore(%arg18 : memref<!tpu.dma_semaphore, #tpu.memory_space<semaphore_mem>>) src(%dma_wait3A_158 : memref<64x128xf32, #tpu.memory_space<hbm>>) dst(%arg8 : memref<64x128xf32, #tpu.memory_space<vmem>>)
      %add3A_159 = arith.constant 4 : i32
      %add3A_160 = arith.addi %add3A_146, %add3A_159 : i32
      %sub3A_161 = arith.constant 1 : i32
      %sub3A_162 = arith.subi %add3A_160, %sub3A_161 : i32
      %lt3A_163 = arith.constant 156 : i32
      %lt3A_164 = arith.cmpi slt, %sub3A_162, %lt3A_163 : i32
      %convert_element_type3A_165 = arith.extui %lt3A_164 : i1 to i32
      %cond3A_166 = arith.constant 0 : i32
      %cond3A_167 = arith.cmpi ne, %convert_element_type3A_165, %cond3A_166 : i32
      scf.if %cond3A_167 {
        %add3A_205 = arith.constant 4 : i32
        %add3A_206 = arith.addi %add3A_146, %add3A_205 : i32
        %sub3A_207 = arith.constant 1 : i32
        %sub3A_208 = arith.subi %add3A_206, %sub3A_207 : i32
        %mul3A_209 = arith.constant 64 : i32
        %mul3A_210 = arith.muli %sub3A_208, %mul3A_209 : i32
        %dma_start3A_211 = tpu.memref_slice %arg6[%mul3A_210] : memref<10000xi32, #tpu.memory_space<vmem>> -> memref<64xi32, #tpu.memory_space<vmem>>
        %dma_start3A_212 = arith.constant 0 : i32
        %dma_start3A_213 = arith.constant 0 : i32
        %dma_start3A_214 = tpu.memref_slice %arg2[%dma_start3A_212, %dma_start3A_213] : memref<10000x128xf32, #tpu.memory_space<hbm>> -> memref<10000x128xf32, #tpu.memory_space<hbm>>
        tpu.enqueue_indirect_dma source(%dma_start3A_214 : memref<10000x128xf32, #tpu.memory_space<hbm>>) target(%arg8 : memref<64x128xf32, #tpu.memory_space<vmem>>) offsets(%dma_start3A_211 : memref<64xi32, #tpu.memory_space<vmem>>) semaphore(%arg17 : memref<!tpu.dma_semaphore, #tpu.memory_space<semaphore_mem>>)
        %mul3A_215 = arith.constant 64 : i32
        %mul3A_216 = arith.muli %sub3A_208, %mul3A_215 : i32
        %add3A_217 = arith.addi %mul3A_2, %mul3A_216 : i32
        %dma_start3A_218 = tpu.memref_slice %arg4[%add3A_217] : memref<320000xi32, #tpu.memory_space<hbm>> -> memref<64xi32, #tpu.memory_space<hbm>>
        %dma_start3A_219 = tpu.memref_slice %arg4[%add3A_217] : memref<320000xi32, #tpu.memory_space<hbm>> -> memref<64xi32, #tpu.memory_space<hbm>>
        tpu.enqueue_dma source(%dma_start3A_219 : memref<64xi32, #tpu.memory_space<hbm>>) target(%arg12 : memref<64xi32, #tpu.memory_space<vmem>>) target_semaphore(%arg19 : memref<!tpu.dma_semaphore, #tpu.memory_space<semaphore_mem>>)
      } else {
      }
      %dma_wait3A_168 = arith.constant 0 : i32
      %dma_wait3A_169 = tpu.memref_slice %arg4[%dma_wait3A_168] : memref<320000xi32, #tpu.memory_space<hbm>> -> memref<64xi32, #tpu.memory_space<hbm>>
      %dma_wait3A_170 = arith.constant 0 : i32
      %dma_wait3A_171 = tpu.memref_slice %arg4[%dma_wait3A_170] : memref<320000xi32, #tpu.memory_space<hbm>> -> memref<64xi32, #tpu.memory_space<hbm>>
      tpu.wait_dma2 semaphore(%arg19 : memref<!tpu.dma_semaphore, #tpu.memory_space<semaphore_mem>>) src(%dma_wait3A_171 : memref<64xi32, #tpu.memory_space<hbm>>) dst(%arg13 : memref<64xi32, #tpu.memory_space<vmem>>)
      %dma_start3A_172 = arith.constant 0 : i32
      %dma_start3A_173 = arith.constant 0 : i32
      %dma_start3A_174 = tpu.memref_slice %arg16[%dma_start3A_172, %dma_start3A_173] : memref<10000x128xf32, #tpu.memory_space<vmem_shared>> -> memref<10000x128xf32, #tpu.memory_space<vmem_shared>>
      tpu.enqueue_indirect_dma source(%arg9 : memref<64x128xf32, #tpu.memory_space<vmem>>) target(%dma_start3A_174 : memref<10000x128xf32, #tpu.memory_space<vmem_shared>>) offsets(%arg13 : memref<64xi32, #tpu.memory_space<vmem>>) semaphore(%arg18 : memref<!tpu.dma_semaphore, #tpu.memory_space<semaphore_mem>>) {add = true}
      %add3A_175 = arith.constant 3 : i32
      %add3A_176 = arith.addi %mul3A_88, %add3A_175 : i32
      %dma_wait3A_177 = arith.constant 0 : i32
      %dma_wait3A_178 = arith.constant 0 : i32
      %dma_wait3A_179 = tpu.memref_slice %arg2[%dma_wait3A_177, %dma_wait3A_178] : memref<10000x128xf32, #tpu.memory_space<hbm>> -> memref<64x128xf32, #tpu.memory_space<hbm>>
      %dma_wait3A_180 = arith.constant 0 : i32
      %dma_wait3A_181 = arith.constant 0 : i32
      %dma_wait3A_182 = tpu.memref_slice %arg2[%dma_wait3A_180, %dma_wait3A_181] : memref<10000x128xf32, #tpu.memory_space<hbm>> -> memref<64x128xf32, #tpu.memory_space<hbm>>
      tpu.wait_dma2 semaphore(%arg17 : memref<!tpu.dma_semaphore, #tpu.memory_space<semaphore_mem>>) src(%dma_wait3A_182 : memref<64x128xf32, #tpu.memory_space<hbm>>) dst(%arg10 : memref<64x128xf32, #tpu.memory_space<vmem>>)
      %dma_wait3A_183 = arith.constant 0 : i32
      %dma_wait3A_184 = arith.constant 0 : i32
      %dma_wait3A_185 = tpu.memref_slice %arg2[%dma_wait3A_183, %dma_wait3A_184] : memref<10000x128xf32, #tpu.memory_space<hbm>> -> memref<64x128xf32, #tpu.memory_space<hbm>>
      %dma_wait3A_186 = arith.constant 0 : i32
      %dma_wait3A_187 = arith.constant 0 : i32
      %dma_wait3A_188 = tpu.memref_slice %arg2[%dma_wait3A_186, %dma_wait3A_187] : memref<10000x128xf32, #tpu.memory_space<hbm>> -> memref<64x128xf32, #tpu.memory_space<hbm>>
      tpu.wait_dma2 semaphore(%arg18 : memref<!tpu.dma_semaphore, #tpu.memory_space<semaphore_mem>>) src(%dma_wait3A_188 : memref<64x128xf32, #tpu.memory_space<hbm>>) dst(%arg9 : memref<64x128xf32, #tpu.memory_space<vmem>>)
      %add3A_189 = arith.constant 4 : i32
      %add3A_190 = arith.addi %add3A_176, %add3A_189 : i32
      %sub3A_191 = arith.constant 1 : i32
      %sub3A_192 = arith.subi %add3A_190, %sub3A_191 : i32
      %lt3A_193 = arith.constant 156 : i32
      %lt3A_194 = arith.cmpi slt, %sub3A_192, %lt3A_193 : i32
      %convert_element_type3A_195 = arith.extui %lt3A_194 : i1 to i32
      %cond3A_196 = arith.constant 0 : i32
      %cond3A_197 = arith.cmpi ne, %convert_element_type3A_195, %cond3A_196 : i32
      scf.if %cond3A_197 {
        %add3A_205 = arith.constant 4 : i32
        %add3A_206 = arith.addi %add3A_176, %add3A_205 : i32
        %sub3A_207 = arith.constant 1 : i32
        %sub3A_208 = arith.subi %add3A_206, %sub3A_207 : i32
        %mul3A_209 = arith.constant 64 : i32
        %mul3A_210 = arith.muli %sub3A_208, %mul3A_209 : i32
        %dma_start3A_211 = tpu.memref_slice %arg6[%mul3A_210] : memref<10000xi32, #tpu.memory_space<vmem>> -> memref<64xi32, #tpu.memory_space<vmem>>
        %dma_start3A_212 = arith.constant 0 : i32
        %dma_start3A_213 = arith.constant 0 : i32
        %dma_start3A_214 = tpu.memref_slice %arg2[%dma_start3A_212, %dma_start3A_213] : memref<10000x128xf32, #tpu.memory_space<hbm>> -> memref<10000x128xf32, #tpu.memory_space<hbm>>
        tpu.enqueue_indirect_dma source(%dma_start3A_214 : memref<10000x128xf32, #tpu.memory_space<hbm>>) target(%arg9 : memref<64x128xf32, #tpu.memory_space<vmem>>) offsets(%dma_start3A_211 : memref<64xi32, #tpu.memory_space<vmem>>) semaphore(%arg17 : memref<!tpu.dma_semaphore, #tpu.memory_space<semaphore_mem>>)
        %mul3A_215 = arith.constant 64 : i32
        %mul3A_216 = arith.muli %sub3A_208, %mul3A_215 : i32
        %add3A_217 = arith.addi %mul3A_2, %mul3A_216 : i32
        %dma_start3A_218 = tpu.memref_slice %arg4[%add3A_217] : memref<320000xi32, #tpu.memory_space<hbm>> -> memref<64xi32, #tpu.memory_space<hbm>>
        %dma_start3A_219 = tpu.memref_slice %arg4[%add3A_217] : memref<320000xi32, #tpu.memory_space<hbm>> -> memref<64xi32, #tpu.memory_space<hbm>>
        tpu.enqueue_dma source(%dma_start3A_219 : memref<64xi32, #tpu.memory_space<hbm>>) target(%arg13 : memref<64xi32, #tpu.memory_space<vmem>>) target_semaphore(%arg19 : memref<!tpu.dma_semaphore, #tpu.memory_space<semaphore_mem>>)
      } else {
      }
      %dma_wait3A_198 = arith.constant 0 : i32
      %dma_wait3A_199 = tpu.memref_slice %arg4[%dma_wait3A_198] : memref<320000xi32, #tpu.memory_space<hbm>> -> memref<64xi32, #tpu.memory_space<hbm>>
      %dma_wait3A_200 = arith.constant 0 : i32
      %dma_wait3A_201 = tpu.memref_slice %arg4[%dma_wait3A_200] : memref<320000xi32, #tpu.memory_space<hbm>> -> memref<64xi32, #tpu.memory_space<hbm>>
      tpu.wait_dma2 semaphore(%arg19 : memref<!tpu.dma_semaphore, #tpu.memory_space<semaphore_mem>>) src(%dma_wait3A_201 : memref<64xi32, #tpu.memory_space<hbm>>) dst(%arg14 : memref<64xi32, #tpu.memory_space<vmem>>)
      %dma_start3A_202 = arith.constant 0 : i32
      %dma_start3A_203 = arith.constant 0 : i32
      %dma_start3A_204 = tpu.memref_slice %arg16[%dma_start3A_202, %dma_start3A_203] : memref<10000x128xf32, #tpu.memory_space<vmem_shared>> -> memref<10000x128xf32, #tpu.memory_space<vmem_shared>>
      tpu.enqueue_indirect_dma source(%arg10 : memref<64x128xf32, #tpu.memory_space<vmem>>) target(%dma_start3A_204 : memref<10000x128xf32, #tpu.memory_space<vmem_shared>>) offsets(%arg14 : memref<64xi32, #tpu.memory_space<vmem>>) semaphore(%arg18 : memref<!tpu.dma_semaphore, #tpu.memory_space<semaphore_mem>>) {add = true}
    }
    %scan3A_52 = arith.constant 39 : i32
    %dma_wait3A = arith.constant 0 : i32
    %dma_wait3A_53 = arith.constant 0 : i32
    %dma_wait3A_54 = tpu.memref_slice %arg2[%dma_wait3A, %dma_wait3A_53] : memref<10000x128xf32, #tpu.memory_space<hbm>> -> memref<64x128xf32, #tpu.memory_space<hbm>>
    %dma_wait3A_55 = arith.constant 0 : i32
    %dma_wait3A_56 = arith.constant 0 : i32
    %dma_wait3A_57 = tpu.memref_slice %arg2[%dma_wait3A_55, %dma_wait3A_56] : memref<10000x128xf32, #tpu.memory_space<hbm>> -> memref<64x128xf32, #tpu.memory_space<hbm>>
    tpu.wait_dma2 semaphore(%arg18 : memref<!tpu.dma_semaphore, #tpu.memory_space<semaphore_mem>>) src(%dma_wait3A_57 : memref<64x128xf32, #tpu.memory_space<hbm>>) dst(%arg10 : memref<64x128xf32, #tpu.memory_space<vmem>>)
    %add3A_58 = arith.constant 9984 : i32
    %add3A_59 = arith.addi %mul3A_2, %add3A_58 : i32
    "tpu.region"() ({
      %run_scoped3A = tpu.sem_alloc : memref<!tpu.dma_semaphore, #tpu.memory_space<semaphore_mem>>
      %dma_start3A_82 = tpu.memref_slice %arg4[%add3A_59] : memref<320000xi32, #tpu.memory_space<hbm>> -> memref<16xi32, #tpu.memory_space<hbm>>
      %dma_start3A_83 = tpu.memref_slice %arg4[%add3A_59] : memref<320000xi32, #tpu.memory_space<hbm>> -> memref<16xi32, #tpu.memory_space<hbm>>
      tpu.enqueue_dma source(%dma_start3A_83 : memref<16xi32, #tpu.memory_space<hbm>>) target(%arg15 : memref<16xi32, #tpu.memory_space<vmem>>) target_semaphore(%run_scoped3A : memref<!tpu.dma_semaphore, #tpu.memory_space<semaphore_mem>>)
      %dma_wait3A_84 = tpu.memref_slice %arg4[%add3A_59] : memref<320000xi32, #tpu.memory_space<hbm>> -> memref<16xi32, #tpu.memory_space<hbm>>
      %dma_wait3A_85 = tpu.memref_slice %arg4[%add3A_59] : memref<320000xi32, #tpu.memory_space<hbm>> -> memref<16xi32, #tpu.memory_space<hbm>>
      tpu.wait_dma2 semaphore(%run_scoped3A : memref<!tpu.dma_semaphore, #tpu.memory_space<semaphore_mem>>) src(%dma_wait3A_85 : memref<16xi32, #tpu.memory_space<hbm>>) dst(%arg15 : memref<16xi32, #tpu.memory_space<vmem>>)
      tpu.yield
    }) : () -> ()
    %dma_start3A_60 = arith.constant 0 : i32
    %dma_start3A_61 = arith.constant 0 : i32
    %dma_start3A_62 = tpu.memref_slice %arg7[%dma_start3A_60, %dma_start3A_61] : memref<64x128xf32, #tpu.memory_space<vmem>> -> memref<16x128xf32, #tpu.memory_space<vmem>>
    %dma_start3A_63 = arith.constant 9984 : i32
    %dma_start3A_64 = tpu.memref_slice %arg6[%dma_start3A_63] : memref<10000xi32, #tpu.memory_space<vmem>> -> memref<16xi32, #tpu.memory_space<vmem>>
    %dma_start3A_65 = arith.constant 0 : i32
    %dma_start3A_66 = arith.constant 0 : i32
    %dma_start3A_67 = tpu.memref_slice %arg2[%dma_start3A_65, %dma_start3A_66] : memref<10000x128xf32, #tpu.memory_space<hbm>> -> memref<10000x128xf32, #tpu.memory_space<hbm>>
    tpu.enqueue_indirect_dma source(%dma_start3A_67 : memref<10000x128xf32, #tpu.memory_space<hbm>>) target(%dma_start3A_62 : memref<16x128xf32, #tpu.memory_space<vmem>>) offsets(%dma_start3A_64 : memref<16xi32, #tpu.memory_space<vmem>>) semaphore(%arg17 : memref<!tpu.dma_semaphore, #tpu.memory_space<semaphore_mem>>)
    %dma_wait3A_68 = arith.constant 0 : i32
    %dma_wait3A_69 = arith.constant 0 : i32
    %dma_wait3A_70 = tpu.memref_slice %arg7[%dma_wait3A_68, %dma_wait3A_69] : memref<64x128xf32, #tpu.memory_space<vmem>> -> memref<16x128xf32, #tpu.memory_space<vmem>>
    %dma_wait3A_71 = arith.constant 9984 : i32
    %dma_wait3A_72 = tpu.memref_slice %arg6[%dma_wait3A_71] : memref<10000xi32, #tpu.memory_space<vmem>> -> memref<16xi32, #tpu.memory_space<vmem>>
    %dma_wait3A_73 = arith.constant 0 : i32
    %dma_wait3A_74 = arith.constant 0 : i32
    %dma_wait3A_75 = tpu.memref_slice %arg2[%dma_wait3A_73, %dma_wait3A_74] : memref<10000x128xf32, #tpu.memory_space<hbm>> -> memref<10000x128xf32, #tpu.memory_space<hbm>>
    tpu.wait_indirect_dma semaphore(%arg17 : memref<!tpu.dma_semaphore, #tpu.memory_space<semaphore_mem>>) src(%dma_wait3A_75 : memref<10000x128xf32, #tpu.memory_space<hbm>>) dst(%dma_wait3A_70 : memref<16x128xf32, #tpu.memory_space<vmem>>)
    "tpu.region"() ({
      %run_scoped3A = tpu.sem_alloc : memref<!tpu.dma_semaphore, #tpu.memory_space<semaphore_mem>>
      %dma_start3A_82 = arith.constant 0 : i32
      %dma_start3A_83 = arith.constant 0 : i32
      %dma_start3A_84 = tpu.memref_slice %arg7[%dma_start3A_82, %dma_start3A_83] : memref<64x128xf32, #tpu.memory_space<vmem>> -> memref<16x128xf32, #tpu.memory_space<vmem>>
      %dma_start3A_85 = arith.constant 0 : i32
      %dma_start3A_86 = arith.constant 0 : i32
      %dma_start3A_87 = tpu.memref_slice %arg16[%dma_start3A_85, %dma_start3A_86] : memref<10000x128xf32, #tpu.memory_space<vmem_shared>> -> memref<10000x128xf32, #tpu.memory_space<vmem_shared>>
      tpu.enqueue_indirect_dma source(%dma_start3A_84 : memref<16x128xf32, #tpu.memory_space<vmem>>) target(%dma_start3A_87 : memref<10000x128xf32, #tpu.memory_space<vmem_shared>>) offsets(%arg15 : memref<16xi32, #tpu.memory_space<vmem>>) semaphore(%run_scoped3A : memref<!tpu.dma_semaphore, #tpu.memory_space<semaphore_mem>>) {add = true}
      %dma_wait3A_88 = arith.constant 0 : i32
      %dma_wait3A_89 = arith.constant 0 : i32
      %dma_wait3A_90 = tpu.memref_slice %arg7[%dma_wait3A_88, %dma_wait3A_89] : memref<64x128xf32, #tpu.memory_space<vmem>> -> memref<16x128xf32, #tpu.memory_space<vmem>>
      %dma_wait3A_91 = arith.constant 0 : i32
      %dma_wait3A_92 = arith.constant 0 : i32
      %dma_wait3A_93 = tpu.memref_slice %arg16[%dma_wait3A_91, %dma_wait3A_92] : memref<10000x128xf32, #tpu.memory_space<vmem_shared>> -> memref<10000x128xf32, #tpu.memory_space<vmem_shared>>
      tpu.wait_indirect_dma semaphore(%run_scoped3A : memref<!tpu.dma_semaphore, #tpu.memory_space<semaphore_mem>>) src(%dma_wait3A_90 : memref<16x128xf32, #tpu.memory_space<vmem>>) dst(%dma_wait3A_93 : memref<10000x128xf32, #tpu.memory_space<vmem_shared>>)
      tpu.yield
    }) : () -> ()
    %barrier3A_76 = arith.constant 0 : index
    tpu.barrier barrier_id(%barrier3A_76)
    "tpu.region"() ({
      %run_scoped3A = tpu.sem_alloc : memref<!tpu.dma_semaphore, #tpu.memory_space<semaphore_mem>>
      %dma_start3A_82 = arith.constant 0 : i32
      %dma_start3A_83 = tpu.memref_slice %arg5[%arg0, %mul3A_36, %dma_start3A_82] : memref<2x10000x128xf32, #tpu.memory_space<hbm>> -> memref<1x624x128xf32, #tpu.memory_space<hbm>>
      %dma_start3A_84 = tpu.memref_squeeze %dma_start3A_83 : memref<1x624x128xf32, #tpu.memory_space<hbm>> -> memref<624x128xf32, #tpu.memory_space<hbm>>
      %dma_start3A_85 = arith.constant 0 : i32
      %dma_start3A_86 = tpu.memref_slice %arg16[%mul3A_36, %dma_start3A_85] : memref<10000x128xf32, #tpu.memory_space<vmem_shared>> -> memref<624x128xf32, #tpu.memory_space<vmem_shared>>
      tpu.enqueue_dma source(%dma_start3A_86 : memref<624x128xf32, #tpu.memory_space<vmem_shared>>) target(%dma_start3A_84 : memref<624x128xf32, #tpu.memory_space<hbm>>) target_semaphore(%run_scoped3A : memref<!tpu.dma_semaphore, #tpu.memory_space<semaphore_mem>>)
      %dma_wait3A_87 = arith.constant 0 : i32
      %dma_wait3A_88 = tpu.memref_slice %arg5[%arg0, %mul3A_36, %dma_wait3A_87] : memref<2x10000x128xf32, #tpu.memory_space<hbm>> -> memref<1x624x128xf32, #tpu.memory_space<hbm>>
      %dma_wait3A_89 = tpu.memref_squeeze %dma_wait3A_88 : memref<1x624x128xf32, #tpu.memory_space<hbm>> -> memref<624x128xf32, #tpu.memory_space<hbm>>
      %dma_wait3A_90 = arith.constant 0 : i32
      %dma_wait3A_91 = tpu.memref_slice %arg16[%mul3A_36, %dma_wait3A_90] : memref<10000x128xf32, #tpu.memory_space<vmem_shared>> -> memref<624x128xf32, #tpu.memory_space<vmem_shared>>
      tpu.wait_dma2 semaphore(%run_scoped3A : memref<!tpu.dma_semaphore, #tpu.memory_space<semaphore_mem>>) src(%dma_wait3A_91 : memref<624x128xf32, #tpu.memory_space<vmem_shared>>) dst(%dma_wait3A_89 : memref<624x128xf32, #tpu.memory_space<hbm>>)
      tpu.yield
    }) : () -> ()
    %eq3A_77 = arith.constant 0 : i32
    %eq3A_78 = arith.cmpi eq, %arg1, %eq3A_77 : i32
    %convert_element_type3A_79 = arith.extui %eq3A_78 : i1 to i32
    %cond3A_80 = arith.constant 0 : i32
    %cond3A_81 = arith.cmpi ne, %convert_element_type3A_79, %cond3A_80 : i32
    scf.if %cond3A_81 {
      "tpu.region"() ({
        %run_scoped3A = tpu.sem_alloc : memref<!tpu.dma_semaphore, #tpu.memory_space<semaphore_mem>>
        %dma_start3A_82 = arith.constant 9984 : i32
        %dma_start3A_83 = arith.constant 0 : i32
        %dma_start3A_84 = tpu.memref_slice %arg5[%arg0, %dma_start3A_82, %dma_start3A_83] : memref<2x10000x128xf32, #tpu.memory_space<hbm>> -> memref<1x16x128xf32, #tpu.memory_space<hbm>>
        %dma_start3A_85 = tpu.memref_squeeze %dma_start3A_84 : memref<1x16x128xf32, #tpu.memory_space<hbm>> -> memref<16x128xf32, #tpu.memory_space<hbm>>
        %dma_start3A_86 = arith.constant 9984 : i32
        %dma_start3A_87 = arith.constant 0 : i32
        %dma_start3A_88 = tpu.memref_slice %arg16[%dma_start3A_86, %dma_start3A_87] : memref<10000x128xf32, #tpu.memory_space<vmem_shared>> -> memref<16x128xf32, #tpu.memory_space<vmem_shared>>
        tpu.enqueue_dma source(%dma_start3A_88 : memref<16x128xf32, #tpu.memory_space<vmem_shared>>) target(%dma_start3A_85 : memref<16x128xf32, #tpu.memory_space<hbm>>) target_semaphore(%run_scoped3A : memref<!tpu.dma_semaphore, #tpu.memory_space<semaphore_mem>>)
        %dma_wait3A_89 = arith.constant 9984 : i32
        %dma_wait3A_90 = arith.constant 0 : i32
        %dma_wait3A_91 = tpu.memref_slice %arg5[%arg0, %dma_wait3A_89, %dma_wait3A_90] : memref<2x10000x128xf32, #tpu.memory_space<hbm>> -> memref<1x16x128xf32, #tpu.memory_space<hbm>>
        %dma_wait3A_92 = tpu.memref_squeeze %dma_wait3A_91 : memref<1x16x128xf32, #tpu.memory_space<hbm>> -> memref<16x128xf32, #tpu.memory_space<hbm>>
        %dma_wait3A_93 = arith.constant 9984 : i32
        %dma_wait3A_94 = arith.constant 0 : i32
        %dma_wait3A_95 = tpu.memref_slice %arg16[%dma_wait3A_93, %dma_wait3A_94] : memref<10000x128xf32, #tpu.memory_space<vmem_shared>> -> memref<16x128xf32, #tpu.memory_space<vmem_shared>>
        tpu.wait_dma2 semaphore(%run_scoped3A : memref<!tpu.dma_semaphore, #tpu.memory_space<semaphore_mem>>) src(%dma_wait3A_95 : memref<16x128xf32, #tpu.memory_space<vmem_shared>>) dst(%dma_wait3A_92 : memref<16x128xf32, #tpu.memory_space<hbm>>)
        tpu.yield
      }) : () -> ()
    } else {
    }
    return
  }
}

module attributes {stable_mosaic.version = 14 : i64} {
  func.func @body(%arg0: memref<2x10000x128xf32, #tpu.memory_space<vmem>>, %arg1: memref<128x128xf32, #tpu.memory_space<vmem>>, %arg2: memref<10000x128xf32, #tpu.memory_space<vmem>>) attributes {dimension_semantics = [], scalar_prefetch = 0 : i64, scratch_operands = 0 : i64, tpu.core_type = #tpu.core_type<tc>} {
    %get3A = arith.constant 0 : index
    %get3A_0 = arith.constant 0 : index
    %get3A_1 = arith.constant 0 : index
    %get3A_2 = vector.load %arg0[%get3A, %get3A_0, %get3A_1] : memref<2x10000x128xf32, #tpu.memory_space<vmem>>, vector<1x10000x128xf32>
    %get3A_3 = vector.shape_cast %get3A_2 : vector<1x10000x128xf32> to vector<10000x128xf32>
    %get3A_4 = arith.constant 1 : index
    %get3A_5 = arith.constant 0 : index
    %get3A_6 = arith.constant 0 : index
    %get3A_7 = vector.load %arg0[%get3A_4, %get3A_5, %get3A_6] : memref<2x10000x128xf32, #tpu.memory_space<vmem>>, vector<1x10000x128xf32>
    %get3A_8 = vector.shape_cast %get3A_7 : vector<1x10000x128xf32> to vector<10000x128xf32>
    %add3A = arith.addf %get3A_3, %get3A_8 : vector<10000x128xf32>
    %max3A = arith.constant 0.000000e+00 : f32
    %max3A_9 = vector.broadcast %max3A : f32 to vector<10000x128xf32>
    %max3A_10 = arith.maximumf %add3A, %max3A_9 : vector<10000x128xf32>
    %get3A_11 = arith.constant 0 : index
    %get3A_12 = arith.constant 0 : index
    %get3A_13 = vector.load %arg1[%get3A_11, %get3A_12] : memref<128x128xf32, #tpu.memory_space<vmem>>, vector<128x128xf32>
    %dot_general3A = arith.constant dense<0.000000e+00> : vector<10000x128xf32>
    %dot_general3A_14 = tpu.matmul %max3A_10, %get3A_13, %dot_general3A {dimension_numbers = #tpu.dot_dimension_numbers<[1], [0], [0], [1], [0, 0, 1, 1], [], []>, precision = #tpu.contract_precision<fp32>, transpose_lhs_hint = false} : vector<10000x128xf32>, vector<128x128xf32>, vector<10000x128xf32> -> vector<10000x128xf32>
    %swap3A = arith.constant 0 : index
    %swap3A_15 = arith.constant 0 : index
    %swap3A_16 = vector.load %arg2[%swap3A, %swap3A_15] : memref<10000x128xf32, #tpu.memory_space<vmem>>, vector<10000x128xf32>
    tpu.vector_store %arg2[%swap3A, %swap3A_15], %dot_general3A_14 {strides = array<i32>} : memref<10000x128xf32, #tpu.memory_space<vmem>>, vector<10000x128xf32>,
    return
  }
}

module attributes {stable_mosaic.version = 14 : i64} {
  func.func @body(%arg0: memref<10000x128xf32, #tpu.memory_space<vmem>>, %arg1: memref<128x128xf32, #tpu.memory_space<vmem>>, %arg2: memref<10000x128xf32, #tpu.memory_space<vmem>>) attributes {dimension_semantics = [], scalar_prefetch = 0 : i64, scratch_operands = 0 : i64, tpu.core_type = #tpu.core_type<tc>} {
    %get3A = arith.constant 0 : index
    %get3A_0 = arith.constant 0 : index
    %get3A_1 = vector.load %arg0[%get3A, %get3A_0] : memref<10000x128xf32, #tpu.memory_space<vmem>>, vector<10000x128xf32>
    %get3A_2 = arith.constant 0 : index
    %get3A_3 = arith.constant 0 : index
    %get3A_4 = vector.load %arg1[%get3A_2, %get3A_3] : memref<128x128xf32, #tpu.memory_space<vmem>>, vector<128x128xf32>
    %dot_general3A = arith.constant dense<0.000000e+00> : vector<10000x128xf32>
    %dot_general3A_5 = tpu.matmul %get3A_1, %get3A_4, %dot_general3A {dimension_numbers = #tpu.dot_dimension_numbers<[1], [0], [0], [1], [0, 0, 1, 1], [], []>, precision = #tpu.contract_precision<fp32>, transpose_lhs_hint = false} : vector<10000x128xf32>, vector<128x128xf32>, vector<10000x128xf32> -> vector<10000x128xf32>
    %swap3A = arith.constant 0 : index
    %swap3A_6 = arith.constant 0 : index
    %swap3A_7 = vector.load %arg2[%swap3A, %swap3A_6] : memref<10000x128xf32, #tpu.memory_space<vmem>>, vector<10000x128xf32>
    tpu.vector_store %arg2[%swap3A, %swap3A_6], %dot_general3A_5 {strides = array<i32>} : memref<10000x128xf32, #tpu.memory_space<vmem>>, vector<10000x128xf32>,
    return
  }
}

module attributes {stable_mosaic.version = 14 : i64} {
  func.func @body(%arg0: memref<2x10000x128xf32, #tpu.memory_space<vmem>>, %arg1: memref<10000x128xf32, #tpu.memory_space<vmem>>) attributes {dimension_semantics = [], scalar_prefetch = 0 : i64, scratch_operands = 0 : i64, tpu.core_type = #tpu.core_type<tc>} {
    %get3A = arith.constant 0 : index
    %get3A_0 = arith.constant 0 : index
    %get3A_1 = arith.constant 0 : index
    %get3A_2 = vector.load %arg0[%get3A, %get3A_0, %get3A_1] : memref<2x10000x128xf32, #tpu.memory_space<vmem>>, vector<1x10000x128xf32>
    %get3A_3 = vector.shape_cast %get3A_2 : vector<1x10000x128xf32> to vector<10000x128xf32>
    %get3A_4 = arith.constant 1 : index
    %get3A_5 = arith.constant 0 : index
    %get3A_6 = arith.constant 0 : index
    %get3A_7 = vector.load %arg0[%get3A_4, %get3A_5, %get3A_6] : memref<2x10000x128xf32, #tpu.memory_space<vmem>>, vector<1x10000x128xf32>
    %get3A_8 = vector.shape_cast %get3A_7 : vector<1x10000x128xf32> to vector<10000x128xf32>
    %add3A = arith.addf %get3A_3, %get3A_8 : vector<10000x128xf32>
    %max3A = arith.constant 0.000000e+00 : f32
    %max3A_9 = vector.broadcast %max3A : f32 to vector<10000x128xf32>
    %max3A_10 = arith.maximumf %add3A, %max3A_9 : vector<10000x128xf32>
    %swap3A = arith.constant 0 : index
    %swap3A_11 = arith.constant 0 : index
    %swap3A_12 = vector.load %arg1[%swap3A, %swap3A_11] : memref<10000x128xf32, #tpu.memory_space<vmem>>, vector<10000x128xf32>
    tpu.vector_store %arg1[%swap3A, %swap3A_11], %max3A_10 {strides = array<i32>} : memref<10000x128xf32, #tpu.memory_space<vmem>>, vector<10000x128xf32>,
    return
  }
}

module attributes {stable_mosaic.version = 14 : i64} {
  func.func @body(%arg0: memref<2x10000x128xf32, #tpu.memory_space<vmem>>, %arg1: memref<128x64xf32, #tpu.memory_space<vmem>>, %arg2: memref<10000x64xf32, #tpu.memory_space<vmem>>) attributes {dimension_semantics = [], scalar_prefetch = 0 : i64, scratch_operands = 0 : i64, tpu.core_type = #tpu.core_type<tc>} {
    %get3A = arith.constant 0 : index
    %get3A_0 = arith.constant 0 : index
    %get3A_1 = arith.constant 0 : index
    %get3A_2 = vector.load %arg0[%get3A, %get3A_0, %get3A_1] : memref<2x10000x128xf32, #tpu.memory_space<vmem>>, vector<1x10000x128xf32>
    %get3A_3 = vector.shape_cast %get3A_2 : vector<1x10000x128xf32> to vector<10000x128xf32>
    %get3A_4 = arith.constant 1 : index
    %get3A_5 = arith.constant 0 : index
    %get3A_6 = arith.constant 0 : index
    %get3A_7 = vector.load %arg0[%get3A_4, %get3A_5, %get3A_6] : memref<2x10000x128xf32, #tpu.memory_space<vmem>>, vector<1x10000x128xf32>
    %get3A_8 = vector.shape_cast %get3A_7 : vector<1x10000x128xf32> to vector<10000x128xf32>
    %add3A = arith.addf %get3A_3, %get3A_8 : vector<10000x128xf32>
    %get3A_9 = arith.constant 0 : index
    %get3A_10 = arith.constant 0 : index
    %get3A_11 = vector.load %arg1[%get3A_9, %get3A_10] : memref<128x64xf32, #tpu.memory_space<vmem>>, vector<128x64xf32>
    %dot_general3A = arith.constant dense<0.000000e+00> : vector<10000x64xf32>
    %dot_general3A_12 = tpu.matmul %add3A, %get3A_11, %dot_general3A {dimension_numbers = #tpu.dot_dimension_numbers<[1], [0], [0], [1], [0, 0, 1, 1], [], []>, precision = #tpu.contract_precision<fp32>, transpose_lhs_hint = false} : vector<10000x128xf32>, vector<128x64xf32>, vector<10000x64xf32> -> vector<10000x64xf32>
    %swap3A = arith.constant 0 : index
    %swap3A_13 = arith.constant 0 : index
    %swap3A_14 = vector.load %arg2[%swap3A, %swap3A_13] : memref<10000x64xf32, #tpu.memory_space<vmem>>, vector<10000x64xf32>
    tpu.vector_store %arg2[%swap3A, %swap3A_13], %dot_general3A_12 {strides = array<i32>} : memref<10000x64xf32, #tpu.memory_space<vmem>>, vector<10000x64xf32>,
    return
  }
}

</mosaic_0001>

<sc_bundles>
// kernel: kernel.12.cloned.1.call-start
scs
__scs_entry_jumppad:
0x0: {  	(pc) =	sbr.rel $0x88, $3  }
0x1: {  	(tag) =	ssettag $0x0;
	lr =	simm.s32 $0x1  }
0x2: {  	[smem:$0x3F9C] =	sst lr;
	_ =	strace $0xD0000000  }
0x3: {  	_ = 	snop  }
0x4: {  	_ = 	snop  }
0x5: {  	_ = 	snop  }
0x6: {  	_ = 	snop  }
0x7: {  	_ = 	snop  }
__scs_overlays_trampoline_lowered:
0x8: {  	[smem:$0x3FAB] =	sst s0  }
0x9: {  	[smem:$0x3FAC] =	sst s1  }
0xa: {  	[smem:$0x3FAD] =	sst s2  }
0xb: {  	[smem:$0x3FAE] =	sst s3  }
0xc: {  	[smem:$0x3FAF] =	sst s4  }
0xd: {  	[smem:$0x3FB0] =	sst s5  }
0xe: {  	[smem:$0x3FB1] =	sst s6  }
0xf: {  	[smem:$0x3FB2] =	sst s7  }
0x10: {  	[smem:$0x3FB3] =	sst s8  }
0x11: {  	[smem:$0x3FB4] =	sst s9;
	s0 =	simm.s32 @!p0 $0x0  }
0x12: {  	s1 =	sld [smem:$0x3F9A];
	s0 =	simm.s32 @p0 $0x1  }
0x13: {  	[smem:$0x3FB5] =	sst s0;
	s0 =	simm.s32 @!p1 $0x0  }
0x14: {  	s2 =	sld [smem:$0x3F99];
	s0 =	simm.s32 @p1 $0x1  }
0x15: {  	[smem:$0x3FB6] =	sst s0;
	s0 =	simm.s32 @!p2 $0x0  }
0x16: {  	s3 =	sld [smem:$0x3FDB];
	s0 =	simm.s32 @p2 $0x1  }
0x17: {  	s4 =	simm.s32 $0x1BF5;
	[smem:$0x3FB8] =	sst s0  }
0x18: {  	s0 =	sld [smem:$0x3F9B];
	_ =	swait.ge [sflag:s4], $0x0  }
0x19: {  	s7 =	sld [smem:$0x3F9C]  }
0x1a: {  	s8 =	sadd.s32 $0xFFFFE003, lr  }
0x1b: {  	s9 =	sadd.s32 $0xFFFFFEF7, lr;
	s5 =	simm.s32 $0xFFFFFFFF;
	p2 =	slt.u32 s8, $0xFFFFF086  }
0x1c: {  	p1 =	slt.u32 s9, $0xF7A;
	s5 =	simm.s32 @!p2 $0x0  }
0x1d: {  	s5 =	simm.s32 @p1 $0x1;
	p0 =	seq.s32 s7, s2  }
0x1e: {  	s7 =	smul.u32 @!p0 $0xF7A, s2;
	p2 =	seq.s32 @!p0 s5, $0x0  }
0x1f: {  	s9 =	smul.u32 $0xF7A, s1;
	s8 =	simm.s32 @!p0 $0x1BF5;
	p2 =	por !p2, p0  }
0x20: {  	[sflag:s8] =	ssyncset.s32 @!p0 $0xFFFFF086;
	s6 =	sadd.s32 @!p0 s3, s7;
	s7 =	simm.s32 @!p0 $0x108  }
0x21: {  	s3 =	sadd.s32 s3, s9;
	s6 =	sadd.s32 @!p0 $0x88, s6;
	s7 =	simm.s32 @p2 $0x1082  }
0x22: {  	[simem:s7], [sflag:s8] =	dma.local @!p0 [hbm:s6], $0xF7A  }
0x23: {  	s9 =	sor.u32 $0xD0000000, s2;
	s6 =	simm.s32 $0x108;
	_ =	swait.ge @!p0 [sflag:s8], $0x0  }
0x24: {  	s3 =	sadd.s32 $0x88, s3;
	s6 =	simm.s32 @!p1 $0x1082;
	[sflag:s4] =	ssyncset.s32 $0xFFFFF086  }
0x25: {  	[simem:s6], [sflag:s4] =	dma.local [hbm:s3], $0xF7A  }
0x26: {  	[smem:$0x3F9C] =	sst s1;
	(tag) =	ssettag s2;
	_ =	strace s9  }
0x27: {  	s1 =	sld [smem:$0x3FAC]  }
0x28: {  	s2 =	sld [smem:$0x3FAD]  }
0x29: {  	s4 =	sld [smem:$0x3FAF]  }
0x2a: {  	p0 =	seq.s32 s5, $0x0;
	s5 =	sld [smem:$0x3FB0]  }
0x2b: {  	s6 =	sld [smem:$0x3FB1]  }
0x2c: {  	s7 =	sld [smem:$0x3FB2]  }
0x2d: {  	s3 =	simm.s32 $0x108;
	s8 =	sld [smem:$0x3FB3]  }
0x2e: {  	s3 =	simm.s32 @!p0 $0x1082;
	s9 =	sld [smem:$0x3FB4]  }
0x2f: {  	lr =	sadd.s32 s0, s3;
	s0 =	sld [smem:$0x3FAB]  }
0x30: {  	s3 =	sld [smem:$0x3FAE]  }
0x31: {  	[smem:$0x3FB7] =	sst s10  }
0x32: {  	s10 =	sld [smem:$0x3FB5];
	_ =	sdelay $0x3  }
0x33: {  	p0 =	seq.s32 s10, $0x1;
	s10 =	sld [smem:$0x3FB7];
	_ =	sdelay $0x3  }
0x34: {  	[smem:$0x3FB7] =	sst s10  }
0x35: {  	s10 =	sld [smem:$0x3FB6];
	_ =	sdelay $0x3  }
0x36: {  	p1 =	seq.s32 s10, $0x1;
	s10 =	sld [smem:$0x3FB7];
	_ =	sdelay $0x3  }
0x37: {  	[smem:$0x3FB7] =	sst s10  }
0x38: {  	s10 =	sld [smem:$0x3FB8]  }
0x39: {  	_ = 	snop;
	(pc) =	sbr.ind lr, $3  }
0x3a: {  	_ = 	snop  }
0x3b: {  	_ = 	snop  }
0x3c: {  	p2 =	seq.s32 s10, $0x1;
	s10 =	sld [smem:$0x3FB7]  }
0x3d: {  	_ =	shalt  }
0x3e: {  	_ =	shalt  }
0x3f: {  	_ =	shalt  }
0x40: {  	_ =	shalt  }
0x41: {  	_ =	shalt  }
0x42: {  	_ =	shalt  }
0x43: {  	_ =	shalt  }
0x44: {  	_ =	shalt  }
0x45: {  	_ =	shalt  }
0x46: {  	_ =	shalt  }
0x47: {  	_ =	shalt  }
0x48: {  	_ =	shalt  }
0x49: {  	_ =	shalt  }
0x4a: {  	_ =	shalt  }
0x4b: {  	_ =	shalt  }
0x4c: {  	_ =	shalt  }
0x4d: {  	_ =	shalt  }
0x4e: {  	_ =	shalt  }
0x4f: {  	_ =	shalt  }
0x50: {  	_ =	shalt  }
0x51: {  	_ =	shalt  }
0x52: {  	_ =	shalt  }
0x53: {  	_ =	shalt  }
0x54: {  	_ =	shalt  }
0x55: {  	_ =	shalt  }
0x56: {  	_ =	shalt  }
0x57: {  	_ =	shalt  }
0x58: {  	_ =	shalt  }
0x59: {  	_ =	shalt  }
0x5a: {  	_ =	shalt  }
0x5b: {  	_ =	shalt  }
0x5c: {  	_ =	shalt  }
0x5d: {  	_ =	shalt  }
0x5e: {  	_ =	shalt  }
0x5f: {  	_ =	shalt  }
0x60: {  	_ =	shalt  }
0x61: {  	_ =	shalt  }
0x62: {  	_ =	shalt  }
0x63: {  	_ =	shalt  }
0x64: {  	_ =	shalt  }
0x65: {  	_ =	shalt  }
0x66: {  	_ =	shalt  }
0x67: {  	_ =	shalt  }
0x68: {  	_ =	shalt  }
0x69: {  	_ =	shalt  }
0x6a: {  	_ =	shalt  }
0x6b: {  	_ =	shalt  }
0x6c: {  	_ =	shalt  }
0x6d: {  	_ =	shalt  }
0x6e: {  	_ =	shalt  }
0x6f: {  	_ =	shalt  }
0x70: {  	_ =	shalt  }
0x71: {  	_ =	shalt  }
0x72: {  	_ =	shalt  }
0x73: {  	_ =	shalt  }
0x74: {  	_ =	shalt  }
0x75: {  	_ =	shalt  }
0x76: {  	_ =	shalt  }
0x77: {  	_ =	shalt  }
0x78: {  	_ =	shalt  }
0x79: {  	_ =	shalt  }
0x7a: {  	_ =	shalt  }
0x7b: {  	_ =	shalt  }
0x7c: {  	_ =	shalt  }
0x7d: {  	_ =	shalt  }
0x7e: {  	_ =	shalt  }
0x7f: {  	_ =	shalt  }
0x80: {  	_ =	shalt  }
0x81: {  	_ =	shalt  }
0x82: {  	_ =	shalt  }
0x83: {  	_ =	shalt  }
0x84: {  	_ =	shalt  }
0x85: {  	_ =	shalt  }
0x86: {  	_ =	shalt  }
0x87: {  	_ =	shalt  }
.Lfunc_end0:
.L_simem_size_0:
called_computation.1_lowered:
.L_overlay_start_0:
0x88: {  	s2 =	sld [smem:$0x3FD9]  }
0x89: {  	s3 =	sld [smem:$0x3FFE];
	_ =	sdelay $0x1  }
0x8a: {  	s1 =	srdreg.scid  }
0x8b: {  	s0 =	sand.u32 $0x1, s1  }
0x8c: {  	s17 =	sshll.u32 s0, $0xA;
	s2 =	sadd.s32 s3, s2  }
0x8d: {  	s2 =	sadd.s32 s2, s17  }
0x8e: {  	[smem:$0x3FC3] =	sst s2  }
0x8f: {  	_ = 	snop  }
0x90: {  	s2 =	sld [smem:$0x3FD0];
	(tm) =	ssettm $0x1  }
0x91: {  	s18 =	sld [smem:$0x3FFB];
	_ =	sdelay $0x3  }
0x92: {  	_ =	strace s18  }
0x93: {  	s3 =	sld [smem:$0x3FFC];
	_ =	sdelay $0x3  }
0x94: {  	_ =	strace s3  }
0x95: {  	s3 =	sld [smem:$0x3FFD];
	_ =	sdelay $0x3  }
0x96: {  	_ =	strace s3  }
0x97: {  	_ =	strace $0x8FFFFFFF  }
0x98: {  	s19 =	sld [smem:$0x3FDB];
	_ =	sdelay $0x1  }
0x99: {  	s4 =	simm.s32 $_scs_section_size  }
0x9a: {  	s5 =	simm.s32 $_size__tile_overlayer_lowered;
	s6 =	simm.s32 $_tile_overlayer_lowered  }
0x9b: {  	s22 =	simm.s32 $0x1BFF;
	s21 =	sshll.u32 s6, $0x1;
	s3 =	sadd.s32 s4, s19  }
0x9c: {  	s7 =	simm.s32 $0x0;
	s20 =	sshll.u32 s5, $0x1;
	s5 =	sadd.s32 s21, s3  }
0x9d: {  	[timem:s7], [sflag:s22] =	dma.local [hbm:s5], s20  }
0x9e: {  	_ =	swait.ge [sflag:s22], s20  }
0x9f: {  	s4 =	ssub.s32 $0x0, s20;
	[sflag:s22] =	ssyncset.done $0x0  }
0xa0: {  	[sflag:s22] =	ssyncadd.s32 s4;
	_ =	sdelay $0x1  }
0xa1: {  	s23 =	simm.s32 $0x1B8B  }
0xa2: {  	_ =	swait.ge [sflag:s23], $0x1  }
0xa3: {  	[sflag:s23] =	ssyncset.done $0x0  }
0xa4: {  	s25 =	simm.s32 $0x1B8E;
	s24 =	sld [smem:$0x3FFE];
	[sflag:s23] =	ssyncadd.s32 $0xFFFFFFFF  }
0xa5: {  	s26 =	simm.s32 $execute0_lowered;
	[smem:$0x3FD2] =	sst s25  }
0xa6: {  	s5 =	sshll.u32 s26, $0x1;
	_ =	strace $0x80000049;
	[dreg:$0x1] =	wrdreg $0xFFFFFFFF  }
0xa7: {  	s28 =	simm.s32 $_size_execute0_lowered;
	s3 =	sadd.s32 s3, s5;
	[dreg:$0x0] =	wrdreg $0x0  }
0xa8: {  	s5 =	sshll.u32 s28, $0x1;
	[dreg:$0x2] =	wrdreg s3  }
0xa9: {  	[dreg:$0x3] =	wrdreg s5  }
0xaa: {  	[dreg:$0x4] =	wrdreg $0xC0  }
0xab: {  	_ =	task [dreg:s7], $0x5FFFF  }
0xac: {  	[dreg:$0x1] =	wrdreg $0xFFFFFFFF  }
0xad: {  	[dreg:$0x0] =	wrdreg $0x60  }
0xae: {  	[dreg:$0x2] =	wrdreg s24  }
0xaf: {  	[dreg:$0x3] =	wrdreg s2  }
0xb0: {  	[dreg:$0x4] =	wrdreg $0xAA000  }
0xb1: {  	[dreg:$0x5] =	wrdreg $0x9  }
0xb2: {  	_ =	task.clear_ibuf [dreg:s7], $0x6FFFF;
	_ =	strace $0x90000049  }
0xb3: {  	s29 =	simm.s32 $0x9;
	_ =	strace $0x8000004B  }
0xb4: {  	_ =	swait.ge [sflag:s29], $0x1  }
0xb5: {  	[sflag:s29] =	ssyncadd.s32 $0xFFFFFFFF  }
0xb6: {  	_ =	strace $0x9000004B  }
0xb7: {  	_ =	sfence  }
0xb8: {  	s30 =	sld [smem:$0x0];
	_ =	sdelay $0x2  }
0xb9: {  	s31 =	sshll.u32 s1, $0xD;
	s1 =	sshrl.u32 s1, $0x2  }
0xba: {  	s3 =	sand.u32 $0x4000, s31;
	s1 =	sadd.s32 s1, s30  }
0xbb: {  	s0 =	sor.u32 s3, s0;
	s1 =	sshll.u32 s1, $0x11  }
0xbc: {  	s0 =	sor.u32 s1, s0  }
0xbd: {  	s0 =	sadd.s32 $0x8F2B, s0  }
0xbe: {  	[sflag:s0] =	ssyncadd.remote.s32 $0x1  }
0xbf: {  	_ =	sfence.sel $0xFFFF  }
0xc0: {  	[dreg:$0x0] =	wrdreg $0xFFFFFFFF;
	(pc) =	sbr.abs _section_cstart, $3  }
0xc1: {  	[dreg:$0x1] =	wrdreg $0xFFFFFFFF  }
0xc2: {  	_ =	task.clear_ibuf [dreg:s7], $0x2FFFF;
	_ =	strace $0x9FFFFFFF  }
0xc3: {  	(tm) =	ssettm $0x7FFFFFFF  }
tec
execute0_lowered:
.L_overlay_start_1:
0x0: {  	(tag) =	ssettag $0x1  }
0x1: {  	s1 =	rddreg [dreg:$0x0]  }
0x2: {  	s0 =	rddreg [dreg:$0x1];
	s2 =	srdreg.scid  }
0x3: {  	s11 =	stileid.u32;
	s3 =	rddreg [dreg:$0x2]  }
0x4: {  	s4 =	simm.s32 $0x0;
	s30 =	simm.s32 $0x4;
	s31 =	simm.s32 $0x40  }
0x5: {  	s2 =	sand.u32 $0x1, s2;
	s5 =	sshll.u32 s11, $0x1;
	s10 =	smul.u32 $0x4E000, s11  }
0x6: {  	[smem:$0x7FF] =	sst s4;
	s25 =	smul.u32 $0x13800, s11;
	s7 =	ssub.s32 $0x2, s2  }
0x7: {  	s16 =	sadd.s32 $0x138000, s3;
	s9 =	sshrl.u32 s7, $0x1;
	s22 =	sshrl.u32 s10, $0x2  }
0x8: {  	p0 =	sne.s32 s11, $0x0;
	s7 =	ssub.s32 s7, s9;
	s9 =	sadd.s32 s22, s3  }
0x9: {  	s5 =	sor.u32 s2, s5;
	_ =	strace $0x8000004A;
	s28 =	sadd.s32 $0x12000, s9  }
0xa: {  	s23 =	smul.u32 $0x138800, s2;
	s15 =	smax.u32 s7, $0x1;
	[dreg:$0x8] =	wrdreg s28  }
0xb: {  	s14 =	smul.u32 $0x2710, s2;
	s17 =	sadd.s32 $0x2000, s9;
	[dreg:$0xc] =	wrdreg s15  }
0xc: {  	s6 =	smul.u32 $0x2710, s5;
	s18 =	sadd.s32 $0x4000, s9;
	[dreg:$0xd] =	wrdreg s17  }
0xd: {  	s5 =	sadd.s32 $0xB600, s1;
	s19 =	sadd.s32 $0x6000, s9;
	[dreg:$0xe] =	wrdreg s18  }
0xe: {  	s10 =	simm.s32 $0x8780;
	s20 =	sadd.s32 $0x8000, s9;
	[dreg:$0xf] =	wrdreg s19  }
0xf: {  	s6 =	sshrl.u32 s6, $0x3;
	s21 =	sadd.s32 $0xA000, s9;
	[dreg:$0x10] =	wrdreg s20  }
0x10: {  	s8 =	sadd.s32 s6, s1;
	s12 =	sadd.s32 s0, s6;
	[dreg:$0x11] =	wrdreg s21  }
0x11: {  	s1 =	sadd.s32 $0x32800, s1;
	s28 =	sadd.s32 $0xE000, s9;
	[dreg:$0x5] =	wrdreg s12  }
0x12: {  	s6 =	sadd.s32 s25, s23;
	s8 =	sadd.s32 $0x1800, s8;
	[dreg:$0x16] =	wrdreg s28  }
0x13: {  	s15 =	simm.s32 $0x2;
	s24 =	sadd.s32 $0x8, s12;
	[dreg:$0x4] =	wrdreg s8  }
0x14: {  	s18 =	simm.s32 $0x0;
	s26 =	sadd.s32 $0x10, s12;
	[dreg:$0x6] =	wrdreg s24  }
0x15: {  	s29 =	sadd.s32 $0x4E0, s12;
	s6 =	sshrl.u32 s6, $0x3;
	[dreg:$0x7] =	wrdreg s26  }
0x16: {  	s12 =	smul.u32 $0x4E20, s11;
	[dreg:$0x9] =	wrdreg s29;
	s26 =	sadd.s32 $0xC000, s9  }
0x17: {  	s8 =	sshrl.u32 s23, $0x3;
	s29 =	sadd.s32 $0x10000, s9;
	[dreg:$0x15] =	wrdreg s26  }
0x18: {  	s8 =	sadd.s32 s1, s8;
	s1 =	sadd.s32 s1, s6;
	[dreg:$0x17] =	wrdreg s29  }
0x19: {  	s11 =	simm.s32 $0x1;
	s6 =	simm.s32 $0x6780;
	[dreg:$0xa] =	wrdreg s1  }
0x1a: {  	s13 =	sadd.s32 $0x27000, s8;
	s1 =	sadd.s32 s14, s12;
	s8 =	simm.s32 $0xA880  }
0x1b: {  	s14 =	simm.s32 $0x3;
	[dreg:$0xb] =	wrdreg s13;
	s22 =	sadd.s32 $0x100, s1  }
0x1c: {  	s23 =	sadd.s32 $0x140, s1;
	s24 =	sadd.s32 $0xC0, s1;
	s1 =	sadd.s32 $0x180, s1  }
0x1d: {  	s13 =	simm.s32 $0xA900;
	[dreg:$0x12] =	wrdreg s22;
	s2 =	sshrl.u32 s23, $0x3  }
0x1e: {  	s25 =	sshrl.u32 s24, $0x3;
	s1 =	sshrl.u32 s1, $0x3;
	s2 =	sadd.s32 s2, s0  }
0x1f: {  	[dreg:$0x13] =	wrdreg s2;
	s2 =	sadd.s32 s25, s0;
	s25 =	sadd.s32 s1, s0  }
0x20: {  	v0 =	vimm.f32 $0.0e+00;
	s1 =	simm.s32 $0x2780;
	[dreg:$0x14] =	wrdreg s2;
	s2 =	simm.s32 $0xA780  }
.LBB2_1:
0x21: {  	s7 =	rddreg [dreg:$0x4]  }
0x22: {  	[tilespmem:s4], [sflag:$0x4] =	stream.linear.gather [hbm4b:s7+s4], $0x2710, $0x38;
	[tilespmem:$0x1E280] =	vst v63  }
0x23: {  	_ =	swait.ge [sflag:s30], $0x2710  }
0x24: {  	[sflag:s30] =	ssyncset.done $0x0  }
0x25: {  	[sflag:s30] =	ssyncadd.s32 $0xFFFFD8F0  }
0x26: {  	[tilespmem:s1], [sflag:$0x1] =	stream.indirect.gather [hbm4b:s5+s31], $0x80, s4, s31, $0xb8;
	[tilespmem:$0x1E280] =	vst v63  }
0x27: {  	s23 =	rddreg [dreg:$0x5]  }
0x28: {  	[tilespmem:s2], [sflag:$0x3] =	stream.linear.gather [hbm4b:s23+s4], $0x40, $0x38;
	[tilespmem:$0x1E280] =	vst v63  }
0x29: {  	s24 =	simm.s32 $0x4780  }
0x2a: {  	[tilespmem:s24], [sflag:$0x1] =	stream.indirect.gather [hbm4b:s5+s31], $0x80, s31, s31, $0xb8;
	[tilespmem:$0x1E280] =	vst v63  }
0x2b: {  	s12 =	simm.s32 $0xA800;
	s26 =	rddreg [dreg:$0x6]  }
0x2c: {  	[tilespmem:s12], [sflag:$0x3] =	stream.linear.gather [hbm4b:s26+s4], $0x40, $0x38;
	[tilespmem:$0x1E280] =	vst v63  }
0x2d: {  	s28 =	simm.s32 $0x80  }
0x2e: {  	[tilespmem:s6], [sflag:$0x1] =	stream.indirect.gather [hbm4b:s5+s31], $0x80, s28, s31, $0xb8;
	[tilespmem:$0x1E280] =	vst v63  }
0x2f: {  	s19 =	simm.s32 $0x200;
	s7 =	simm.s32 $0x0;
	s29 =	rddreg [dreg:$0x7]  }
0x30: {  	[tilespmem:s8], [sflag:$0x3] =	stream.linear.gather [hbm4b:s29+s4], $0x40, $0x38;
	[tilespmem:$0x1E280] =	vst v63  }
.LBB2_2:
0x31: {  	p1 =	sne.s32 s19, $0x7E00;
	[tilespmem:s7+$0x87F0] =	vst v0  }
0x32: {  	[tilespmem:s7+$0x8780] =	vst v0  }
0x33: {  	[tilespmem:s7+$0x8790] =	vst v0  }
.Ltmp0:
0x34: {  	[tilespmem:s7+$0x87A0] =	vst v0;
	(pc) =	sbr.rel @p1 .LBB2_2-.Ltmp0, $4  }
0x35: {  	[tilespmem:s7+$0x87B0] =	vst v0  }
0x36: {  	[tilespmem:s7+$0x87C0] =	vst v0  }
0x37: {  	[tilespmem:s7+$0x87D0] =	vst v0  }
0x38: {  	[tilespmem:s7+$0x87E0] =	vst v0;
	s7 =	sshra.s32 s19, $0x2;
	s19 =	sadd.s32 $0x200, s19  }
0x39: {  	[tilespmem:s7+$0x87F0] =	vst v0  }
0x3a: {  	[tilespmem:s7+$0x8780] =	vst v0  }
0x3b: {  	[tilespmem:s7+$0x8790] =	vst v0  }
0x3c: {  	[tilespmem:s7+$0x87A0] =	vst v0  }
0x3d: {  	[tilespmem:s7+$0x87B0] =	vst v0  }
0x3e: {  	[tilespmem:s7+$0x87C0] =	vst v0  }
0x3f: {  	[tilespmem:s7+$0x87D0] =	vst v0  }
0x40: {  	[tilespmem:s7+$0x87E0] =	vst v0  }
0x41: {  	[spmem:s9] =	stream.linear.scatter [tilespmem:s10], [sflag:$0x4], $0x2000, $0x38;
	[tilespmem:$0x1E280] =	vst v63  }
0x42: {  	_ =	swait.ge [sflag:s30], $0x2000  }
0x43: {  	[sflag:s30] =	ssyncset.done $0x0  }
0x44: {  	s12 =	rddreg [dreg:$0xd];
	[sflag:s30] =	ssyncadd.s32 $0xFFFFE000  }
0x45: {  	[spmem:s12] =	stream.linear.scatter [tilespmem:s10], [sflag:$0x4], $0x2000, $0x38;
	[tilespmem:$0x1E280] =	vst v63  }
0x46: {  	_ =	swait.ge [sflag:s30], $0x2000  }
0x47: {  	[sflag:s30] =	ssyncset.done $0x0  }
0x48: {  	s17 =	rddreg [dreg:$0xe];
	[sflag:s30] =	ssyncadd.s32 $0xFFFFE000  }
0x49: {  	[spmem:s17] =	stream.linear.scatter [tilespmem:s10], [sflag:$0x4], $0x2000, $0x38;
	[tilespmem:$0x1E280] =	vst v63  }
0x4a: {  	_ =	swait.ge [sflag:s30], $0x2000  }
0x4b: {  	[sflag:s30] =	ssyncset.done $0x0  }
0x4c: {  	s19 =	rddreg [dreg:$0xf];
	[sflag:s30] =	ssyncadd.s32 $0xFFFFE000  }
0x4d: {  	[spmem:s19] =	stream.linear.scatter [tilespmem:s10], [sflag:$0x4], $0x2000, $0x38;
	[tilespmem:$0x1E280] =	vst v63  }
0x4e: {  	_ =	swait.ge [sflag:s30], $0x2000  }
0x4f: {  	[sflag:s30] =	ssyncset.done $0x0  }
0x50: {  	s20 =	rddreg [dreg:$0x10];
	[sflag:s30] =	ssyncadd.s32 $0xFFFFE000  }
0x51: {  	[spmem:s20] =	stream.linear.scatter [tilespmem:s10], [sflag:$0x4], $0x2000, $0x38;
	[tilespmem:$0x1E280] =	vst v63  }
0x52: {  	_ =	swait.ge [sflag:s30], $0x2000  }
0x53: {  	[sflag:s30] =	ssyncset.done $0x0  }
0x54: {  	s21 =	rddreg [dreg:$0x11];
	[sflag:s30] =	ssyncadd.s32 $0xFFFFE000  }
0x55: {  	[spmem:s21] =	stream.linear.scatter [tilespmem:s10], [sflag:$0x4], $0x2000, $0x38;
	[tilespmem:$0x1E280] =	vst v63  }
0x56: {  	_ =	swait.ge [sflag:s30], $0x2000  }
0x57: {  	[sflag:s30] =	ssyncset.done $0x0  }
0x58: {  	s22 =	rddreg [dreg:$0x15];
	[sflag:s30] =	ssyncadd.s32 $0xFFFFE000  }
0x59: {  	[spmem:s22] =	stream.linear.scatter [tilespmem:s10], [sflag:$0x4], $0x2000, $0x38;
	[tilespmem:$0x1E280] =	vst v63  }
0x5a: {  	_ =	swait.ge [sflag:s30], $0x2000  }
0x5b: {  	[sflag:s30] =	ssyncset.done $0x0  }
0x5c: {  	s23 =	rddreg [dreg:$0x16];
	[sflag:s30] =	ssyncadd.s32 $0xFFFFE000  }
0x5d: {  	[spmem:s23] =	stream.linear.scatter [tilespmem:s10], [sflag:$0x4], $0x2000, $0x38;
	[tilespmem:$0x1E280] =	vst v63  }
0x5e: {  	_ =	swait.ge [sflag:s30], $0x2000  }
0x5f: {  	[sflag:s30] =	ssyncset.done $0x0  }
0x60: {  	s24 =	rddreg [dreg:$0x17];
	[sflag:s30] =	ssyncadd.s32 $0xFFFFE000  }
0x61: {  	[spmem:s24] =	stream.linear.scatter [tilespmem:s10], [sflag:$0x4], $0x2000, $0x38;
	[tilespmem:$0x1E280] =	vst v63  }
0x62: {  	_ =	swait.ge [sflag:s30], $0x2000  }
0x63: {  	[sflag:s30] =	ssyncset.done $0x0  }
0x64: {  	s26 =	rddreg [dreg:$0x8];
	[sflag:s30] =	ssyncadd.s32 $0xFFFFE000  }
0x65: {  	[spmem:s26] =	stream.linear.scatter [tilespmem:s10], [sflag:$0x4], $0x1800, $0x38;
	[tilespmem:$0x1E280] =	vst v63  }
0x66: {  	_ =	swait.ge [sflag:s30], $0x1800  }
0x67: {  	[sflag:s30] =	ssyncset.done $0x0  }
0x68: {  	s7 =	simm.s32 @!p0 $0x8780;
	[sflag:s30] =	ssyncadd.s32 $0xFFFFE800  }
0x69: {  	[spmem:s16] =	stream.linear.scatter @!p0 [tilespmem:s7], [sflag:$0x4], $0x800, $0x38;
	[tilespmem:$0x1E280] =	vst v63  }
0x6a: {  	s7 =	simm.s32 @!p0 $0x4  }
0x6b: {  	_ =	swait.ge @!p0 [sflag:s7], $0x800  }
0x6c: {  	[sflag:s7] =	ssyncset.done @!p0 $0x0  }
0x6d: {  	[sflag:s7] =	ssyncadd.s32 @!p0 $0xFFFFF800  }
0x6e: {  	[bflag:$0x0] =	sbarrier.arrive $0xFFFF  }
0x6f: {  	_ =	swait.ge [sflag:s11], $0x2000  }
0x70: {  	p1 =	por $0x1, $0x1;
	[sflag:s11] =	ssyncset.done $0x0  }
0x71: {  	s7 =	simm.s32 @!p1 $0x2;
	[sflag:s11] =	ssyncadd.s32 $0xFFFFE000  }
0x72: {  	_ =	swait.ge @!p1 [sflag:s7], $0x2000  }
0x73: {  	[sflag:s7] =	ssyncset.done @!p1 $0x0  }
0x74: {  	s29 =	simm.s32 $0xC0;
	[sflag:s7] =	ssyncadd.s32 @!p1 $0xFFFFE000  }
0x75: {  	[tilespmem:s10], [sflag:$0x1] =	stream.indirect.gather [hbm4b:s5+s31], $0x80, s29, s31, $0xb8;
	[tilespmem:$0x1E280] =	vst v63  }
0x76: {  	s17 =	rddreg [dreg:$0x14]  }
0x77: {  	[tilespmem:s13], [sflag:$0x3] =	stream.linear.gather [hbm4b:s17+s4], $0x40, $0x38;
	[tilespmem:$0x1E280] =	vst v63  }
0x78: {  	_ =	swait.ge [sflag:s14], $0x40  }
0x79: {  	[sflag:s14] =	ssyncset.done $0x0  }
0x7a: {  	[sflag:s14] =	ssyncadd.s32 $0xFFFFFFC0  }
0x7b: {  	[spmem:s3] =	stream.indirect.scatter.add.f32 [tilespmem:s1], [sflag:$0x2], $0x80, s2, s31, $0xb8;
	[tilespmem:$0x1E280] =	vst v63  }
0x7c: {  	_ =	swait.ge [sflag:s11], $0x2000  }
0x7d: {  	[sflag:s11] =	ssyncset.done $0x0  }
0x7e: {  	[sflag:s11] =	ssyncadd.s32 $0xFFFFE000  }
0x7f: {  	_ =	swait.ge [sflag:s15], $0x2000  }
0x80: {  	p1 =	por $0x0, $0x0;
	[sflag:s15] =	ssyncset.done $0x0  }
0x81: {  	s7 =	simm.s32 @p1 $0x3;
	[sflag:s15] =	ssyncadd.s32 $0xFFFFE000  }
0x82: {  	_ =	swait.ge @p1 [sflag:s7], $0x40  }
0x83: {  	s19 =	simm.s32 @p1 $0x4780;
	s20 =	simm.s32 @p1 $0x1;
	[sflag:s7] =	ssyncset.done @p1 $0x0  }
0x84: {  	s21 =	simm.s32 @p1 $0xA800;
	[sflag:s7] =	ssyncadd.s32 @p1 $0xFFFFFFC0;
	s7 =	simm.s32 @p1 $0x40  }
0x85: {  	[spmem:s3] =	stream.indirect.scatter.add.f32 @p1 [tilespmem:s19], [sflag:$0x2], $0x80, s21, s7, $0xb8;
	[tilespmem:$0x1E280] =	vst v63  }
0x86: {  	_ =	swait.ge @p1 [sflag:s20], $0x2000  }
0x87: {  	[sflag:s20] =	ssyncset.done @p1 $0x0  }
0x88: {  	s7 =	simm.s32 @p1 $0x2;
	[sflag:s20] =	ssyncadd.s32 @p1 $0xFFFFE000  }
0x89: {  	s26 =	simm.s32 @!p1 $0x3;
	s12 =	rddreg [dreg:$0x12];
	_ =	swait.ge @p1 [sflag:s7], $0x2000  }
0x8a: {  	s21 =	simm.s32 @!p1 $0x2780;
	s19 =	sshrl.u32 @!p1 s12, $0x3;
	[sflag:s7] =	ssyncset.done @p1 $0x0  }
0x8b: {  	s20 =	simm.s32 @!p1 $0x100;
	[sflag:s7] =	ssyncadd.s32 @p1 $0xFFFFE000;
	s7 =	simm.s32 @!p1 $0x40  }
0x8c: {  	[tilespmem:s21], [sflag:$0x1] =	stream.indirect.gather @!p1 [hbm4b:s5+s7], $0x80, s20, s7, $0xb8;
	[tilespmem:$0x1E280] =	vst v63  }
0x8d: {  	s19 =	sadd.s32 @!p1 s0, s19;
	s20 =	simm.s32 @!p1 $0x0;
	s21 =	simm.s32 @!p1 $0xA780  }
0x8e: {  	[tilespmem:s21], [sflag:$0x3] =	stream.linear.gather @!p1 [hbm4b:s19+s20], $0x40, $0x38;
	[tilespmem:$0x1E280] =	vst v63  }
0x8f: {  	_ =	swait.ge @!p1 [sflag:s26], $0x40  }
0x90: {  	s19 =	simm.s32 @!p1 $0x1;
	[sflag:s26] =	ssyncset.done @!p1 $0x0  }
0x91: {  	s21 =	simm.s32 @!p1 $0xA800;
	[sflag:s26] =	ssyncadd.s32 @!p1 $0xFFFFFFC0;
	s26 =	simm.s32 @!p1 $0x4780  }
0x92: {  	[spmem:s3] =	stream.indirect.scatter.add.f32 @!p1 [tilespmem:s26], [sflag:$0x2], $0x80, s21, s7, $0xb8;
	[tilespmem:$0x1E280] =	vst v63  }
0x93: {  	_ =	swait.ge @!p1 [sflag:s19], $0x2000  }
0x94: {  	[sflag:s19] =	ssyncset.done @!p1 $0x0  }
0x95: {  	[sflag:s19] =	ssyncadd.s32 @!p1 $0xFFFFE000;
	s19 =	simm.s32 @!p1 $0x2  }
0x96: {  	_ =	swait.ge @!p1 [sflag:s19], $0x2000  }
0x97: {  	[sflag:s19] =	ssyncset.done @!p1 $0x0  }
0x98: {  	[sflag:s19] =	ssyncadd.s32 @!p1 $0xFFFFE000;
	s19 =	simm.s32 @!p1 $0x140  }
0x99: {  	[tilespmem:s26], [sflag:$0x1] =	stream.indirect.gather @!p1 [hbm4b:s5+s7], $0x80, s19, s7, $0xb8;
	[tilespmem:$0x1E280] =	vst v63  }
0x9a: {  	s24 =	smov.u32 s16;
	s16 =	rddreg [dreg:$0x13]  }
0x9b: {  	[tilespmem:s21], [sflag:$0x3] =	stream.linear.gather @!p1 [hbm4b:s16+s20], $0x40, $0x38;
	[tilespmem:$0x1E280] =	vst v63  }
0x9c: {  	_ =	swait.ge [sflag:s14], $0x40  }
0x9d: {  	[sflag:s14] =	ssyncset.done $0x0  }
0x9e: {  	[sflag:s14] =	ssyncadd.s32 $0xFFFFFFC0  }
0x9f: {  	[spmem:s3] =	stream.indirect.scatter.add.f32 [tilespmem:s6], [sflag:$0x2], $0x80, s8, s31, $0xb8;
	[tilespmem:$0x1E280] =	vst v63  }
0xa0: {  	_ =	swait.ge [sflag:s11], $0x2000  }
0xa1: {  	[sflag:s11] =	ssyncset.done $0x0  }
0xa2: {  	[sflag:s11] =	ssyncadd.s32 $0xFFFFE000  }
0xa3: {  	_ =	swait.ge [sflag:s15], $0x2000  }
0xa4: {  	[sflag:s15] =	ssyncset.done $0x0  }
0xa5: {  	s19 =	simm.s32 @!p1 $0x180;
	s21 =	simm.s32 @!p1 $0x6780;
	[sflag:s15] =	ssyncadd.s32 $0xFFFFE000  }
0xa6: {  	[tilespmem:s21], [sflag:$0x1] =	stream.indirect.gather @!p1 [hbm4b:s5+s7], $0x80, s19, s7, $0xb8;
	[tilespmem:$0x1E280] =	vst v63  }
0xa7: {  	s7 =	simm.s32 @!p1 $0xA880  }
0xa8: {  	[tilespmem:s7], [sflag:$0x3] =	stream.linear.gather @!p1 [hbm4b:s25+s20], $0x40, $0x38;
	[tilespmem:$0x1E280] =	vst v63  }
0xa9: {  	s28 =	sadd.s32 $0x20, s16;
	_ =	swait.ge [sflag:s14], $0x40  }
0xaa: {  	s26 =	sadd.s32 $0x100, s12;
	s19 =	simm.s32 $0x400;
	[sflag:s14] =	ssyncset.done $0x0  }
0xab: {  	s21 =	sadd.s32 $0x20, s25;
	s20 =	sadd.s32 $0x20, s17;
	[sflag:s14] =	ssyncadd.s32 $0xFFFFFFC0  }
.LBB2_4:
0xac: {  	[spmem:s3] =	stream.indirect.scatter.add.f32 [tilespmem:s10], [sflag:$0x2], $0x80, s13, s31, $0xb8;
	[tilespmem:$0x1E280] =	vst v63  }
0xad: {  	s7 =	smov.u32 s19;
	s19 =	sadd.s32 $0x400, s19;
	_ =	swait.ge [sflag:s11], $0x2000  }
0xae: {  	p2 =	seq.s32 s7, $0x0;
	p1 =	sne.s32 s19, $0x9C00;
	[sflag:s11] =	ssyncset.done $0x0  }
0xaf: {  	s29 =	simm.s32 @!p2 $0x2;
	[sflag:s11] =	ssyncadd.s32 $0xFFFFE000  }
0xb0: {  	_ =	swait.ge @!p2 [sflag:s29], $0x2000  }
0xb1: {  	s16 =	sshra.s32 s7, $0x2;
	[sflag:s29] =	ssyncset.done @!p2 $0x0  }
0xb2: {  	s16 =	sadd.s32 $0xC0, s16;
	[sflag:s29] =	ssyncadd.s32 @!p2 $0xFFFFE000  }
0xb3: {  	[tilespmem:s10], [sflag:$0x1] =	stream.indirect.gather [hbm4b:s5+s31], $0x80, s16, s31, $0xb8;
	[tilespmem:$0x1E280] =	vst v63  }
0xb4: {  	_ = 	snop  }
0xb5: {  	[tilespmem:s13], [sflag:$0x3] =	stream.linear.gather [hbm4b:s20+s4], $0x40, $0x38;
	[tilespmem:$0x1E280] =	vst v63  }
0xb6: {  	_ =	swait.ge [sflag:s14], $0x40  }
0xb7: {  	[sflag:s14] =	ssyncset.done $0x0  }
0xb8: {  	[sflag:s14] =	ssyncadd.s32 $0xFFFFFFC0  }
0xb9: {  	[spmem:s3] =	stream.indirect.scatter.add.f32 [tilespmem:s1], [sflag:$0x2], $0x80, s2, s31, $0xb8;
	[tilespmem:$0x1E280] =	vst v63  }
0xba: {  	_ =	swait.ge [sflag:s11], $0x2000  }
0xbb: {  	[sflag:s11] =	ssyncset.done $0x0  }
0xbc: {  	[sflag:s11] =	ssyncadd.s32 $0xFFFFE000  }
0xbd: {  	_ =	swait.ge [sflag:s15], $0x2000  }
0xbe: {  	p2 =	seq.s32 s7, $0x9800;
	[sflag:s15] =	ssyncset.done $0x0  }
0xbf: {  	s16 =	simm.s32 @p2 $0x3;
	s7 =	sshra.s32 @!p2 s7, $0x2;
	[sflag:s15] =	ssyncadd.s32 $0xFFFFE000  }
0xc0: {  	s17 =	sshrl.u32 @!p2 s26, $0x3;
	s29 =	sadd.s32 @!p2 $0x100, s7;
	_ =	swait.ge @p2 [sflag:s16], $0x40  }
0xc1: {  	s12 =	simm.s32 @p2 $0x4780;
	s22 =	simm.s32 @p2 $0x1;
	[sflag:s16] =	ssyncset.done @p2 $0x0  }
0xc2: {  	s23 =	simm.s32 @p2 $0xA800;
	[sflag:s16] =	ssyncadd.s32 @p2 $0xFFFFFFC0;
	s16 =	simm.s32 @p2 $0x40  }
0xc3: {  	[spmem:s3] =	stream.indirect.scatter.add.f32 @p2 [tilespmem:s12], [sflag:$0x2], $0x80, s23, s16, $0xb8;
	[tilespmem:$0x1E280] =	vst v63  }
0xc4: {  	s12 =	sadd.s32 @!p2 s0, s17;
	s16 =	sadd.s32 @!p2 $0x140, s7;
	_ =	swait.ge @p2 [sflag:s22], $0x2000  }
0xc5: {  	s7 =	sadd.s32 @!p2 $0x180, s7;
	[sflag:s22] =	ssyncset.done @p2 $0x0  }
0xc6: {  	s17 =	simm.s32 @p2 $0x2;
	[sflag:s22] =	ssyncadd.s32 @p2 $0xFFFFE000  }
0xc7: {  	_ =	swait.ge @p2 [sflag:s17], $0x2000  }
0xc8: {  	[sflag:s17] =	ssyncset.done @p2 $0x0  }
0xc9: {  	s22 =	simm.s32 @!p2 $0x2780;
	[sflag:s17] =	ssyncadd.s32 @p2 $0xFFFFE000;
	s17 =	simm.s32 @!p2 $0x40  }
0xca: {  	[tilespmem:s22], [sflag:$0x1] =	stream.indirect.gather @!p2 [hbm4b:s5+s17], $0x80, s29, s17, $0xb8;
	[tilespmem:$0x1E280] =	vst v63  }
0xcb: {  	s23 =	simm.s32 @!p2 $0xA780;
	s22 =	simm.s32 @!p2 $0x0;
	s29 =	simm.s32 @!p2 $0x3  }
0xcc: {  	[tilespmem:s23], [sflag:$0x3] =	stream.linear.gather @!p2 [hbm4b:s12+s22], $0x40, $0x38;
	[tilespmem:$0x1E280] =	vst v63  }
0xcd: {  	_ =	swait.ge @!p2 [sflag:s29], $0x40  }
0xce: {  	s12 =	simm.s32 @!p2 $0x1;
	[sflag:s29] =	ssyncset.done @!p2 $0x0  }
0xcf: {  	s23 =	simm.s32 @!p2 $0xA800;
	[sflag:s29] =	ssyncadd.s32 @!p2 $0xFFFFFFC0;
	s29 =	simm.s32 @!p2 $0x4780  }
0xd0: {  	[spmem:s3] =	stream.indirect.scatter.add.f32 @!p2 [tilespmem:s29], [sflag:$0x2], $0x80, s23, s17, $0xb8;
	[tilespmem:$0x1E280] =	vst v63  }
0xd1: {  	_ =	swait.ge @!p2 [sflag:s12], $0x2000  }
0xd2: {  	[sflag:s12] =	ssyncset.done @!p2 $0x0  }
0xd3: {  	[sflag:s12] =	ssyncadd.s32 @!p2 $0xFFFFE000;
	s12 =	simm.s32 @!p2 $0x2  }
0xd4: {  	_ =	swait.ge @!p2 [sflag:s12], $0x2000  }
0xd5: {  	[sflag:s12] =	ssyncset.done @!p2 $0x0  }
0xd6: {  	[sflag:s12] =	ssyncadd.s32 @!p2 $0xFFFFE000  }
0xd7: {  	[tilespmem:s29], [sflag:$0x1] =	stream.indirect.gather @!p2 [hbm4b:s5+s17], $0x80, s16, s17, $0xb8;
	[tilespmem:$0x1E280] =	vst v63  }
0xd8: {  	_ = 	snop  }
0xd9: {  	[tilespmem:s23], [sflag:$0x3] =	stream.linear.gather @!p2 [hbm4b:s28+s22], $0x40, $0x38;
	[tilespmem:$0x1E280] =	vst v63  }
0xda: {  	_ =	swait.ge [sflag:s14], $0x40  }
0xdb: {  	[sflag:s14] =	ssyncset.done $0x0  }
0xdc: {  	[sflag:s14] =	ssyncadd.s32 $0xFFFFFFC0  }
0xdd: {  	[spmem:s3] =	stream.indirect.scatter.add.f32 [tilespmem:s6], [sflag:$0x2], $0x80, s8, s31, $0xb8;
	[tilespmem:$0x1E280] =	vst v63  }
0xde: {  	_ =	swait.ge [sflag:s11], $0x2000  }
0xdf: {  	[sflag:s11] =	ssyncset.done $0x0  }
0xe0: {  	[sflag:s11] =	ssyncadd.s32 $0xFFFFE000  }
0xe1: {  	_ =	swait.ge [sflag:s15], $0x2000  }
0xe2: {  	[sflag:s15] =	ssyncset.done $0x0  }
0xe3: {  	s12 =	simm.s32 @!p2 $0x6780;
	[sflag:s15] =	ssyncadd.s32 $0xFFFFE000  }
0xe4: {  	[tilespmem:s12], [sflag:$0x1] =	stream.indirect.gather @!p2 [hbm4b:s5+s17], $0x80, s7, s17, $0xb8;
	[tilespmem:$0x1E280] =	vst v63  }
.Ltmp1:
0xe5: {  	s7 =	simm.s32 @!p2 $0xA880;
	(pc) =	sbr.rel @p1 .LBB2_4-.Ltmp1, $4  }
0xe6: {  	[tilespmem:s7], [sflag:$0x3] =	stream.linear.gather @!p2 [hbm4b:s21+s22], $0x40, $0x38;
	[tilespmem:$0x1E280] =	vst v63  }
0xe7: {  	_ =	swait.ge [sflag:s14], $0x40  }
0xe8: {  	s20 =	sadd.s32 $0x20, s20;
	s21 =	sadd.s32 $0x20, s21;
	[sflag:s14] =	ssyncset.done $0x0  }
0xe9: {  	s26 =	sadd.s32 $0x100, s26;
	s28 =	sadd.s32 $0x20, s28;
	[sflag:s14] =	ssyncadd.s32 $0xFFFFFFC0  }
0xea: {  	[spmem:s3] =	stream.indirect.scatter.add.f32 [tilespmem:s10], [sflag:$0x2], $0x80, s13, s31, $0xb8;
	[tilespmem:$0x1E280] =	vst v63  }
0xeb: {  	_ =	swait.ge [sflag:s15], $0x2000  }
0xec: {  	[sflag:s15] =	ssyncset.done $0x0  }
0xed: {  	s12 =	simm.s32 $0xA980;
	s7 =	rddreg [dreg:$0x9];
	[sflag:s15] =	ssyncadd.s32 $0xFFFFE000  }
0xee: {  	[tilespmem:s12], [sflag:$0x4] =	stream.linear.gather [hbm4b:s7+s4], $0x10, $0x38;
	[tilespmem:$0x1E280] =	vst v63  }
0xef: {  	_ =	swait.ge [sflag:s30], $0x10  }
0xf0: {  	[sflag:s30] =	ssyncset.done $0x0  }
0xf1: {  	s22 =	simm.s32 $0x10;
	s16 =	simm.s32 $0x2700;
	[sflag:s30] =	ssyncadd.s32 $0xFFFFFFF0  }
0xf2: {  	[tilespmem:s1], [sflag:$0x1] =	stream.indirect.gather [hbm4b:s5+s22], $0x80, s16, s22, $0xb8;
	[tilespmem:$0x1E280] =	vst v63  }
0xf3: {  	_ =	swait.ge [sflag:s11], $0x800  }
0xf4: {  	[sflag:s11] =	ssyncset.done $0x0  }
0xf5: {  	[sflag:s11] =	ssyncadd.s32 $0xFFFFF800  }
0xf6: {  	[spmem:s3] =	stream.indirect.scatter.add.f32 [tilespmem:s1], [sflag:$0x4], $0x80, s12, s22, $0xb8;
	[tilespmem:$0x1E280] =	vst v63  }
0xf7: {  	_ =	swait.ge [sflag:s30], $0x800  }
0xf8: {  	[sflag:s30] =	ssyncset.done $0x0  }
0xf9: {  	s23 =	stileid.u32;
	[sflag:s30] =	ssyncadd.s32 $0xFFFFF800  }
0xfa: {  	s7 =	sshll.u32 s23, $0x6;
	[bflag:$0x0] =	sbarrier.arrive $0xFFFF  }
0xfb: {  	s26 =	sshrl.u32 s9, $0x3;
	s7 =	sor.u32 $0x1C04, s7;
	s28 =	rddreg [dreg:$0xa]  }
0xfc: {  	[hbm:s28], [sflag:s7] =	dma.local [spmem:s26], $0x2700  }
0xfd: {  	_ =	swait.ge [sflag:s30], $0x2700  }
0xfe: {  	[sflag:s30] =	ssyncset.done $0x0  }
0xff: {  	s12 =	sshrl.u32 @!p0 s24, $0x3;
	s17 =	rddreg [dreg:$0xb];
	[sflag:s30] =	ssyncadd.s32 $0xFFFFD900  }
0x100: {  	[hbm:s17], [sflag:s7] =	dma.local @!p0 [spmem:s12], $0x100  }
0x101: {  	s7 =	simm.s32 @!p0 $0x4  }
0x102: {  	_ =	swait.ge @!p0 [sflag:s7], $0x100  }
0x103: {  	s18 =	sadd.s32 $0x1, s18;
	s29 =	rddreg [dreg:$0xc]  }
0x104: {  	p1 =	sne.s32 s18, s29  }
.Ltmp2:
0x105: {  	_ = 	snop;
	(pc) =	sbr.rel @p1 .LBB2_1-.Ltmp2, $3  }
0x106: {  	_ =	sdelay $0x1  }
0x107: {  	[sflag:s7] =	ssyncset.done @!p0 $0x0  }
0x108: {  	s16 =	smov.u32 s24;
	[sflag:s7] =	ssyncadd.s32 @!p0 $0xFFFFFF00  }
0x109: {  	_ =	sfence.sel $0x180000  }
0x10a: {  	[bflag:$0x0] =	sbarrier.arrive $0xFFFF  }
0x10b: {  	_ =	strace $0x9000004A  }
0x10c: {  	[bflag:$0x2] =	sbarrier.arrive $0xFFFF  }
0x10d: {  	s0 =	rddreg [dreg:$0x3]  }
0x10e: {  	s0 =	sadd.s32 @!p0 $0x100000, s0  }
0x10f: {  	[sflag:s0] =	ssyncadd.tile.s32 @!p0 $0x1;
	_ =	shalt  }
.Lfunc_end2:
_tile_overlayer_lowered:
.L_overlay_start_2:
0x110: {  	(tag) =	ssettag $0x2  }
0x111: {  	s0 =	rddreg [dreg:$0x0];
	s2 =	stileid.u32  }
0x112: {  	s1 =	rddreg [dreg:$0x1];
	p0 =	sne.s32 s2, $0x0  }
0x113: {  	s3 =	rddreg [dreg:$0x2];
	[bflag:$0x3] =	sbarrier.arrive $0xFFFF;
	s2 =	simm.s32 @!p0 $0x1C04  }
0x114: {  	[timem:s3], [sflag:s2] =	dma.local @!p0 [hbm:s0], s1  }
0x115: {  	s0 =	simm.s32 @!p0 $0x4  }
0x116: {  	_ =	swait.ge @!p0 [sflag:s0], s1  }
0x117: {  	s1 =	ssub.s32 @!p0 $0x0, s1;
	[sflag:s0] =	ssyncset.done @!p0 $0x0  }
0x118: {  	[sflag:s0] =	ssyncadd.s32 @!p0 s1  }
0x119: {  	[bflag:$0x3] =	sbarrier.arrive $0xFFFF  }
0x11a: {  	_ =	shalt  }

// kernel: kernel.15.cloned.1.call-start
scs
__scs_entry_jumppad:
0x0: {  	(pc) =	sbr.rel $0x88, $3  }
0x1: {  	(tag) =	ssettag $0x0;
	lr =	simm.s32 $0x1  }
0x2: {  	[smem:$0x3F9C] =	sst lr;
	_ =	strace $0xD0000000  }
0x3: {  	_ = 	snop  }
0x4: {  	_ = 	snop  }
0x5: {  	_ = 	snop  }
0x6: {  	_ = 	snop  }
0x7: {  	_ = 	snop  }
__scs_overlays_trampoline_lowered:
0x8: {  	[smem:$0x3FAB] =	sst s0  }
0x9: {  	[smem:$0x3FAC] =	sst s1  }
0xa: {  	[smem:$0x3FAD] =	sst s2  }
0xb: {  	[smem:$0x3FAE] =	sst s3  }
0xc: {  	[smem:$0x3FAF] =	sst s4  }
0xd: {  	[smem:$0x3FB0] =	sst s5  }
0xe: {  	[smem:$0x3FB1] =	sst s6  }
0xf: {  	[smem:$0x3FB2] =	sst s7  }
0x10: {  	[smem:$0x3FB3] =	sst s8  }
0x11: {  	[smem:$0x3FB4] =	sst s9;
	s0 =	simm.s32 @!p0 $0x0  }
0x12: {  	s1 =	sld [smem:$0x3F9A];
	s0 =	simm.s32 @p0 $0x1  }
0x13: {  	[smem:$0x3FB5] =	sst s0;
	s0 =	simm.s32 @!p1 $0x0  }
0x14: {  	s2 =	sld [smem:$0x3F99];
	s0 =	simm.s32 @p1 $0x1  }
0x15: {  	[smem:$0x3FB6] =	sst s0;
	s0 =	simm.s32 @!p2 $0x0  }
0x16: {  	s3 =	sld [smem:$0x3FDB];
	s0 =	simm.s32 @p2 $0x1  }
0x17: {  	s4 =	simm.s32 $0x1BF5;
	[smem:$0x3FB8] =	sst s0  }
0x18: {  	s0 =	sld [smem:$0x3F9B];
	_ =	swait.ge [sflag:s4], $0x0  }
0x19: {  	s7 =	sld [smem:$0x3F9C]  }
0x1a: {  	s8 =	sadd.s32 $0xFFFFE003, lr  }
0x1b: {  	s9 =	sadd.s32 $0xFFFFFEF7, lr;
	s5 =	simm.s32 $0xFFFFFFFF;
	p2 =	slt.u32 s8, $0xFFFFF086  }
0x1c: {  	p1 =	slt.u32 s9, $0xF7A;
	s5 =	simm.s32 @!p2 $0x0  }
0x1d: {  	s5 =	simm.s32 @p1 $0x1;
	p0 =	seq.s32 s7, s2  }
0x1e: {  	s7 =	smul.u32 @!p0 $0xF7A, s2;
	p2 =	seq.s32 @!p0 s5, $0x0  }
0x1f: {  	s9 =	smul.u32 $0xF7A, s1;
	s8 =	simm.s32 @!p0 $0x1BF5;
	p2 =	por !p2, p0  }
0x20: {  	[sflag:s8] =	ssyncset.s32 @!p0 $0xFFFFF086;
	s6 =	sadd.s32 @!p0 s3, s7;
	s7 =	simm.s32 @!p0 $0x108  }
0x21: {  	s3 =	sadd.s32 s3, s9;
	s6 =	sadd.s32 @!p0 $0x88, s6;
	s7 =	simm.s32 @p2 $0x1082  }
0x22: {  	[simem:s7], [sflag:s8] =	dma.local @!p0 [hbm:s6], $0xF7A  }
0x23: {  	s9 =	sor.u32 $0xD0000000, s2;
	s6 =	simm.s32 $0x108;
	_ =	swait.ge @!p0 [sflag:s8], $0x0  }
0x24: {  	s3 =	sadd.s32 $0x88, s3;
	s6 =	simm.s32 @!p1 $0x1082;
	[sflag:s4] =	ssyncset.s32 $0xFFFFF086  }
0x25: {  	[simem:s6], [sflag:s4] =	dma.local [hbm:s3], $0xF7A  }
0x26: {  	[smem:$0x3F9C] =	sst s1;
	(tag) =	ssettag s2;
	_ =	strace s9  }
0x27: {  	s1 =	sld [smem:$0x3FAC]  }
0x28: {  	s2 =	sld [smem:$0x3FAD]  }
0x29: {  	s4 =	sld [smem:$0x3FAF]  }
0x2a: {  	p0 =	seq.s32 s5, $0x0;
	s5 =	sld [smem:$0x3FB0]  }
0x2b: {  	s6 =	sld [smem:$0x3FB1]  }
0x2c: {  	s7 =	sld [smem:$0x3FB2]  }
0x2d: {  	s3 =	simm.s32 $0x108;
	s8 =	sld [smem:$0x3FB3]  }
0x2e: {  	s3 =	simm.s32 @!p0 $0x1082;
	s9 =	sld [smem:$0x3FB4]  }
0x2f: {  	lr =	sadd.s32 s0, s3;
	s0 =	sld [smem:$0x3FAB]  }
0x30: {  	s3 =	sld [smem:$0x3FAE]  }
0x31: {  	[smem:$0x3FB7] =	sst s10  }
0x32: {  	s10 =	sld [smem:$0x3FB5];
	_ =	sdelay $0x3  }
0x33: {  	p0 =	seq.s32 s10, $0x1;
	s10 =	sld [smem:$0x3FB7];
	_ =	sdelay $0x3  }
0x34: {  	[smem:$0x3FB7] =	sst s10  }
0x35: {  	s10 =	sld [smem:$0x3FB6];
	_ =	sdelay $0x3  }
0x36: {  	p1 =	seq.s32 s10, $0x1;
	s10 =	sld [smem:$0x3FB7];
	_ =	sdelay $0x3  }
0x37: {  	[smem:$0x3FB7] =	sst s10  }
0x38: {  	s10 =	sld [smem:$0x3FB8]  }
0x39: {  	_ = 	snop;
	(pc) =	sbr.ind lr, $3  }
0x3a: {  	_ = 	snop  }
0x3b: {  	_ = 	snop  }
0x3c: {  	p2 =	seq.s32 s10, $0x1;
	s10 =	sld [smem:$0x3FB7]  }
0x3d: {  	_ =	shalt  }
0x3e: {  	_ =	shalt  }
0x3f: {  	_ =	shalt  }
0x40: {  	_ =	shalt  }
0x41: {  	_ =	shalt  }
0x42: {  	_ =	shalt  }
0x43: {  	_ =	shalt  }
0x44: {  	_ =	shalt  }
0x45: {  	_ =	shalt  }
0x46: {  	_ =	shalt  }
0x47: {  	_ =	shalt  }
0x48: {  	_ =	shalt  }
0x49: {  	_ =	shalt  }
0x4a: {  	_ =	shalt  }
0x4b: {  	_ =	shalt  }
0x4c: {  	_ =	shalt  }
0x4d: {  	_ =	shalt  }
0x4e: {  	_ =	shalt  }
0x4f: {  	_ =	shalt  }
0x50: {  	_ =	shalt  }
0x51: {  	_ =	shalt  }
0x52: {  	_ =	shalt  }
0x53: {  	_ =	shalt  }
0x54: {  	_ =	shalt  }
0x55: {  	_ =	shalt  }
0x56: {  	_ =	shalt  }
0x57: {  	_ =	shalt  }
0x58: {  	_ =	shalt  }
0x59: {  	_ =	shalt  }
0x5a: {  	_ =	shalt  }
0x5b: {  	_ =	shalt  }
0x5c: {  	_ =	shalt  }
0x5d: {  	_ =	shalt  }
0x5e: {  	_ =	shalt  }
0x5f: {  	_ =	shalt  }
0x60: {  	_ =	shalt  }
0x61: {  	_ =	shalt  }
0x62: {  	_ =	shalt  }
0x63: {  	_ =	shalt  }
0x64: {  	_ =	shalt  }
0x65: {  	_ =	shalt  }
0x66: {  	_ =	shalt  }
0x67: {  	_ =	shalt  }
0x68: {  	_ =	shalt  }
0x69: {  	_ =	shalt  }
0x6a: {  	_ =	shalt  }
0x6b: {  	_ =	shalt  }
0x6c: {  	_ =	shalt  }
0x6d: {  	_ =	shalt  }
0x6e: {  	_ =	shalt  }
0x6f: {  	_ =	shalt  }
0x70: {  	_ =	shalt  }
0x71: {  	_ =	shalt  }
0x72: {  	_ =	shalt  }
0x73: {  	_ =	shalt  }
0x74: {  	_ =	shalt  }
0x75: {  	_ =	shalt  }
0x76: {  	_ =	shalt  }
0x77: {  	_ =	shalt  }
0x78: {  	_ =	shalt  }
0x79: {  	_ =	shalt  }
0x7a: {  	_ =	shalt  }
0x7b: {  	_ =	shalt  }
0x7c: {  	_ =	shalt  }
0x7d: {  	_ =	shalt  }
0x7e: {  	_ =	shalt  }
0x7f: {  	_ =	shalt  }
0x80: {  	_ =	shalt  }
0x81: {  	_ =	shalt  }
0x82: {  	_ =	shalt  }
0x83: {  	_ =	shalt  }
0x84: {  	_ =	shalt  }
0x85: {  	_ =	shalt  }
0x86: {  	_ =	shalt  }
0x87: {  	_ =	shalt  }
.Lfunc_end0:
.L_simem_size_0:
called_computation.2_lowered:
.L_overlay_start_0:
0x88: {  	s2 =	sld [smem:$0x3FD9]  }
0x89: {  	s3 =	sld [smem:$0x3FFE];
	_ =	sdelay $0x1  }
0x8a: {  	s1 =	srdreg.scid  }
0x8b: {  	s0 =	sand.u32 $0x1, s1  }
0x8c: {  	s17 =	sshll.u32 s0, $0xA;
	s2 =	sadd.s32 s3, s2  }
0x8d: {  	s2 =	sadd.s32 s2, s17  }
0x8e: {  	[smem:$0x3FC3] =	sst s2  }
0x8f: {  	_ = 	snop  }
0x90: {  	s2 =	sld [smem:$0x3FD0];
	(tm) =	ssettm $0x1  }
0x91: {  	s18 =	sld [smem:$0x3FFB];
	_ =	sdelay $0x3  }
0x92: {  	_ =	strace s18  }
0x93: {  	s3 =	sld [smem:$0x3FFC];
	_ =	sdelay $0x3  }
0x94: {  	_ =	strace s3  }
0x95: {  	s3 =	sld [smem:$0x3FFD];
	_ =	sdelay $0x3  }
0x96: {  	_ =	strace s3  }
0x97: {  	_ =	strace $0x8FFFFFFF  }
0x98: {  	s19 =	sld [smem:$0x3FDB];
	_ =	sdelay $0x1  }
0x99: {  	s4 =	simm.s32 $_scs_section_size  }
0x9a: {  	s5 =	simm.s32 $_size__tile_overlayer_lowered;
	s6 =	simm.s32 $_tile_overlayer_lowered  }
0x9b: {  	s22 =	simm.s32 $0x1BFF;
	s21 =	sshll.u32 s6, $0x1;
	s3 =	sadd.s32 s4, s19  }
0x9c: {  	s7 =	simm.s32 $0x0;
	s20 =	sshll.u32 s5, $0x1;
	s5 =	sadd.s32 s21, s3  }
0x9d: {  	[timem:s7], [sflag:s22] =	dma.local [hbm:s5], s20  }
0x9e: {  	_ =	swait.ge [sflag:s22], s20  }
0x9f: {  	s4 =	ssub.s32 $0x0, s20;
	[sflag:s22] =	ssyncset.done $0x0  }
0xa0: {  	[sflag:s22] =	ssyncadd.s32 s4;
	_ =	sdelay $0x1  }
0xa1: {  	s23 =	simm.s32 $0x1B8B  }
0xa2: {  	_ =	swait.ge [sflag:s23], $0x1  }
0xa3: {  	[sflag:s23] =	ssyncset.done $0x0  }
0xa4: {  	s25 =	simm.s32 $0x1B8E;
	s24 =	sld [smem:$0x3FFE];
	[sflag:s23] =	ssyncadd.s32 $0xFFFFFFFF  }
0xa5: {  	s26 =	simm.s32 $execute0_lowered;
	[smem:$0x3FD2] =	sst s25  }
0xa6: {  	s5 =	sshll.u32 s26, $0x1;
	_ =	strace $0x8000004C;
	[dreg:$0x1] =	wrdreg $0xFFFFFFFF  }
0xa7: {  	s28 =	simm.s32 $_size_execute0_lowered;
	s3 =	sadd.s32 s3, s5;
	[dreg:$0x0] =	wrdreg $0x0  }
0xa8: {  	s5 =	sshll.u32 s28, $0x1;
	[dreg:$0x2] =	wrdreg s3  }
0xa9: {  	[dreg:$0x3] =	wrdreg s5  }
0xaa: {  	[dreg:$0x4] =	wrdreg $0xC0  }
0xab: {  	_ =	task [dreg:s7], $0x5FFFF  }
0xac: {  	[dreg:$0x1] =	wrdreg $0xFFFFFFFF  }
0xad: {  	[dreg:$0x0] =	wrdreg $0x60  }
0xae: {  	[dreg:$0x2] =	wrdreg s24  }
0xaf: {  	[dreg:$0x3] =	wrdreg s2  }
0xb0: {  	[dreg:$0x4] =	wrdreg $0xAA000  }
0xb1: {  	[dreg:$0x5] =	wrdreg $0x9  }
0xb2: {  	_ =	task.clear_ibuf [dreg:s7], $0x6FFFF;
	_ =	strace $0x9000004C  }
0xb3: {  	s29 =	simm.s32 $0x9;
	_ =	strace $0x8000004E  }
0xb4: {  	_ =	swait.ge [sflag:s29], $0x1  }
0xb5: {  	[sflag:s29] =	ssyncadd.s32 $0xFFFFFFFF  }
0xb6: {  	_ =	strace $0x9000004E  }
0xb7: {  	_ =	sfence  }
0xb8: {  	s30 =	sld [smem:$0x0];
	_ =	sdelay $0x2  }
0xb9: {  	s31 =	sshll.u32 s1, $0xD;
	s1 =	sshrl.u32 s1, $0x2  }
0xba: {  	s3 =	sand.u32 $0x4000, s31;
	s1 =	sadd.s32 s1, s30  }
0xbb: {  	s0 =	sor.u32 s3, s0;
	s1 =	sshll.u32 s1, $0x11  }
0xbc: {  	s0 =	sor.u32 s1, s0  }
0xbd: {  	s0 =	sadd.s32 $0x8F2B, s0  }
0xbe: {  	[sflag:s0] =	ssyncadd.remote.s32 $0x1  }
0xbf: {  	_ =	sfence.sel $0xFFFF  }
0xc0: {  	[dreg:$0x0] =	wrdreg $0xFFFFFFFF;
	(pc) =	sbr.abs _section_cstart, $3  }
0xc1: {  	[dreg:$0x1] =	wrdreg $0xFFFFFFFF  }
0xc2: {  	_ =	task.clear_ibuf [dreg:s7], $0x2FFFF;
	_ =	strace $0x9FFFFFFF  }
0xc3: {  	(tm) =	ssettm $0x7FFFFFFF  }
tec
execute0_lowered:
.L_overlay_start_1:
0x0: {  	(tag) =	ssettag $0x1  }
0x1: {  	s1 =	rddreg [dreg:$0x0]  }
0x2: {  	s0 =	rddreg [dreg:$0x1];
	s2 =	srdreg.scid  }
0x3: {  	s11 =	stileid.u32;
	s3 =	rddreg [dreg:$0x2]  }
0x4: {  	s4 =	simm.s32 $0x0;
	s30 =	simm.s32 $0x4;
	s31 =	simm.s32 $0x40  }
0x5: {  	s2 =	sand.u32 $0x1, s2;
	s5 =	sshll.u32 s11, $0x1;
	s10 =	smul.u32 $0x4E000, s11  }
0x6: {  	[smem:$0x7FF] =	sst s4;
	s25 =	smul.u32 $0x13800, s11;
	s7 =	ssub.s32 $0x2, s2  }
0x7: {  	s16 =	sadd.s32 $0x138000, s3;
	s9 =	sshrl.u32 s7, $0x1;
	s22 =	sshrl.u32 s10, $0x2  }
0x8: {  	p0 =	sne.s32 s11, $0x0;
	s7 =	ssub.s32 s7, s9;
	s9 =	sadd.s32 s22, s3  }
0x9: {  	s5 =	sor.u32 s2, s5;
	_ =	strace $0x8000004D;
	s28 =	sadd.s32 $0x12000, s9  }
0xa: {  	s23 =	smul.u32 $0x138800, s2;
	s15 =	smax.u32 s7, $0x1;
	[dreg:$0x8] =	wrdreg s28  }
0xb: {  	s14 =	smul.u32 $0x2710, s2;
	s17 =	sadd.s32 $0x2000, s9;
	[dreg:$0xc] =	wrdreg s15  }
0xc: {  	s6 =	smul.u32 $0x2710, s5;
	s18 =	sadd.s32 $0x4000, s9;
	[dreg:$0xd] =	wrdreg s17  }
0xd: {  	s5 =	sadd.s32 $0xB600, s1;
	s19 =	sadd.s32 $0x6000, s9;
	[dreg:$0xe] =	wrdreg s18  }
0xe: {  	s10 =	simm.s32 $0x8780;
	s20 =	sadd.s32 $0x8000, s9;
	[dreg:$0xf] =	wrdreg s19  }
0xf: {  	s6 =	sshrl.u32 s6, $0x3;
	s21 =	sadd.s32 $0xA000, s9;
	[dreg:$0x10] =	wrdreg s20  }
0x10: {  	s8 =	sadd.s32 s6, s1;
	s12 =	sadd.s32 s0, s6;
	[dreg:$0x11] =	wrdreg s21  }
0x11: {  	s1 =	sadd.s32 $0x32800, s1;
	s28 =	sadd.s32 $0xE000, s9;
	[dreg:$0x5] =	wrdreg s12  }
0x12: {  	s6 =	sadd.s32 s25, s23;
	s8 =	sadd.s32 $0x1800, s8;
	[dreg:$0x16] =	wrdreg s28  }
0x13: {  	s15 =	simm.s32 $0x2;
	s24 =	sadd.s32 $0x8, s12;
	[dreg:$0x4] =	wrdreg s8  }
0x14: {  	s18 =	simm.s32 $0x0;
	s26 =	sadd.s32 $0x10, s12;
	[dreg:$0x6] =	wrdreg s24  }
0x15: {  	s29 =	sadd.s32 $0x4E0, s12;
	s6 =	sshrl.u32 s6, $0x3;
	[dreg:$0x7] =	wrdreg s26  }
0x16: {  	s12 =	smul.u32 $0x4E20, s11;
	[dreg:$0x9] =	wrdreg s29;
	s26 =	sadd.s32 $0xC000, s9  }
0x17: {  	s8 =	sshrl.u32 s23, $0x3;
	s29 =	sadd.s32 $0x10000, s9;
	[dreg:$0x15] =	wrdreg s26  }
0x18: {  	s8 =	sadd.s32 s1, s8;
	s1 =	sadd.s32 s1, s6;
	[dreg:$0x17] =	wrdreg s29  }
0x19: {  	s11 =	simm.s32 $0x1;
	s6 =	simm.s32 $0x6780;
	[dreg:$0xa] =	wrdreg s1  }
0x1a: {  	s13 =	sadd.s32 $0x27000, s8;
	s1 =	sadd.s32 s14, s12;
	s8 =	simm.s32 $0xA880  }
0x1b: {  	s14 =	simm.s32 $0x3;
	[dreg:$0xb] =	wrdreg s13;
	s22 =	sadd.s32 $0x100, s1  }
0x1c: {  	s23 =	sadd.s32 $0x140, s1;
	s24 =	sadd.s32 $0xC0, s1;
	s1 =	sadd.s32 $0x180, s1  }
0x1d: {  	s13 =	simm.s32 $0xA900;
	[dreg:$0x12] =	wrdreg s22;
	s2 =	sshrl.u32 s23, $0x3  }
0x1e: {  	s25 =	sshrl.u32 s24, $0x3;
	s1 =	sshrl.u32 s1, $0x3;
	s2 =	sadd.s32 s2, s0  }
0x1f: {  	[dreg:$0x13] =	wrdreg s2;
	s2 =	sadd.s32 s25, s0;
	s25 =	sadd.s32 s1, s0  }
0x20: {  	v0 =	vimm.f32 $0.0e+00;
	s1 =	simm.s32 $0x2780;
	[dreg:$0x14] =	wrdreg s2;
	s2 =	simm.s32 $0xA780  }
.LBB2_1:
0x21: {  	s7 =	rddreg [dreg:$0x4]  }
0x22: {  	[tilespmem:s4], [sflag:$0x4] =	stream.linear.gather [hbm4b:s7+s4], $0x2710, $0x38;
	[tilespmem:$0x1E280] =	vst v63  }
0x23: {  	_ =	swait.ge [sflag:s30], $0x2710  }
0x24: {  	[sflag:s30] =	ssyncset.done $0x0  }
0x25: {  	[sflag:s30] =	ssyncadd.s32 $0xFFFFD8F0  }
0x26: {  	[tilespmem:s1], [sflag:$0x1] =	stream.indirect.gather [hbm4b:s5+s31], $0x80, s4, s31, $0xb8;
	[tilespmem:$0x1E280] =	vst v63  }
0x27: {  	s23 =	rddreg [dreg:$0x5]  }
0x28: {  	[tilespmem:s2], [sflag:$0x3] =	stream.linear.gather [hbm4b:s23+s4], $0x40, $0x38;
	[tilespmem:$0x1E280] =	vst v63  }
0x29: {  	s24 =	simm.s32 $0x4780  }
0x2a: {  	[tilespmem:s24], [sflag:$0x1] =	stream.indirect.gather [hbm4b:s5+s31], $0x80, s31, s31, $0xb8;
	[tilespmem:$0x1E280] =	vst v63  }
0x2b: {  	s12 =	simm.s32 $0xA800;
	s26 =	rddreg [dreg:$0x6]  }
0x2c: {  	[tilespmem:s12], [sflag:$0x3] =	stream.linear.gather [hbm4b:s26+s4], $0x40, $0x38;
	[tilespmem:$0x1E280] =	vst v63  }
0x2d: {  	s28 =	simm.s32 $0x80  }
0x2e: {  	[tilespmem:s6], [sflag:$0x1] =	stream.indirect.gather [hbm4b:s5+s31], $0x80, s28, s31, $0xb8;
	[tilespmem:$0x1E280] =	vst v63  }
0x2f: {  	s19 =	simm.s32 $0x200;
	s7 =	simm.s32 $0x0;
	s29 =	rddreg [dreg:$0x7]  }
0x30: {  	[tilespmem:s8], [sflag:$0x3] =	stream.linear.gather [hbm4b:s29+s4], $0x40, $0x38;
	[tilespmem:$0x1E280] =	vst v63  }
.LBB2_2:
0x31: {  	p1 =	sne.s32 s19, $0x7E00;
	[tilespmem:s7+$0x87F0] =	vst v0  }
0x32: {  	[tilespmem:s7+$0x8780] =	vst v0  }
0x33: {  	[tilespmem:s7+$0x8790] =	vst v0  }
.Ltmp0:
0x34: {  	[tilespmem:s7+$0x87A0] =	vst v0;
	(pc) =	sbr.rel @p1 .LBB2_2-.Ltmp0, $4  }
0x35: {  	[tilespmem:s7+$0x87B0] =	vst v0  }
0x36: {  	[tilespmem:s7+$0x87C0] =	vst v0  }
0x37: {  	[tilespmem:s7+$0x87D0] =	vst v0  }
0x38: {  	[tilespmem:s7+$0x87E0] =	vst v0;
	s7 =	sshra.s32 s19, $0x2;
	s19 =	sadd.s32 $0x200, s19  }
0x39: {  	[tilespmem:s7+$0x87F0] =	vst v0  }
0x3a: {  	[tilespmem:s7+$0x8780] =	vst v0  }
0x3b: {  	[tilespmem:s7+$0x8790] =	vst v0  }
0x3c: {  	[tilespmem:s7+$0x87A0] =	vst v0  }
0x3d: {  	[tilespmem:s7+$0x87B0] =	vst v0  }
0x3e: {  	[tilespmem:s7+$0x87C0] =	vst v0  }
0x3f: {  	[tilespmem:s7+$0x87D0] =	vst v0  }
0x40: {  	[tilespmem:s7+$0x87E0] =	vst v0  }
0x41: {  	[spmem:s9] =	stream.linear.scatter [tilespmem:s10], [sflag:$0x4], $0x2000, $0x38;
	[tilespmem:$0x1E280] =	vst v63  }
0x42: {  	_ =	swait.ge [sflag:s30], $0x2000  }
0x43: {  	[sflag:s30] =	ssyncset.done $0x0  }
0x44: {  	s12 =	rddreg [dreg:$0xd];
	[sflag:s30] =	ssyncadd.s32 $0xFFFFE000  }
0x45: {  	[spmem:s12] =	stream.linear.scatter [tilespmem:s10], [sflag:$0x4], $0x2000, $0x38;
	[tilespmem:$0x1E280] =	vst v63  }
0x46: {  	_ =	swait.ge [sflag:s30], $0x2000  }
0x47: {  	[sflag:s30] =	ssyncset.done $0x0  }
0x48: {  	s17 =	rddreg [dreg:$0xe];
	[sflag:s30] =	ssyncadd.s32 $0xFFFFE000  }
0x49: {  	[spmem:s17] =	stream.linear.scatter [tilespmem:s10], [sflag:$0x4], $0x2000, $0x38;
	[tilespmem:$0x1E280] =	vst v63  }
0x4a: {  	_ =	swait.ge [sflag:s30], $0x2000  }
0x4b: {  	[sflag:s30] =	ssyncset.done $0x0  }
0x4c: {  	s19 =	rddreg [dreg:$0xf];
	[sflag:s30] =	ssyncadd.s32 $0xFFFFE000  }
0x4d: {  	[spmem:s19] =	stream.linear.scatter [tilespmem:s10], [sflag:$0x4], $0x2000, $0x38;
	[tilespmem:$0x1E280] =	vst v63  }
0x4e: {  	_ =	swait.ge [sflag:s30], $0x2000  }
0x4f: {  	[sflag:s30] =	ssyncset.done $0x0  }
0x50: {  	s20 =	rddreg [dreg:$0x10];
	[sflag:s30] =	ssyncadd.s32 $0xFFFFE000  }
0x51: {  	[spmem:s20] =	stream.linear.scatter [tilespmem:s10], [sflag:$0x4], $0x2000, $0x38;
	[tilespmem:$0x1E280] =	vst v63  }
0x52: {  	_ =	swait.ge [sflag:s30], $0x2000  }
0x53: {  	[sflag:s30] =	ssyncset.done $0x0  }
0x54: {  	s21 =	rddreg [dreg:$0x11];
	[sflag:s30] =	ssyncadd.s32 $0xFFFFE000  }
0x55: {  	[spmem:s21] =	stream.linear.scatter [tilespmem:s10], [sflag:$0x4], $0x2000, $0x38;
	[tilespmem:$0x1E280] =	vst v63  }
0x56: {  	_ =	swait.ge [sflag:s30], $0x2000  }
0x57: {  	[sflag:s30] =	ssyncset.done $0x0  }
0x58: {  	s22 =	rddreg [dreg:$0x15];
	[sflag:s30] =	ssyncadd.s32 $0xFFFFE000  }
0x59: {  	[spmem:s22] =	stream.linear.scatter [tilespmem:s10], [sflag:$0x4], $0x2000, $0x38;
	[tilespmem:$0x1E280] =	vst v63  }
0x5a: {  	_ =	swait.ge [sflag:s30], $0x2000  }
0x5b: {  	[sflag:s30] =	ssyncset.done $0x0  }
0x5c: {  	s23 =	rddreg [dreg:$0x16];
	[sflag:s30] =	ssyncadd.s32 $0xFFFFE000  }
0x5d: {  	[spmem:s23] =	stream.linear.scatter [tilespmem:s10], [sflag:$0x4], $0x2000, $0x38;
	[tilespmem:$0x1E280] =	vst v63  }
0x5e: {  	_ =	swait.ge [sflag:s30], $0x2000  }
0x5f: {  	[sflag:s30] =	ssyncset.done $0x0  }
0x60: {  	s24 =	rddreg [dreg:$0x17];
	[sflag:s30] =	ssyncadd.s32 $0xFFFFE000  }
0x61: {  	[spmem:s24] =	stream.linear.scatter [tilespmem:s10], [sflag:$0x4], $0x2000, $0x38;
	[tilespmem:$0x1E280] =	vst v63  }
0x62: {  	_ =	swait.ge [sflag:s30], $0x2000  }
0x63: {  	[sflag:s30] =	ssyncset.done $0x0  }
0x64: {  	s26 =	rddreg [dreg:$0x8];
	[sflag:s30] =	ssyncadd.s32 $0xFFFFE000  }
0x65: {  	[spmem:s26] =	stream.linear.scatter [tilespmem:s10], [sflag:$0x4], $0x1800, $0x38;
	[tilespmem:$0x1E280] =	vst v63  }
0x66: {  	_ =	swait.ge [sflag:s30], $0x1800  }
0x67: {  	[sflag:s30] =	ssyncset.done $0x0  }
0x68: {  	s7 =	simm.s32 @!p0 $0x8780;
	[sflag:s30] =	ssyncadd.s32 $0xFFFFE800  }
0x69: {  	[spmem:s16] =	stream.linear.scatter @!p0 [tilespmem:s7], [sflag:$0x4], $0x800, $0x38;
	[tilespmem:$0x1E280] =	vst v63  }
0x6a: {  	s7 =	simm.s32 @!p0 $0x4  }
0x6b: {  	_ =	swait.ge @!p0 [sflag:s7], $0x800  }
0x6c: {  	[sflag:s7] =	ssyncset.done @!p0 $0x0  }
0x6d: {  	[sflag:s7] =	ssyncadd.s32 @!p0 $0xFFFFF800  }
0x6e: {  	[bflag:$0x0] =	sbarrier.arrive $0xFFFF  }
0x6f: {  	_ =	swait.ge [sflag:s11], $0x2000  }
0x70: {  	p1 =	por $0x1, $0x1;
	[sflag:s11] =	ssyncset.done $0x0  }
0x71: {  	s7 =	simm.s32 @!p1 $0x2;
	[sflag:s11] =	ssyncadd.s32 $0xFFFFE000  }
0x72: {  	_ =	swait.ge @!p1 [sflag:s7], $0x2000  }
0x73: {  	[sflag:s7] =	ssyncset.done @!p1 $0x0  }
0x74: {  	s29 =	simm.s32 $0xC0;
	[sflag:s7] =	ssyncadd.s32 @!p1 $0xFFFFE000  }
0x75: {  	[tilespmem:s10], [sflag:$0x1] =	stream.indirect.gather [hbm4b:s5+s31], $0x80, s29, s31, $0xb8;
	[tilespmem:$0x1E280] =	vst v63  }
0x76: {  	s17 =	rddreg [dreg:$0x14]  }
0x77: {  	[tilespmem:s13], [sflag:$0x3] =	stream.linear.gather [hbm4b:s17+s4], $0x40, $0x38;
	[tilespmem:$0x1E280] =	vst v63  }
0x78: {  	_ =	swait.ge [sflag:s14], $0x40  }
0x79: {  	[sflag:s14] =	ssyncset.done $0x0  }
0x7a: {  	[sflag:s14] =	ssyncadd.s32 $0xFFFFFFC0  }
0x7b: {  	[spmem:s3] =	stream.indirect.scatter.add.f32 [tilespmem:s1], [sflag:$0x2], $0x80, s2, s31, $0xb8;
	[tilespmem:$0x1E280] =	vst v63  }
0x7c: {  	_ =	swait.ge [sflag:s11], $0x2000  }
0x7d: {  	[sflag:s11] =	ssyncset.done $0x0  }
0x7e: {  	[sflag:s11] =	ssyncadd.s32 $0xFFFFE000  }
0x7f: {  	_ =	swait.ge [sflag:s15], $0x2000  }
0x80: {  	p1 =	por $0x0, $0x0;
	[sflag:s15] =	ssyncset.done $0x0  }
0x81: {  	s7 =	simm.s32 @p1 $0x3;
	[sflag:s15] =	ssyncadd.s32 $0xFFFFE000  }
0x82: {  	_ =	swait.ge @p1 [sflag:s7], $0x40  }
0x83: {  	s19 =	simm.s32 @p1 $0x4780;
	s20 =	simm.s32 @p1 $0x1;
	[sflag:s7] =	ssyncset.done @p1 $0x0  }
0x84: {  	s21 =	simm.s32 @p1 $0xA800;
	[sflag:s7] =	ssyncadd.s32 @p1 $0xFFFFFFC0;
	s7 =	simm.s32 @p1 $0x40  }
0x85: {  	[spmem:s3] =	stream.indirect.scatter.add.f32 @p1 [tilespmem:s19], [sflag:$0x2], $0x80, s21, s7, $0xb8;
	[tilespmem:$0x1E280] =	vst v63  }
0x86: {  	_ =	swait.ge @p1 [sflag:s20], $0x2000  }
0x87: {  	[sflag:s20] =	ssyncset.done @p1 $0x0  }
0x88: {  	s7 =	simm.s32 @p1 $0x2;
	[sflag:s20] =	ssyncadd.s32 @p1 $0xFFFFE000  }
0x89: {  	s26 =	simm.s32 @!p1 $0x3;
	s12 =	rddreg [dreg:$0x12];
	_ =	swait.ge @p1 [sflag:s7], $0x2000  }
0x8a: {  	s21 =	simm.s32 @!p1 $0x2780;
	s19 =	sshrl.u32 @!p1 s12, $0x3;
	[sflag:s7] =	ssyncset.done @p1 $0x0  }
0x8b: {  	s20 =	simm.s32 @!p1 $0x100;
	[sflag:s7] =	ssyncadd.s32 @p1 $0xFFFFE000;
	s7 =	simm.s32 @!p1 $0x40  }
0x8c: {  	[tilespmem:s21], [sflag:$0x1] =	stream.indirect.gather @!p1 [hbm4b:s5+s7], $0x80, s20, s7, $0xb8;
	[tilespmem:$0x1E280] =	vst v63  }
0x8d: {  	s19 =	sadd.s32 @!p1 s0, s19;
	s20 =	simm.s32 @!p1 $0x0;
	s21 =	simm.s32 @!p1 $0xA780  }
0x8e: {  	[tilespmem:s21], [sflag:$0x3] =	stream.linear.gather @!p1 [hbm4b:s19+s20], $0x40, $0x38;
	[tilespmem:$0x1E280] =	vst v63  }
0x8f: {  	_ =	swait.ge @!p1 [sflag:s26], $0x40  }
0x90: {  	s19 =	simm.s32 @!p1 $0x1;
	[sflag:s26] =	ssyncset.done @!p1 $0x0  }
0x91: {  	s21 =	simm.s32 @!p1 $0xA800;
	[sflag:s26] =	ssyncadd.s32 @!p1 $0xFFFFFFC0;
	s26 =	simm.s32 @!p1 $0x4780  }
0x92: {  	[spmem:s3] =	stream.indirect.scatter.add.f32 @!p1 [tilespmem:s26], [sflag:$0x2], $0x80, s21, s7, $0xb8;
	[tilespmem:$0x1E280] =	vst v63  }
0x93: {  	_ =	swait.ge @!p1 [sflag:s19], $0x2000  }
0x94: {  	[sflag:s19] =	ssyncset.done @!p1 $0x0  }
0x95: {  	[sflag:s19] =	ssyncadd.s32 @!p1 $0xFFFFE000;
	s19 =	simm.s32 @!p1 $0x2  }
0x96: {  	_ =	swait.ge @!p1 [sflag:s19], $0x2000  }
0x97: {  	[sflag:s19] =	ssyncset.done @!p1 $0x0  }
0x98: {  	[sflag:s19] =	ssyncadd.s32 @!p1 $0xFFFFE000;
	s19 =	simm.s32 @!p1 $0x140  }
0x99: {  	[tilespmem:s26], [sflag:$0x1] =	stream.indirect.gather @!p1 [hbm4b:s5+s7], $0x80, s19, s7, $0xb8;
	[tilespmem:$0x1E280] =	vst v63  }
0x9a: {  	s24 =	smov.u32 s16;
	s16 =	rddreg [dreg:$0x13]  }
0x9b: {  	[tilespmem:s21], [sflag:$0x3] =	stream.linear.gather @!p1 [hbm4b:s16+s20], $0x40, $0x38;
	[tilespmem:$0x1E280] =	vst v63  }
0x9c: {  	_ =	swait.ge [sflag:s14], $0x40  }
0x9d: {  	[sflag:s14] =	ssyncset.done $0x0  }
0x9e: {  	[sflag:s14] =	ssyncadd.s32 $0xFFFFFFC0  }
0x9f: {  	[spmem:s3] =	stream.indirect.scatter.add.f32 [tilespmem:s6], [sflag:$0x2], $0x80, s8, s31, $0xb8;
	[tilespmem:$0x1E280] =	vst v63  }
0xa0: {  	_ =	swait.ge [sflag:s11], $0x2000  }
0xa1: {  	[sflag:s11] =	ssyncset.done $0x0  }
0xa2: {  	[sflag:s11] =	ssyncadd.s32 $0xFFFFE000  }
0xa3: {  	_ =	swait.ge [sflag:s15], $0x2000  }
0xa4: {  	[sflag:s15] =	ssyncset.done $0x0  }
0xa5: {  	s19 =	simm.s32 @!p1 $0x180;
	s21 =	simm.s32 @!p1 $0x6780;
	[sflag:s15] =	ssyncadd.s32 $0xFFFFE000  }
0xa6: {  	[tilespmem:s21], [sflag:$0x1] =	stream.indirect.gather @!p1 [hbm4b:s5+s7], $0x80, s19, s7, $0xb8;
	[tilespmem:$0x1E280] =	vst v63  }
0xa7: {  	s7 =	simm.s32 @!p1 $0xA880  }
0xa8: {  	[tilespmem:s7], [sflag:$0x3] =	stream.linear.gather @!p1 [hbm4b:s25+s20], $0x40, $0x38;
	[tilespmem:$0x1E280] =	vst v63  }
0xa9: {  	s28 =	sadd.s32 $0x20, s16;
	_ =	swait.ge [sflag:s14], $0x40  }
0xaa: {  	s26 =	sadd.s32 $0x100, s12;
	s19 =	simm.s32 $0x400;
	[sflag:s14] =	ssyncset.done $0x0  }
0xab: {  	s21 =	sadd.s32 $0x20, s25;
	s20 =	sadd.s32 $0x20, s17;
	[sflag:s14] =	ssyncadd.s32 $0xFFFFFFC0  }
.LBB2_4:
0xac: {  	[spmem:s3] =	stream.indirect.scatter.add.f32 [tilespmem:s10], [sflag:$0x2], $0x80, s13, s31, $0xb8;
	[tilespmem:$0x1E280] =	vst v63  }
0xad: {  	s7 =	smov.u32 s19;
	s19 =	sadd.s32 $0x400, s19;
	_ =	swait.ge [sflag:s11], $0x2000  }
0xae: {  	p2 =	seq.s32 s7, $0x0;
	p1 =	sne.s32 s19, $0x9C00;
	[sflag:s11] =	ssyncset.done $0x0  }
0xaf: {  	s29 =	simm.s32 @!p2 $0x2;
	[sflag:s11] =	ssyncadd.s32 $0xFFFFE000  }
0xb0: {  	_ =	swait.ge @!p2 [sflag:s29], $0x2000  }
0xb1: {  	s16 =	sshra.s32 s7, $0x2;
	[sflag:s29] =	ssyncset.done @!p2 $0x0  }
0xb2: {  	s16 =	sadd.s32 $0xC0, s16;
	[sflag:s29] =	ssyncadd.s32 @!p2 $0xFFFFE000  }
0xb3: {  	[tilespmem:s10], [sflag:$0x1] =	stream.indirect.gather [hbm4b:s5+s31], $0x80, s16, s31, $0xb8;
	[tilespmem:$0x1E280] =	vst v63  }
0xb4: {  	_ = 	snop  }
0xb5: {  	[tilespmem:s13], [sflag:$0x3] =	stream.linear.gather [hbm4b:s20+s4], $0x40, $0x38;
	[tilespmem:$0x1E280] =	vst v63  }
0xb6: {  	_ =	swait.ge [sflag:s14], $0x40  }
0xb7: {  	[sflag:s14] =	ssyncset.done $0x0  }
0xb8: {  	[sflag:s14] =	ssyncadd.s32 $0xFFFFFFC0  }
0xb9: {  	[spmem:s3] =	stream.indirect.scatter.add.f32 [tilespmem:s1], [sflag:$0x2], $0x80, s2, s31, $0xb8;
	[tilespmem:$0x1E280] =	vst v63  }
0xba: {  	_ =	swait.ge [sflag:s11], $0x2000  }
0xbb: {  	[sflag:s11] =	ssyncset.done $0x0  }
0xbc: {  	[sflag:s11] =	ssyncadd.s32 $0xFFFFE000  }
0xbd: {  	_ =	swait.ge [sflag:s15], $0x2000  }
0xbe: {  	p2 =	seq.s32 s7, $0x9800;
	[sflag:s15] =	ssyncset.done $0x0  }
0xbf: {  	s16 =	simm.s32 @p2 $0x3;
	s7 =	sshra.s32 @!p2 s7, $0x2;
	[sflag:s15] =	ssyncadd.s32 $0xFFFFE000  }
0xc0: {  	s17 =	sshrl.u32 @!p2 s26, $0x3;
	s29 =	sadd.s32 @!p2 $0x100, s7;
	_ =	swait.ge @p2 [sflag:s16], $0x40  }
0xc1: {  	s12 =	simm.s32 @p2 $0x4780;
	s22 =	simm.s32 @p2 $0x1;
	[sflag:s16] =	ssyncset.done @p2 $0x0  }
0xc2: {  	s23 =	simm.s32 @p2 $0xA800;
	[sflag:s16] =	ssyncadd.s32 @p2 $0xFFFFFFC0;
	s16 =	simm.s32 @p2 $0x40  }
0xc3: {  	[spmem:s3] =	stream.indirect.scatter.add.f32 @p2 [tilespmem:s12], [sflag:$0x2], $0x80, s23, s16, $0xb8;
	[tilespmem:$0x1E280] =	vst v63  }
0xc4: {  	s12 =	sadd.s32 @!p2 s0, s17;
	s16 =	sadd.s32 @!p2 $0x140, s7;
	_ =	swait.ge @p2 [sflag:s22], $0x2000  }
0xc5: {  	s7 =	sadd.s32 @!p2 $0x180, s7;
	[sflag:s22] =	ssyncset.done @p2 $0x0  }
0xc6: {  	s17 =	simm.s32 @p2 $0x2;
	[sflag:s22] =	ssyncadd.s32 @p2 $0xFFFFE000  }
0xc7: {  	_ =	swait.ge @p2 [sflag:s17], $0x2000  }
0xc8: {  	[sflag:s17] =	ssyncset.done @p2 $0x0  }
0xc9: {  	s22 =	simm.s32 @!p2 $0x2780;
	[sflag:s17] =	ssyncadd.s32 @p2 $0xFFFFE000;
	s17 =	simm.s32 @!p2 $0x40  }
0xca: {  	[tilespmem:s22], [sflag:$0x1] =	stream.indirect.gather @!p2 [hbm4b:s5+s17], $0x80, s29, s17, $0xb8;
	[tilespmem:$0x1E280] =	vst v63  }
0xcb: {  	s23 =	simm.s32 @!p2 $0xA780;
	s22 =	simm.s32 @!p2 $0x0;
	s29 =	simm.s32 @!p2 $0x3  }
0xcc: {  	[tilespmem:s23], [sflag:$0x3] =	stream.linear.gather @!p2 [hbm4b:s12+s22], $0x40, $0x38;
	[tilespmem:$0x1E280] =	vst v63  }
0xcd: {  	_ =	swait.ge @!p2 [sflag:s29], $0x40  }
0xce: {  	s12 =	simm.s32 @!p2 $0x1;
	[sflag:s29] =	ssyncset.done @!p2 $0x0  }
0xcf: {  	s23 =	simm.s32 @!p2 $0xA800;
	[sflag:s29] =	ssyncadd.s32 @!p2 $0xFFFFFFC0;
	s29 =	simm.s32 @!p2 $0x4780  }
0xd0: {  	[spmem:s3] =	stream.indirect.scatter.add.f32 @!p2 [tilespmem:s29], [sflag:$0x2], $0x80, s23, s17, $0xb8;
	[tilespmem:$0x1E280] =	vst v63  }
0xd1: {  	_ =	swait.ge @!p2 [sflag:s12], $0x2000  }
0xd2: {  	[sflag:s12] =	ssyncset.done @!p2 $0x0  }
0xd3: {  	[sflag:s12] =	ssyncadd.s32 @!p2 $0xFFFFE000;
	s12 =	simm.s32 @!p2 $0x2  }
0xd4: {  	_ =	swait.ge @!p2 [sflag:s12], $0x2000  }
0xd5: {  	[sflag:s12] =	ssyncset.done @!p2 $0x0  }
0xd6: {  	[sflag:s12] =	ssyncadd.s32 @!p2 $0xFFFFE000  }
0xd7: {  	[tilespmem:s29], [sflag:$0x1] =	stream.indirect.gather @!p2 [hbm4b:s5+s17], $0x80, s16, s17, $0xb8;
	[tilespmem:$0x1E280] =	vst v63  }
0xd8: {  	_ = 	snop  }
0xd9: {  	[tilespmem:s23], [sflag:$0x3] =	stream.linear.gather @!p2 [hbm4b:s28+s22], $0x40, $0x38;
	[tilespmem:$0x1E280] =	vst v63  }
0xda: {  	_ =	swait.ge [sflag:s14], $0x40  }
0xdb: {  	[sflag:s14] =	ssyncset.done $0x0  }
0xdc: {  	[sflag:s14] =	ssyncadd.s32 $0xFFFFFFC0  }
0xdd: {  	[spmem:s3] =	stream.indirect.scatter.add.f32 [tilespmem:s6], [sflag:$0x2], $0x80, s8, s31, $0xb8;
	[tilespmem:$0x1E280] =	vst v63  }
0xde: {  	_ =	swait.ge [sflag:s11], $0x2000  }
0xdf: {  	[sflag:s11] =	ssyncset.done $0x0  }
0xe0: {  	[sflag:s11] =	ssyncadd.s32 $0xFFFFE000  }
0xe1: {  	_ =	swait.ge [sflag:s15], $0x2000  }
0xe2: {  	[sflag:s15] =	ssyncset.done $0x0  }
0xe3: {  	s12 =	simm.s32 @!p2 $0x6780;
	[sflag:s15] =	ssyncadd.s32 $0xFFFFE000  }
0xe4: {  	[tilespmem:s12], [sflag:$0x1] =	stream.indirect.gather @!p2 [hbm4b:s5+s17], $0x80, s7, s17, $0xb8;
	[tilespmem:$0x1E280] =	vst v63  }
.Ltmp1:
0xe5: {  	s7 =	simm.s32 @!p2 $0xA880;
	(pc) =	sbr.rel @p1 .LBB2_4-.Ltmp1, $4  }
0xe6: {  	[tilespmem:s7], [sflag:$0x3] =	stream.linear.gather @!p2 [hbm4b:s21+s22], $0x40, $0x38;
	[tilespmem:$0x1E280] =	vst v63  }
0xe7: {  	_ =	swait.ge [sflag:s14], $0x40  }
0xe8: {  	s20 =	sadd.s32 $0x20, s20;
	s21 =	sadd.s32 $0x20, s21;
	[sflag:s14] =	ssyncset.done $0x0  }
0xe9: {  	s26 =	sadd.s32 $0x100, s26;
	s28 =	sadd.s32 $0x20, s28;
	[sflag:s14] =	ssyncadd.s32 $0xFFFFFFC0  }
0xea: {  	[spmem:s3] =	stream.indirect.scatter.add.f32 [tilespmem:s10], [sflag:$0x2], $0x80, s13, s31, $0xb8;
	[tilespmem:$0x1E280] =	vst v63  }
0xeb: {  	_ =	swait.ge [sflag:s15], $0x2000  }
0xec: {  	[sflag:s15] =	ssyncset.done $0x0  }
0xed: {  	s12 =	simm.s32 $0xA980;
	s7 =	rddreg [dreg:$0x9];
	[sflag:s15] =	ssyncadd.s32 $0xFFFFE000  }
0xee: {  	[tilespmem:s12], [sflag:$0x4] =	stream.linear.gather [hbm4b:s7+s4], $0x10, $0x38;
	[tilespmem:$0x1E280] =	vst v63  }
0xef: {  	_ =	swait.ge [sflag:s30], $0x10  }
0xf0: {  	[sflag:s30] =	ssyncset.done $0x0  }
0xf1: {  	s22 =	simm.s32 $0x10;
	s16 =	simm.s32 $0x2700;
	[sflag:s30] =	ssyncadd.s32 $0xFFFFFFF0  }
0xf2: {  	[tilespmem:s1], [sflag:$0x1] =	stream.indirect.gather [hbm4b:s5+s22], $0x80, s16, s22, $0xb8;
	[tilespmem:$0x1E280] =	vst v63  }
0xf3: {  	_ =	swait.ge [sflag:s11], $0x800  }
0xf4: {  	[sflag:s11] =	ssyncset.done $0x0  }
0xf5: {  	[sflag:s11] =	ssyncadd.s32 $0xFFFFF800  }
0xf6: {  	[spmem:s3] =	stream.indirect.scatter.add.f32 [tilespmem:s1], [sflag:$0x4], $0x80, s12, s22, $0xb8;
	[tilespmem:$0x1E280] =	vst v63  }
0xf7: {  	_ =	swait.ge [sflag:s30], $0x800  }
0xf8: {  	[sflag:s30] =	ssyncset.done $0x0  }
0xf9: {  	s23 =	stileid.u32;
	[sflag:s30] =	ssyncadd.s32 $0xFFFFF800  }
0xfa: {  	s7 =	sshll.u32 s23, $0x6;
	[bflag:$0x0] =	sbarrier.arrive $0xFFFF  }
0xfb: {  	s26 =	sshrl.u32 s9, $0x3;
	s7 =	sor.u32 $0x1C04, s7;
	s28 =	rddreg [dreg:$0xa]  }
0xfc: {  	[hbm:s28], [sflag:s7] =	dma.local [spmem:s26], $0x2700  }
0xfd: {  	_ =	swait.ge [sflag:s30], $0x2700  }
0xfe: {  	[sflag:s30] =	ssyncset.done $0x0  }
0xff: {  	s12 =	sshrl.u32 @!p0 s24, $0x3;
	s17 =	rddreg [dreg:$0xb];
	[sflag:s30] =	ssyncadd.s32 $0xFFFFD900  }
0x100: {  	[hbm:s17], [sflag:s7] =	dma.local @!p0 [spmem:s12], $0x100  }
0x101: {  	s7 =	simm.s32 @!p0 $0x4  }
0x102: {  	_ =	swait.ge @!p0 [sflag:s7], $0x100  }
0x103: {  	s18 =	sadd.s32 $0x1, s18;
	s29 =	rddreg [dreg:$0xc]  }
0x104: {  	p1 =	sne.s32 s18, s29  }
.Ltmp2:
0x105: {  	_ = 	snop;
	(pc) =	sbr.rel @p1 .LBB2_1-.Ltmp2, $3  }
0x106: {  	_ =	sdelay $0x1  }
0x107: {  	[sflag:s7] =	ssyncset.done @!p0 $0x0  }
0x108: {  	s16 =	smov.u32 s24;
	[sflag:s7] =	ssyncadd.s32 @!p0 $0xFFFFFF00  }
0x109: {  	_ =	sfence.sel $0x180000  }
0x10a: {  	[bflag:$0x0] =	sbarrier.arrive $0xFFFF  }
0x10b: {  	_ =	strace $0x9000004D  }
0x10c: {  	[bflag:$0x2] =	sbarrier.arrive $0xFFFF  }
0x10d: {  	s0 =	rddreg [dreg:$0x3]  }
0x10e: {  	s0 =	sadd.s32 @!p0 $0x100000, s0  }
0x10f: {  	[sflag:s0] =	ssyncadd.tile.s32 @!p0 $0x1;
	_ =	shalt  }
.Lfunc_end2:
_tile_overlayer_lowered:
.L_overlay_start_2:
0x110: {  	(tag) =	ssettag $0x2  }
0x111: {  	s0 =	rddreg [dreg:$0x0];
	s2 =	stileid.u32  }
0x112: {  	s1 =	rddreg [dreg:$0x1];
	p0 =	sne.s32 s2, $0x0  }
0x113: {  	s3 =	rddreg [dreg:$0x2];
	[bflag:$0x3] =	sbarrier.arrive $0xFFFF;
	s2 =	simm.s32 @!p0 $0x1C04  }
0x114: {  	[timem:s3], [sflag:s2] =	dma.local @!p0 [hbm:s0], s1  }
0x115: {  	s0 =	simm.s32 @!p0 $0x4  }
0x116: {  	_ =	swait.ge @!p0 [sflag:s0], s1  }
0x117: {  	s1 =	ssub.s32 @!p0 $0x0, s1;
	[sflag:s0] =	ssyncset.done @!p0 $0x0  }
0x118: {  	[sflag:s0] =	ssyncadd.s32 @!p0 s1  }
0x119: {  	[bflag:$0x3] =	sbarrier.arrive $0xFFFF  }
0x11a: {  	_ =	shalt  }

// kernel: kernel.9.cloned.1.call-start
scs
__scs_entry_jumppad:
0x0: {  	(pc) =	sbr.rel $0x88, $3  }
0x1: {  	(tag) =	ssettag $0x0;
	lr =	simm.s32 $0x1  }
0x2: {  	[smem:$0x3F9C] =	sst lr;
	_ =	strace $0xD0000000  }
0x3: {  	_ = 	snop  }
0x4: {  	_ = 	snop  }
0x5: {  	_ = 	snop  }
0x6: {  	_ = 	snop  }
0x7: {  	_ = 	snop  }
__scs_overlays_trampoline_lowered:
0x8: {  	[smem:$0x3FAB] =	sst s0  }
0x9: {  	[smem:$0x3FAC] =	sst s1  }
0xa: {  	[smem:$0x3FAD] =	sst s2  }
0xb: {  	[smem:$0x3FAE] =	sst s3  }
0xc: {  	[smem:$0x3FAF] =	sst s4  }
0xd: {  	[smem:$0x3FB0] =	sst s5  }
0xe: {  	[smem:$0x3FB1] =	sst s6  }
0xf: {  	[smem:$0x3FB2] =	sst s7  }
0x10: {  	[smem:$0x3FB3] =	sst s8  }
0x11: {  	[smem:$0x3FB4] =	sst s9;
	s0 =	simm.s32 @!p0 $0x0  }
0x12: {  	s1 =	sld [smem:$0x3F9A];
	s0 =	simm.s32 @p0 $0x1  }
0x13: {  	[smem:$0x3FB5] =	sst s0;
	s0 =	simm.s32 @!p1 $0x0  }
0x14: {  	s2 =	sld [smem:$0x3F99];
	s0 =	simm.s32 @p1 $0x1  }
0x15: {  	[smem:$0x3FB6] =	sst s0;
	s0 =	simm.s32 @!p2 $0x0  }
0x16: {  	s3 =	sld [smem:$0x3FDB];
	s0 =	simm.s32 @p2 $0x1  }
0x17: {  	s4 =	simm.s32 $0x1BF5;
	[smem:$0x3FB8] =	sst s0  }
0x18: {  	s0 =	sld [smem:$0x3F9B];
	_ =	swait.ge [sflag:s4], $0x0  }
0x19: {  	s7 =	sld [smem:$0x3F9C]  }
0x1a: {  	s8 =	sadd.s32 $0xFFFFE003, lr  }
0x1b: {  	s9 =	sadd.s32 $0xFFFFFEF7, lr;
	s5 =	simm.s32 $0xFFFFFFFF;
	p2 =	slt.u32 s8, $0xFFFFF086  }
0x1c: {  	p1 =	slt.u32 s9, $0xF7A;
	s5 =	simm.s32 @!p2 $0x0  }
0x1d: {  	s5 =	simm.s32 @p1 $0x1;
	p0 =	seq.s32 s7, s2  }
0x1e: {  	s7 =	smul.u32 @!p0 $0xF7A, s2;
	p2 =	seq.s32 @!p0 s5, $0x0  }
0x1f: {  	s9 =	smul.u32 $0xF7A, s1;
	s8 =	simm.s32 @!p0 $0x1BF5;
	p2 =	por !p2, p0  }
0x20: {  	[sflag:s8] =	ssyncset.s32 @!p0 $0xFFFFF086;
	s6 =	sadd.s32 @!p0 s3, s7;
	s7 =	simm.s32 @!p0 $0x108  }
0x21: {  	s3 =	sadd.s32 s3, s9;
	s6 =	sadd.s32 @!p0 $0x88, s6;
	s7 =	simm.s32 @p2 $0x1082  }
0x22: {  	[simem:s7], [sflag:s8] =	dma.local @!p0 [hbm:s6], $0xF7A  }
0x23: {  	s9 =	sor.u32 $0xD0000000, s2;
	s6 =	simm.s32 $0x108;
	_ =	swait.ge @!p0 [sflag:s8], $0x0  }
0x24: {  	s3 =	sadd.s32 $0x88, s3;
	s6 =	simm.s32 @!p1 $0x1082;
	[sflag:s4] =	ssyncset.s32 $0xFFFFF086  }
0x25: {  	[simem:s6], [sflag:s4] =	dma.local [hbm:s3], $0xF7A  }
0x26: {  	[smem:$0x3F9C] =	sst s1;
	(tag) =	ssettag s2;
	_ =	strace s9  }
0x27: {  	s1 =	sld [smem:$0x3FAC]  }
0x28: {  	s2 =	sld [smem:$0x3FAD]  }
0x29: {  	s4 =	sld [smem:$0x3FAF]  }
0x2a: {  	p0 =	seq.s32 s5, $0x0;
	s5 =	sld [smem:$0x3FB0]  }
0x2b: {  	s6 =	sld [smem:$0x3FB1]  }
0x2c: {  	s7 =	sld [smem:$0x3FB2]  }
0x2d: {  	s3 =	simm.s32 $0x108;
	s8 =	sld [smem:$0x3FB3]  }
0x2e: {  	s3 =	simm.s32 @!p0 $0x1082;
	s9 =	sld [smem:$0x3FB4]  }
0x2f: {  	lr =	sadd.s32 s0, s3;
	s0 =	sld [smem:$0x3FAB]  }
0x30: {  	s3 =	sld [smem:$0x3FAE]  }
0x31: {  	[smem:$0x3FB7] =	sst s10  }
0x32: {  	s10 =	sld [smem:$0x3FB5];
	_ =	sdelay $0x3  }
0x33: {  	p0 =	seq.s32 s10, $0x1;
	s10 =	sld [smem:$0x3FB7];
	_ =	sdelay $0x3  }
0x34: {  	[smem:$0x3FB7] =	sst s10  }
0x35: {  	s10 =	sld [smem:$0x3FB6];
	_ =	sdelay $0x3  }
0x36: {  	p1 =	seq.s32 s10, $0x1;
	s10 =	sld [smem:$0x3FB7];
	_ =	sdelay $0x3  }
0x37: {  	[smem:$0x3FB7] =	sst s10  }
0x38: {  	s10 =	sld [smem:$0x3FB8]  }
0x39: {  	_ = 	snop;
	(pc) =	sbr.ind lr, $3  }
0x3a: {  	_ = 	snop  }
0x3b: {  	_ = 	snop  }
0x3c: {  	p2 =	seq.s32 s10, $0x1;
	s10 =	sld [smem:$0x3FB7]  }
0x3d: {  	_ =	shalt  }
0x3e: {  	_ =	shalt  }
0x3f: {  	_ =	shalt  }
0x40: {  	_ =	shalt  }
0x41: {  	_ =	shalt  }
0x42: {  	_ =	shalt  }
0x43: {  	_ =	shalt  }
0x44: {  	_ =	shalt  }
0x45: {  	_ =	shalt  }
0x46: {  	_ =	shalt  }
0x47: {  	_ =	shalt  }
0x48: {  	_ =	shalt  }
0x49: {  	_ =	shalt  }
0x4a: {  	_ =	shalt  }
0x4b: {  	_ =	shalt  }
0x4c: {  	_ =	shalt  }
0x4d: {  	_ =	shalt  }
0x4e: {  	_ =	shalt  }
0x4f: {  	_ =	shalt  }
0x50: {  	_ =	shalt  }
0x51: {  	_ =	shalt  }
0x52: {  	_ =	shalt  }
0x53: {  	_ =	shalt  }
0x54: {  	_ =	shalt  }
0x55: {  	_ =	shalt  }
0x56: {  	_ =	shalt  }
0x57: {  	_ =	shalt  }
0x58: {  	_ =	shalt  }
0x59: {  	_ =	shalt  }
0x5a: {  	_ =	shalt  }
0x5b: {  	_ =	shalt  }
0x5c: {  	_ =	shalt  }
0x5d: {  	_ =	shalt  }
0x5e: {  	_ =	shalt  }
0x5f: {  	_ =	shalt  }
0x60: {  	_ =	shalt  }
0x61: {  	_ =	shalt  }
0x62: {  	_ =	shalt  }
0x63: {  	_ =	shalt  }
0x64: {  	_ =	shalt  }
0x65: {  	_ =	shalt  }
0x66: {  	_ =	shalt  }
0x67: {  	_ =	shalt  }
0x68: {  	_ =	shalt  }
0x69: {  	_ =	shalt  }
0x6a: {  	_ =	shalt  }
0x6b: {  	_ =	shalt  }
0x6c: {  	_ =	shalt  }
0x6d: {  	_ =	shalt  }
0x6e: {  	_ =	shalt  }
0x6f: {  	_ =	shalt  }
0x70: {  	_ =	shalt  }
0x71: {  	_ =	shalt  }
0x72: {  	_ =	shalt  }
0x73: {  	_ =	shalt  }
0x74: {  	_ =	shalt  }
0x75: {  	_ =	shalt  }
0x76: {  	_ =	shalt  }
0x77: {  	_ =	shalt  }
0x78: {  	_ =	shalt  }
0x79: {  	_ =	shalt  }
0x7a: {  	_ =	shalt  }
0x7b: {  	_ =	shalt  }
0x7c: {  	_ =	shalt  }
0x7d: {  	_ =	shalt  }
0x7e: {  	_ =	shalt  }
0x7f: {  	_ =	shalt  }
0x80: {  	_ =	shalt  }
0x81: {  	_ =	shalt  }
0x82: {  	_ =	shalt  }
0x83: {  	_ =	shalt  }
0x84: {  	_ =	shalt  }
0x85: {  	_ =	shalt  }
0x86: {  	_ =	shalt  }
0x87: {  	_ =	shalt  }
.Lfunc_end0:
.L_simem_size_0:
called_computation_lowered:
.L_overlay_start_0:
0x88: {  	s2 =	sld [smem:$0x3FD9]  }
0x89: {  	s3 =	sld [smem:$0x3FFE];
	_ =	sdelay $0x1  }
0x8a: {  	s1 =	srdreg.scid  }
0x8b: {  	s0 =	sand.u32 $0x1, s1  }
0x8c: {  	s17 =	sshll.u32 s0, $0xA;
	s2 =	sadd.s32 s3, s2  }
0x8d: {  	s2 =	sadd.s32 s2, s17  }
0x8e: {  	[smem:$0x3FC3] =	sst s2  }
0x8f: {  	_ = 	snop  }
0x90: {  	s2 =	sld [smem:$0x3FD0];
	(tm) =	ssettm $0x1  }
0x91: {  	s18 =	sld [smem:$0x3FFB];
	_ =	sdelay $0x3  }
0x92: {  	_ =	strace s18  }
0x93: {  	s3 =	sld [smem:$0x3FFC];
	_ =	sdelay $0x3  }
0x94: {  	_ =	strace s3  }
0x95: {  	s3 =	sld [smem:$0x3FFD];
	_ =	sdelay $0x3  }
0x96: {  	_ =	strace s3  }
0x97: {  	_ =	strace $0x8FFFFFFF  }
0x98: {  	s19 =	sld [smem:$0x3FDB];
	_ =	sdelay $0x1  }
0x99: {  	s4 =	simm.s32 $_scs_section_size  }
0x9a: {  	s5 =	simm.s32 $_size__tile_overlayer_lowered;
	s6 =	simm.s32 $_tile_overlayer_lowered  }
0x9b: {  	s22 =	simm.s32 $0x1BFF;
	s21 =	sshll.u32 s6, $0x1;
	s3 =	sadd.s32 s4, s19  }
0x9c: {  	s7 =	simm.s32 $0x0;
	s20 =	sshll.u32 s5, $0x1;
	s5 =	sadd.s32 s21, s3  }
0x9d: {  	[timem:s7], [sflag:s22] =	dma.local [hbm:s5], s20  }
0x9e: {  	_ =	swait.ge [sflag:s22], s20  }
0x9f: {  	s4 =	ssub.s32 $0x0, s20;
	[sflag:s22] =	ssyncset.done $0x0  }
0xa0: {  	[sflag:s22] =	ssyncadd.s32 s4;
	_ =	sdelay $0x1  }
0xa1: {  	s23 =	simm.s32 $0x1B8B  }
0xa2: {  	_ =	swait.ge [sflag:s23], $0x1  }
0xa3: {  	[sflag:s23] =	ssyncset.done $0x0  }
0xa4: {  	s25 =	simm.s32 $0x1B8E;
	s24 =	sld [smem:$0x3FFE];
	[sflag:s23] =	ssyncadd.s32 $0xFFFFFFFF  }
0xa5: {  	s26 =	simm.s32 $execute0_lowered;
	[smem:$0x3FD2] =	sst s25  }
0xa6: {  	s5 =	sshll.u32 s26, $0x1;
	_ =	strace $0x80000046;
	[dreg:$0x1] =	wrdreg $0xFFFFFFFF  }
0xa7: {  	s28 =	simm.s32 $_size_execute0_lowered;
	s3 =	sadd.s32 s3, s5;
	[dreg:$0x0] =	wrdreg $0x0  }
0xa8: {  	s5 =	sshll.u32 s28, $0x1;
	[dreg:$0x2] =	wrdreg s3  }
0xa9: {  	[dreg:$0x3] =	wrdreg s5  }
0xaa: {  	[dreg:$0x4] =	wrdreg $0xC0  }
0xab: {  	_ =	task [dreg:s7], $0x5FFFF  }
0xac: {  	[dreg:$0x1] =	wrdreg $0xFFFFFFFF  }
0xad: {  	[dreg:$0x0] =	wrdreg $0x60  }
0xae: {  	[dreg:$0x2] =	wrdreg s24  }
0xaf: {  	[dreg:$0x3] =	wrdreg s2  }
0xb0: {  	[dreg:$0x4] =	wrdreg $0xAA000  }
0xb1: {  	[dreg:$0x5] =	wrdreg $0x9  }
0xb2: {  	_ =	task.clear_ibuf [dreg:s7], $0x6FFFF;
	_ =	strace $0x90000046  }
0xb3: {  	s29 =	simm.s32 $0x9;
	_ =	strace $0x80000048  }
0xb4: {  	_ =	swait.ge [sflag:s29], $0x1  }
0xb5: {  	[sflag:s29] =	ssyncadd.s32 $0xFFFFFFFF  }
0xb6: {  	_ =	strace $0x90000048  }
0xb7: {  	_ =	sfence  }
0xb8: {  	s30 =	sld [smem:$0x0];
	_ =	sdelay $0x2  }
0xb9: {  	s31 =	sshll.u32 s1, $0xD;
	s1 =	sshrl.u32 s1, $0x2  }
0xba: {  	s3 =	sand.u32 $0x4000, s31;
	s1 =	sadd.s32 s1, s30  }
0xbb: {  	s0 =	sor.u32 s3, s0;
	s1 =	sshll.u32 s1, $0x11  }
0xbc: {  	s0 =	sor.u32 s1, s0  }
0xbd: {  	s0 =	sadd.s32 $0x8F2B, s0  }
0xbe: {  	[sflag:s0] =	ssyncadd.remote.s32 $0x1  }
0xbf: {  	_ =	sfence.sel $0xFFFF  }
0xc0: {  	[dreg:$0x0] =	wrdreg $0xFFFFFFFF;
	(pc) =	sbr.abs _section_cstart, $3  }
0xc1: {  	[dreg:$0x1] =	wrdreg $0xFFFFFFFF  }
0xc2: {  	_ =	task.clear_ibuf [dreg:s7], $0x2FFFF;
	_ =	strace $0x9FFFFFFF  }
0xc3: {  	(tm) =	ssettm $0x7FFFFFFF  }
tec
execute0_lowered:
.L_overlay_start_1:
0x0: {  	(tag) =	ssettag $0x1  }
0x1: {  	s1 =	rddreg [dreg:$0x0]  }
0x2: {  	s0 =	rddreg [dreg:$0x1];
	s2 =	srdreg.scid  }
0x3: {  	s11 =	stileid.u32;
	s3 =	rddreg [dreg:$0x2]  }
0x4: {  	s4 =	simm.s32 $0x0;
	s30 =	simm.s32 $0x4;
	s31 =	simm.s32 $0x40  }
0x5: {  	s2 =	sand.u32 $0x1, s2;
	s5 =	sshll.u32 s11, $0x1;
	s10 =	smul.u32 $0x4E000, s11  }
0x6: {  	[smem:$0x7FF] =	sst s4;
	s25 =	smul.u32 $0x13800, s11;
	s7 =	ssub.s32 $0x2, s2  }
0x7: {  	s16 =	sadd.s32 $0x138000, s3;
	s9 =	sshrl.u32 s7, $0x1;
	s22 =	sshrl.u32 s10, $0x2  }
0x8: {  	p0 =	sne.s32 s11, $0x0;
	s7 =	ssub.s32 s7, s9;
	s9 =	sadd.s32 s22, s3  }
0x9: {  	s5 =	sor.u32 s2, s5;
	_ =	strace $0x80000047;
	s28 =	sadd.s32 $0x12000, s9  }
0xa: {  	s23 =	smul.u32 $0x138800, s2;
	s15 =	smax.u32 s7, $0x1;
	[dreg:$0x8] =	wrdreg s28  }
0xb: {  	s14 =	smul.u32 $0x2710, s2;
	s17 =	sadd.s32 $0x2000, s9;
	[dreg:$0xc] =	wrdreg s15  }
0xc: {  	s6 =	smul.u32 $0x2710, s5;
	s18 =	sadd.s32 $0x4000, s9;
	[dreg:$0xd] =	wrdreg s17  }
0xd: {  	s5 =	sadd.s32 $0xB600, s1;
	s19 =	sadd.s32 $0x6000, s9;
	[dreg:$0xe] =	wrdreg s18  }
0xe: {  	s10 =	simm.s32 $0x8780;
	s20 =	sadd.s32 $0x8000, s9;
	[dreg:$0xf] =	wrdreg s19  }
0xf: {  	s6 =	sshrl.u32 s6, $0x3;
	s21 =	sadd.s32 $0xA000, s9;
	[dreg:$0x10] =	wrdreg s20  }
0x10: {  	s8 =	sadd.s32 s6, s1;
	s12 =	sadd.s32 s0, s6;
	[dreg:$0x11] =	wrdreg s21  }
0x11: {  	s1 =	sadd.s32 $0x32800, s1;
	s28 =	sadd.s32 $0xE000, s9;
	[dreg:$0x5] =	wrdreg s12  }
0x12: {  	s6 =	sadd.s32 s25, s23;
	s8 =	sadd.s32 $0x1800, s8;
	[dreg:$0x16] =	wrdreg s28  }
0x13: {  	s15 =	simm.s32 $0x2;
	s24 =	sadd.s32 $0x8, s12;
	[dreg:$0x4] =	wrdreg s8  }
0x14: {  	s18 =	simm.s32 $0x0;
	s26 =	sadd.s32 $0x10, s12;
	[dreg:$0x6] =	wrdreg s24  }
0x15: {  	s29 =	sadd.s32 $0x4E0, s12;
	s6 =	sshrl.u32 s6, $0x3;
	[dreg:$0x7] =	wrdreg s26  }
0x16: {  	s12 =	smul.u32 $0x4E20, s11;
	[dreg:$0x9] =	wrdreg s29;
	s26 =	sadd.s32 $0xC000, s9  }
0x17: {  	s8 =	sshrl.u32 s23, $0x3;
	s29 =	sadd.s32 $0x10000, s9;
	[dreg:$0x15] =	wrdreg s26  }
0x18: {  	s8 =	sadd.s32 s1, s8;
	s1 =	sadd.s32 s1, s6;
	[dreg:$0x17] =	wrdreg s29  }
0x19: {  	s11 =	simm.s32 $0x1;
	s6 =	simm.s32 $0x6780;
	[dreg:$0xa] =	wrdreg s1  }
0x1a: {  	s13 =	sadd.s32 $0x27000, s8;
	s1 =	sadd.s32 s14, s12;
	s8 =	simm.s32 $0xA880  }
0x1b: {  	s14 =	simm.s32 $0x3;
	[dreg:$0xb] =	wrdreg s13;
	s22 =	sadd.s32 $0x100, s1  }
0x1c: {  	s23 =	sadd.s32 $0x140, s1;
	s24 =	sadd.s32 $0xC0, s1;
	s1 =	sadd.s32 $0x180, s1  }
0x1d: {  	s13 =	simm.s32 $0xA900;
	[dreg:$0x12] =	wrdreg s22;
	s2 =	sshrl.u32 s23, $0x3  }
0x1e: {  	s25 =	sshrl.u32 s24, $0x3;
	s1 =	sshrl.u32 s1, $0x3;
	s2 =	sadd.s32 s2, s0  }
0x1f: {  	[dreg:$0x13] =	wrdreg s2;
	s2 =	sadd.s32 s25, s0;
	s25 =	sadd.s32 s1, s0  }
0x20: {  	v0 =	vimm.f32 $0.0e+00;
	s1 =	simm.s32 $0x2780;
	[dreg:$0x14] =	wrdreg s2;
	s2 =	simm.s32 $0xA780  }
.LBB2_1:
0x21: {  	s7 =	rddreg [dreg:$0x4]  }
0x22: {  	[tilespmem:s4], [sflag:$0x4] =	stream.linear.gather [hbm4b:s7+s4], $0x2710, $0x38;
	[tilespmem:$0x1E280] =	vst v63  }
0x23: {  	_ =	swait.ge [sflag:s30], $0x2710  }
0x24: {  	[sflag:s30] =	ssyncset.done $0x0  }
0x25: {  	[sflag:s30] =	ssyncadd.s32 $0xFFFFD8F0  }
0x26: {  	[tilespmem:s1], [sflag:$0x1] =	stream.indirect.gather [hbm4b:s5+s31], $0x80, s4, s31, $0xb8;
	[tilespmem:$0x1E280] =	vst v63  }
0x27: {  	s23 =	rddreg [dreg:$0x5]  }
0x28: {  	[tilespmem:s2], [sflag:$0x3] =	stream.linear.gather [hbm4b:s23+s4], $0x40, $0x38;
	[tilespmem:$0x1E280] =	vst v63  }
0x29: {  	s24 =	simm.s32 $0x4780  }
0x2a: {  	[tilespmem:s24], [sflag:$0x1] =	stream.indirect.gather [hbm4b:s5+s31], $0x80, s31, s31, $0xb8;
	[tilespmem:$0x1E280] =	vst v63  }
0x2b: {  	s12 =	simm.s32 $0xA800;
	s26 =	rddreg [dreg:$0x6]  }
0x2c: {  	[tilespmem:s12], [sflag:$0x3] =	stream.linear.gather [hbm4b:s26+s4], $0x40, $0x38;
	[tilespmem:$0x1E280] =	vst v63  }
0x2d: {  	s28 =	simm.s32 $0x80  }
0x2e: {  	[tilespmem:s6], [sflag:$0x1] =	stream.indirect.gather [hbm4b:s5+s31], $0x80, s28, s31, $0xb8;
	[tilespmem:$0x1E280] =	vst v63  }
0x2f: {  	s19 =	simm.s32 $0x200;
	s7 =	simm.s32 $0x0;
	s29 =	rddreg [dreg:$0x7]  }
0x30: {  	[tilespmem:s8], [sflag:$0x3] =	stream.linear.gather [hbm4b:s29+s4], $0x40, $0x38;
	[tilespmem:$0x1E280] =	vst v63  }
.LBB2_2:
0x31: {  	p1 =	sne.s32 s19, $0x7E00;
	[tilespmem:s7+$0x87F0] =	vst v0  }
0x32: {  	[tilespmem:s7+$0x8780] =	vst v0  }
0x33: {  	[tilespmem:s7+$0x8790] =	vst v0  }
.Ltmp0:
0x34: {  	[tilespmem:s7+$0x87A0] =	vst v0;
	(pc) =	sbr.rel @p1 .LBB2_2-.Ltmp0, $4  }
0x35: {  	[tilespmem:s7+$0x87B0] =	vst v0  }
0x36: {  	[tilespmem:s7+$0x87C0] =	vst v0  }
0x37: {  	[tilespmem:s7+$0x87D0] =	vst v0  }
0x38: {  	[tilespmem:s7+$0x87E0] =	vst v0;
	s7 =	sshra.s32 s19, $0x2;
	s19 =	sadd.s32 $0x200, s19  }
0x39: {  	[tilespmem:s7+$0x87F0] =	vst v0  }
0x3a: {  	[tilespmem:s7+$0x8780] =	vst v0  }
0x3b: {  	[tilespmem:s7+$0x8790] =	vst v0  }
0x3c: {  	[tilespmem:s7+$0x87A0] =	vst v0  }
0x3d: {  	[tilespmem:s7+$0x87B0] =	vst v0  }
0x3e: {  	[tilespmem:s7+$0x87C0] =	vst v0  }
0x3f: {  	[tilespmem:s7+$0x87D0] =	vst v0  }
0x40: {  	[tilespmem:s7+$0x87E0] =	vst v0  }
0x41: {  	[spmem:s9] =	stream.linear.scatter [tilespmem:s10], [sflag:$0x4], $0x2000, $0x38;
	[tilespmem:$0x1E280] =	vst v63  }
0x42: {  	_ =	swait.ge [sflag:s30], $0x2000  }
0x43: {  	[sflag:s30] =	ssyncset.done $0x0  }
0x44: {  	s12 =	rddreg [dreg:$0xd];
	[sflag:s30] =	ssyncadd.s32 $0xFFFFE000  }
0x45: {  	[spmem:s12] =	stream.linear.scatter [tilespmem:s10], [sflag:$0x4], $0x2000, $0x38;
	[tilespmem:$0x1E280] =	vst v63  }
0x46: {  	_ =	swait.ge [sflag:s30], $0x2000  }
0x47: {  	[sflag:s30] =	ssyncset.done $0x0  }
0x48: {  	s17 =	rddreg [dreg:$0xe];
	[sflag:s30] =	ssyncadd.s32 $0xFFFFE000  }
0x49: {  	[spmem:s17] =	stream.linear.scatter [tilespmem:s10], [sflag:$0x4], $0x2000, $0x38;
	[tilespmem:$0x1E280] =	vst v63  }
0x4a: {  	_ =	swait.ge [sflag:s30], $0x2000  }
0x4b: {  	[sflag:s30] =	ssyncset.done $0x0  }
0x4c: {  	s19 =	rddreg [dreg:$0xf];
	[sflag:s30] =	ssyncadd.s32 $0xFFFFE000  }
0x4d: {  	[spmem:s19] =	stream.linear.scatter [tilespmem:s10], [sflag:$0x4], $0x2000, $0x38;
	[tilespmem:$0x1E280] =	vst v63  }
0x4e: {  	_ =	swait.ge [sflag:s30], $0x2000  }
0x4f: {  	[sflag:s30] =	ssyncset.done $0x0  }
0x50: {  	s20 =	rddreg [dreg:$0x10];
	[sflag:s30] =	ssyncadd.s32 $0xFFFFE000  }
0x51: {  	[spmem:s20] =	stream.linear.scatter [tilespmem:s10], [sflag:$0x4], $0x2000, $0x38;
	[tilespmem:$0x1E280] =	vst v63  }
0x52: {  	_ =	swait.ge [sflag:s30], $0x2000  }
0x53: {  	[sflag:s30] =	ssyncset.done $0x0  }
0x54: {  	s21 =	rddreg [dreg:$0x11];
	[sflag:s30] =	ssyncadd.s32 $0xFFFFE000  }
0x55: {  	[spmem:s21] =	stream.linear.scatter [tilespmem:s10], [sflag:$0x4], $0x2000, $0x38;
	[tilespmem:$0x1E280] =	vst v63  }
0x56: {  	_ =	swait.ge [sflag:s30], $0x2000  }
0x57: {  	[sflag:s30] =	ssyncset.done $0x0  }
0x58: {  	s22 =	rddreg [dreg:$0x15];
	[sflag:s30] =	ssyncadd.s32 $0xFFFFE000  }
0x59: {  	[spmem:s22] =	stream.linear.scatter [tilespmem:s10], [sflag:$0x4], $0x2000, $0x38;
	[tilespmem:$0x1E280] =	vst v63  }
0x5a: {  	_ =	swait.ge [sflag:s30], $0x2000  }
0x5b: {  	[sflag:s30] =	ssyncset.done $0x0  }
0x5c: {  	s23 =	rddreg [dreg:$0x16];
	[sflag:s30] =	ssyncadd.s32 $0xFFFFE000  }
0x5d: {  	[spmem:s23] =	stream.linear.scatter [tilespmem:s10], [sflag:$0x4], $0x2000, $0x38;
	[tilespmem:$0x1E280] =	vst v63  }
0x5e: {  	_ =	swait.ge [sflag:s30], $0x2000  }
0x5f: {  	[sflag:s30] =	ssyncset.done $0x0  }
0x60: {  	s24 =	rddreg [dreg:$0x17];
	[sflag:s30] =	ssyncadd.s32 $0xFFFFE000  }
0x61: {  	[spmem:s24] =	stream.linear.scatter [tilespmem:s10], [sflag:$0x4], $0x2000, $0x38;
	[tilespmem:$0x1E280] =	vst v63  }
0x62: {  	_ =	swait.ge [sflag:s30], $0x2000  }
0x63: {  	[sflag:s30] =	ssyncset.done $0x0  }
0x64: {  	s26 =	rddreg [dreg:$0x8];
	[sflag:s30] =	ssyncadd.s32 $0xFFFFE000  }
0x65: {  	[spmem:s26] =	stream.linear.scatter [tilespmem:s10], [sflag:$0x4], $0x1800, $0x38;
	[tilespmem:$0x1E280] =	vst v63  }
0x66: {  	_ =	swait.ge [sflag:s30], $0x1800  }
0x67: {  	[sflag:s30] =	ssyncset.done $0x0  }
0x68: {  	s7 =	simm.s32 @!p0 $0x8780;
	[sflag:s30] =	ssyncadd.s32 $0xFFFFE800  }
0x69: {  	[spmem:s16] =	stream.linear.scatter @!p0 [tilespmem:s7], [sflag:$0x4], $0x800, $0x38;
	[tilespmem:$0x1E280] =	vst v63  }
0x6a: {  	s7 =	simm.s32 @!p0 $0x4  }
0x6b: {  	_ =	swait.ge @!p0 [sflag:s7], $0x800  }
0x6c: {  	[sflag:s7] =	ssyncset.done @!p0 $0x0  }
0x6d: {  	[sflag:s7] =	ssyncadd.s32 @!p0 $0xFFFFF800  }
0x6e: {  	[bflag:$0x0] =	sbarrier.arrive $0xFFFF  }
0x6f: {  	_ =	swait.ge [sflag:s11], $0x2000  }
0x70: {  	p1 =	por $0x1, $0x1;
	[sflag:s11] =	ssyncset.done $0x0  }
0x71: {  	s7 =	simm.s32 @!p1 $0x2;
	[sflag:s11] =	ssyncadd.s32 $0xFFFFE000  }
0x72: {  	_ =	swait.ge @!p1 [sflag:s7], $0x2000  }
0x73: {  	[sflag:s7] =	ssyncset.done @!p1 $0x0  }
0x74: {  	s29 =	simm.s32 $0xC0;
	[sflag:s7] =	ssyncadd.s32 @!p1 $0xFFFFE000  }
0x75: {  	[tilespmem:s10], [sflag:$0x1] =	stream.indirect.gather [hbm4b:s5+s31], $0x80, s29, s31, $0xb8;
	[tilespmem:$0x1E280] =	vst v63  }
0x76: {  	s17 =	rddreg [dreg:$0x14]  }
0x77: {  	[tilespmem:s13], [sflag:$0x3] =	stream.linear.gather [hbm4b:s17+s4], $0x40, $0x38;
	[tilespmem:$0x1E280] =	vst v63  }
0x78: {  	_ =	swait.ge [sflag:s14], $0x40  }
0x79: {  	[sflag:s14] =	ssyncset.done $0x0  }
0x7a: {  	[sflag:s14] =	ssyncadd.s32 $0xFFFFFFC0  }
0x7b: {  	[spmem:s3] =	stream.indirect.scatter.add.f32 [tilespmem:s1], [sflag:$0x2], $0x80, s2, s31, $0xb8;
	[tilespmem:$0x1E280] =	vst v63  }
0x7c: {  	_ =	swait.ge [sflag:s11], $0x2000  }
0x7d: {  	[sflag:s11] =	ssyncset.done $0x0  }
0x7e: {  	[sflag:s11] =	ssyncadd.s32 $0xFFFFE000  }
0x7f: {  	_ =	swait.ge [sflag:s15], $0x2000  }
0x80: {  	p1 =	por $0x0, $0x0;
	[sflag:s15] =	ssyncset.done $0x0  }
0x81: {  	s7 =	simm.s32 @p1 $0x3;
	[sflag:s15] =	ssyncadd.s32 $0xFFFFE000  }
0x82: {  	_ =	swait.ge @p1 [sflag:s7], $0x40  }
0x83: {  	s19 =	simm.s32 @p1 $0x4780;
	s20 =	simm.s32 @p1 $0x1;
	[sflag:s7] =	ssyncset.done @p1 $0x0  }
0x84: {  	s21 =	simm.s32 @p1 $0xA800;
	[sflag:s7] =	ssyncadd.s32 @p1 $0xFFFFFFC0;
	s7 =	simm.s32 @p1 $0x40  }
0x85: {  	[spmem:s3] =	stream.indirect.scatter.add.f32 @p1 [tilespmem:s19], [sflag:$0x2], $0x80, s21, s7, $0xb8;
	[tilespmem:$0x1E280] =	vst v63  }
0x86: {  	_ =	swait.ge @p1 [sflag:s20], $0x2000  }
0x87: {  	[sflag:s20] =	ssyncset.done @p1 $0x0  }
0x88: {  	s7 =	simm.s32 @p1 $0x2;
	[sflag:s20] =	ssyncadd.s32 @p1 $0xFFFFE000  }
0x89: {  	s26 =	simm.s32 @!p1 $0x3;
	s12 =	rddreg [dreg:$0x12];
	_ =	swait.ge @p1 [sflag:s7], $0x2000  }
0x8a: {  	s21 =	simm.s32 @!p1 $0x2780;
	s19 =	sshrl.u32 @!p1 s12, $0x3;
	[sflag:s7] =	ssyncset.done @p1 $0x0  }
0x8b: {  	s20 =	simm.s32 @!p1 $0x100;
	[sflag:s7] =	ssyncadd.s32 @p1 $0xFFFFE000;
	s7 =	simm.s32 @!p1 $0x40  }
0x8c: {  	[tilespmem:s21], [sflag:$0x1] =	stream.indirect.gather @!p1 [hbm4b:s5+s7], $0x80, s20, s7, $0xb8;
	[tilespmem:$0x1E280] =	vst v63  }
0x8d: {  	s19 =	sadd.s32 @!p1 s0, s19;
	s20 =	simm.s32 @!p1 $0x0;
	s21 =	simm.s32 @!p1 $0xA780  }
0x8e: {  	[tilespmem:s21], [sflag:$0x3] =	stream.linear.gather @!p1 [hbm4b:s19+s20], $0x40, $0x38;
	[tilespmem:$0x1E280] =	vst v63  }
0x8f: {  	_ =	swait.ge @!p1 [sflag:s26], $0x40  }
0x90: {  	s19 =	simm.s32 @!p1 $0x1;
	[sflag:s26] =	ssyncset.done @!p1 $0x0  }
0x91: {  	s21 =	simm.s32 @!p1 $0xA800;
	[sflag:s26] =	ssyncadd.s32 @!p1 $0xFFFFFFC0;
	s26 =	simm.s32 @!p1 $0x4780  }
0x92: {  	[spmem:s3] =	stream.indirect.scatter.add.f32 @!p1 [tilespmem:s26], [sflag:$0x2], $0x80, s21, s7, $0xb8;
	[tilespmem:$0x1E280] =	vst v63  }
0x93: {  	_ =	swait.ge @!p1 [sflag:s19], $0x2000  }
0x94: {  	[sflag:s19] =	ssyncset.done @!p1 $0x0  }
0x95: {  	[sflag:s19] =	ssyncadd.s32 @!p1 $0xFFFFE000;
	s19 =	simm.s32 @!p1 $0x2  }
0x96: {  	_ =	swait.ge @!p1 [sflag:s19], $0x2000  }
0x97: {  	[sflag:s19] =	ssyncset.done @!p1 $0x0  }
0x98: {  	[sflag:s19] =	ssyncadd.s32 @!p1 $0xFFFFE000;
	s19 =	simm.s32 @!p1 $0x140  }
0x99: {  	[tilespmem:s26], [sflag:$0x1] =	stream.indirect.gather @!p1 [hbm4b:s5+s7], $0x80, s19, s7, $0xb8;
	[tilespmem:$0x1E280] =	vst v63  }
0x9a: {  	s24 =	smov.u32 s16;
	s16 =	rddreg [dreg:$0x13]  }
0x9b: {  	[tilespmem:s21], [sflag:$0x3] =	stream.linear.gather @!p1 [hbm4b:s16+s20], $0x40, $0x38;
	[tilespmem:$0x1E280] =	vst v63  }
0x9c: {  	_ =	swait.ge [sflag:s14], $0x40  }
0x9d: {  	[sflag:s14] =	ssyncset.done $0x0  }
0x9e: {  	[sflag:s14] =	ssyncadd.s32 $0xFFFFFFC0  }
0x9f: {  	[spmem:s3] =	stream.indirect.scatter.add.f32 [tilespmem:s6], [sflag:$0x2], $0x80, s8, s31, $0xb8;
	[tilespmem:$0x1E280] =	vst v63  }
0xa0: {  	_ =	swait.ge [sflag:s11], $0x2000  }
0xa1: {  	[sflag:s11] =	ssyncset.done $0x0  }
0xa2: {  	[sflag:s11] =	ssyncadd.s32 $0xFFFFE000  }
0xa3: {  	_ =	swait.ge [sflag:s15], $0x2000  }
0xa4: {  	[sflag:s15] =	ssyncset.done $0x0  }
0xa5: {  	s19 =	simm.s32 @!p1 $0x180;
	s21 =	simm.s32 @!p1 $0x6780;
	[sflag:s15] =	ssyncadd.s32 $0xFFFFE000  }
0xa6: {  	[tilespmem:s21], [sflag:$0x1] =	stream.indirect.gather @!p1 [hbm4b:s5+s7], $0x80, s19, s7, $0xb8;
	[tilespmem:$0x1E280] =	vst v63  }
0xa7: {  	s7 =	simm.s32 @!p1 $0xA880  }
0xa8: {  	[tilespmem:s7], [sflag:$0x3] =	stream.linear.gather @!p1 [hbm4b:s25+s20], $0x40, $0x38;
	[tilespmem:$0x1E280] =	vst v63  }
0xa9: {  	s28 =	sadd.s32 $0x20, s16;
	_ =	swait.ge [sflag:s14], $0x40  }
0xaa: {  	s26 =	sadd.s32 $0x100, s12;
	s19 =	simm.s32 $0x400;
	[sflag:s14] =	ssyncset.done $0x0  }
0xab: {  	s21 =	sadd.s32 $0x20, s25;
	s20 =	sadd.s32 $0x20, s17;
	[sflag:s14] =	ssyncadd.s32 $0xFFFFFFC0  }
.LBB2_4:
0xac: {  	[spmem:s3] =	stream.indirect.scatter.add.f32 [tilespmem:s10], [sflag:$0x2], $0x80, s13, s31, $0xb8;
	[tilespmem:$0x1E280] =	vst v63  }
0xad: {  	s7 =	smov.u32 s19;
	s19 =	sadd.s32 $0x400, s19;
	_ =	swait.ge [sflag:s11], $0x2000  }
0xae: {  	p2 =	seq.s32 s7, $0x0;
	p1 =	sne.s32 s19, $0x9C00;
	[sflag:s11] =	ssyncset.done $0x0  }
0xaf: {  	s29 =	simm.s32 @!p2 $0x2;
	[sflag:s11] =	ssyncadd.s32 $0xFFFFE000  }
0xb0: {  	_ =	swait.ge @!p2 [sflag:s29], $0x2000  }
0xb1: {  	s16 =	sshra.s32 s7, $0x2;
	[sflag:s29] =	ssyncset.done @!p2 $0x0  }
0xb2: {  	s16 =	sadd.s32 $0xC0, s16;
	[sflag:s29] =	ssyncadd.s32 @!p2 $0xFFFFE000  }
0xb3: {  	[tilespmem:s10], [sflag:$0x1] =	stream.indirect.gather [hbm4b:s5+s31], $0x80, s16, s31, $0xb8;
	[tilespmem:$0x1E280] =	vst v63  }
0xb4: {  	_ = 	snop  }
0xb5: {  	[tilespmem:s13], [sflag:$0x3] =	stream.linear.gather [hbm4b:s20+s4], $0x40, $0x38;
	[tilespmem:$0x1E280] =	vst v63  }
0xb6: {  	_ =	swait.ge [sflag:s14], $0x40  }
0xb7: {  	[sflag:s14] =	ssyncset.done $0x0  }
0xb8: {  	[sflag:s14] =	ssyncadd.s32 $0xFFFFFFC0  }
0xb9: {  	[spmem:s3] =	stream.indirect.scatter.add.f32 [tilespmem:s1], [sflag:$0x2], $0x80, s2, s31, $0xb8;
	[tilespmem:$0x1E280] =	vst v63  }
0xba: {  	_ =	swait.ge [sflag:s11], $0x2000  }
0xbb: {  	[sflag:s11] =	ssyncset.done $0x0  }
0xbc: {  	[sflag:s11] =	ssyncadd.s32 $0xFFFFE000  }
0xbd: {  	_ =	swait.ge [sflag:s15], $0x2000  }
0xbe: {  	p2 =	seq.s32 s7, $0x9800;
	[sflag:s15] =	ssyncset.done $0x0  }
0xbf: {  	s16 =	simm.s32 @p2 $0x3;
	s7 =	sshra.s32 @!p2 s7, $0x2;
	[sflag:s15] =	ssyncadd.s32 $0xFFFFE000  }
0xc0: {  	s17 =	sshrl.u32 @!p2 s26, $0x3;
	s29 =	sadd.s32 @!p2 $0x100, s7;
	_ =	swait.ge @p2 [sflag:s16], $0x40  }
0xc1: {  	s12 =	simm.s32 @p2 $0x4780;
	s22 =	simm.s32 @p2 $0x1;
	[sflag:s16] =	ssyncset.done @p2 $0x0  }
0xc2: {  	s23 =	simm.s32 @p2 $0xA800;
	[sflag:s16] =	ssyncadd.s32 @p2 $0xFFFFFFC0;
	s16 =	simm.s32 @p2 $0x40  }
0xc3: {  	[spmem:s3] =	stream.indirect.scatter.add.f32 @p2 [tilespmem:s12], [sflag:$0x2], $0x80, s23, s16, $0xb8;
	[tilespmem:$0x1E280] =	vst v63  }
0xc4: {  	s12 =	sadd.s32 @!p2 s0, s17;
	s16 =	sadd.s32 @!p2 $0x140, s7;
	_ =	swait.ge @p2 [sflag:s22], $0x2000  }
0xc5: {  	s7 =	sadd.s32 @!p2 $0x180, s7;
	[sflag:s22] =	ssyncset.done @p2 $0x0  }
0xc6: {  	s17 =	simm.s32 @p2 $0x2;
	[sflag:s22] =	ssyncadd.s32 @p2 $0xFFFFE000  }
0xc7: {  	_ =	swait.ge @p2 [sflag:s17], $0x2000  }
0xc8: {  	[sflag:s17] =	ssyncset.done @p2 $0x0  }
0xc9: {  	s22 =	simm.s32 @!p2 $0x2780;
	[sflag:s17] =	ssyncadd.s32 @p2 $0xFFFFE000;
	s17 =	simm.s32 @!p2 $0x40  }
0xca: {  	[tilespmem:s22], [sflag:$0x1] =	stream.indirect.gather @!p2 [hbm4b:s5+s17], $0x80, s29, s17, $0xb8;
	[tilespmem:$0x1E280] =	vst v63  }
0xcb: {  	s23 =	simm.s32 @!p2 $0xA780;
	s22 =	simm.s32 @!p2 $0x0;
	s29 =	simm.s32 @!p2 $0x3  }
0xcc: {  	[tilespmem:s23], [sflag:$0x3] =	stream.linear.gather @!p2 [hbm4b:s12+s22], $0x40, $0x38;
	[tilespmem:$0x1E280] =	vst v63  }
0xcd: {  	_ =	swait.ge @!p2 [sflag:s29], $0x40  }
0xce: {  	s12 =	simm.s32 @!p2 $0x1;
	[sflag:s29] =	ssyncset.done @!p2 $0x0  }
0xcf: {  	s23 =	simm.s32 @!p2 $0xA800;
	[sflag:s29] =	ssyncadd.s32 @!p2 $0xFFFFFFC0;
	s29 =	simm.s32 @!p2 $0x4780  }
0xd0: {  	[spmem:s3] =	stream.indirect.scatter.add.f32 @!p2 [tilespmem:s29], [sflag:$0x2], $0x80, s23, s17, $0xb8;
	[tilespmem:$0x1E280] =	vst v63  }
0xd1: {  	_ =	swait.ge @!p2 [sflag:s12], $0x2000  }
0xd2: {  	[sflag:s12] =	ssyncset.done @!p2 $0x0  }
0xd3: {  	[sflag:s12] =	ssyncadd.s32 @!p2 $0xFFFFE000;
	s12 =	simm.s32 @!p2 $0x2  }
0xd4: {  	_ =	swait.ge @!p2 [sflag:s12], $0x2000  }
0xd5: {  	[sflag:s12] =	ssyncset.done @!p2 $0x0  }
0xd6: {  	[sflag:s12] =	ssyncadd.s32 @!p2 $0xFFFFE000  }
0xd7: {  	[tilespmem:s29], [sflag:$0x1] =	stream.indirect.gather @!p2 [hbm4b:s5+s17], $0x80, s16, s17, $0xb8;
	[tilespmem:$0x1E280] =	vst v63  }
0xd8: {  	_ = 	snop  }
0xd9: {  	[tilespmem:s23], [sflag:$0x3] =	stream.linear.gather @!p2 [hbm4b:s28+s22], $0x40, $0x38;
	[tilespmem:$0x1E280] =	vst v63  }
0xda: {  	_ =	swait.ge [sflag:s14], $0x40  }
0xdb: {  	[sflag:s14] =	ssyncset.done $0x0  }
0xdc: {  	[sflag:s14] =	ssyncadd.s32 $0xFFFFFFC0  }
0xdd: {  	[spmem:s3] =	stream.indirect.scatter.add.f32 [tilespmem:s6], [sflag:$0x2], $0x80, s8, s31, $0xb8;
	[tilespmem:$0x1E280] =	vst v63  }
0xde: {  	_ =	swait.ge [sflag:s11], $0x2000  }
0xdf: {  	[sflag:s11] =	ssyncset.done $0x0  }
0xe0: {  	[sflag:s11] =	ssyncadd.s32 $0xFFFFE000  }
0xe1: {  	_ =	swait.ge [sflag:s15], $0x2000  }
0xe2: {  	[sflag:s15] =	ssyncset.done $0x0  }
0xe3: {  	s12 =	simm.s32 @!p2 $0x6780;
	[sflag:s15] =	ssyncadd.s32 $0xFFFFE000  }
0xe4: {  	[tilespmem:s12], [sflag:$0x1] =	stream.indirect.gather @!p2 [hbm4b:s5+s17], $0x80, s7, s17, $0xb8;
	[tilespmem:$0x1E280] =	vst v63  }
.Ltmp1:
0xe5: {  	s7 =	simm.s32 @!p2 $0xA880;
	(pc) =	sbr.rel @p1 .LBB2_4-.Ltmp1, $4  }
0xe6: {  	[tilespmem:s7], [sflag:$0x3] =	stream.linear.gather @!p2 [hbm4b:s21+s22], $0x40, $0x38;
	[tilespmem:$0x1E280] =	vst v63  }
0xe7: {  	_ =	swait.ge [sflag:s14], $0x40  }
0xe8: {  	s20 =	sadd.s32 $0x20, s20;
	s21 =	sadd.s32 $0x20, s21;
	[sflag:s14] =	ssyncset.done $0x0  }
0xe9: {  	s26 =	sadd.s32 $0x100, s26;
	s28 =	sadd.s32 $0x20, s28;
	[sflag:s14] =	ssyncadd.s32 $0xFFFFFFC0  }
0xea: {  	[spmem:s3] =	stream.indirect.scatter.add.f32 [tilespmem:s10], [sflag:$0x2], $0x80, s13, s31, $0xb8;
	[tilespmem:$0x1E280] =	vst v63  }
0xeb: {  	_ =	swait.ge [sflag:s15], $0x2000  }
0xec: {  	[sflag:s15] =	ssyncset.done $0x0  }
0xed: {  	s12 =	simm.s32 $0xA980;
	s7 =	rddreg [dreg:$0x9];
	[sflag:s15] =	ssyncadd.s32 $0xFFFFE000  }
0xee: {  	[tilespmem:s12], [sflag:$0x4] =	stream.linear.gather [hbm4b:s7+s4], $0x10, $0x38;
	[tilespmem:$0x1E280] =	vst v63  }
0xef: {  	_ =	swait.ge [sflag:s30], $0x10  }
0xf0: {  	[sflag:s30] =	ssyncset.done $0x0  }
0xf1: {  	s22 =	simm.s32 $0x10;
	s16 =	simm.s32 $0x2700;
	[sflag:s30] =	ssyncadd.s32 $0xFFFFFFF0  }
0xf2: {  	[tilespmem:s1], [sflag:$0x1] =	stream.indirect.gather [hbm4b:s5+s22], $0x80, s16, s22, $0xb8;
	[tilespmem:$0x1E280] =	vst v63  }
0xf3: {  	_ =	swait.ge [sflag:s11], $0x800  }
0xf4: {  	[sflag:s11] =	ssyncset.done $0x0  }
0xf5: {  	[sflag:s11] =	ssyncadd.s32 $0xFFFFF800  }
0xf6: {  	[spmem:s3] =	stream.indirect.scatter.add.f32 [tilespmem:s1], [sflag:$0x4], $0x80, s12, s22, $0xb8;
	[tilespmem:$0x1E280] =	vst v63  }
0xf7: {  	_ =	swait.ge [sflag:s30], $0x800  }
0xf8: {  	[sflag:s30] =	ssyncset.done $0x0  }
0xf9: {  	s23 =	stileid.u32;
	[sflag:s30] =	ssyncadd.s32 $0xFFFFF800  }
0xfa: {  	s7 =	sshll.u32 s23, $0x6;
	[bflag:$0x0] =	sbarrier.arrive $0xFFFF  }
0xfb: {  	s26 =	sshrl.u32 s9, $0x3;
	s7 =	sor.u32 $0x1C04, s7;
	s28 =	rddreg [dreg:$0xa]  }
0xfc: {  	[hbm:s28], [sflag:s7] =	dma.local [spmem:s26], $0x2700  }
0xfd: {  	_ =	swait.ge [sflag:s30], $0x2700  }
0xfe: {  	[sflag:s30] =	ssyncset.done $0x0  }
0xff: {  	s12 =	sshrl.u32 @!p0 s24, $0x3;
	s17 =	rddreg [dreg:$0xb];
	[sflag:s30] =	ssyncadd.s32 $0xFFFFD900  }
0x100: {  	[hbm:s17], [sflag:s7] =	dma.local @!p0 [spmem:s12], $0x100  }
0x101: {  	s7 =	simm.s32 @!p0 $0x4  }
0x102: {  	_ =	swait.ge @!p0 [sflag:s7], $0x100  }
0x103: {  	s18 =	sadd.s32 $0x1, s18;
	s29 =	rddreg [dreg:$0xc]  }
0x104: {  	p1 =	sne.s32 s18, s29  }
.Ltmp2:
0x105: {  	_ = 	snop;
	(pc) =	sbr.rel @p1 .LBB2_1-.Ltmp2, $3  }
0x106: {  	_ =	sdelay $0x1  }
0x107: {  	[sflag:s7] =	ssyncset.done @!p0 $0x0  }
0x108: {  	s16 =	smov.u32 s24;
	[sflag:s7] =	ssyncadd.s32 @!p0 $0xFFFFFF00  }
0x109: {  	_ =	sfence.sel $0x180000  }
0x10a: {  	[bflag:$0x0] =	sbarrier.arrive $0xFFFF  }
0x10b: {  	_ =	strace $0x90000047  }
0x10c: {  	[bflag:$0x2] =	sbarrier.arrive $0xFFFF  }
0x10d: {  	s0 =	rddreg [dreg:$0x3]  }
0x10e: {  	s0 =	sadd.s32 @!p0 $0x100000, s0  }
0x10f: {  	[sflag:s0] =	ssyncadd.tile.s32 @!p0 $0x1;
	_ =	shalt  }
.Lfunc_end2:
_tile_overlayer_lowered:
.L_overlay_start_2:
0x110: {  	(tag) =	ssettag $0x2  }
0x111: {  	s0 =	rddreg [dreg:$0x0];
	s2 =	stileid.u32  }
0x112: {  	s1 =	rddreg [dreg:$0x1];
	p0 =	sne.s32 s2, $0x0  }
0x113: {  	s3 =	rddreg [dreg:$0x2];
	[bflag:$0x3] =	sbarrier.arrive $0xFFFF;
	s2 =	simm.s32 @!p0 $0x1C04  }
0x114: {  	[timem:s3], [sflag:s2] =	dma.local @!p0 [hbm:s0], s1  }
0x115: {  	s0 =	simm.s32 @!p0 $0x4  }
0x116: {  	_ =	swait.ge @!p0 [sflag:s0], s1  }
0x117: {  	s1 =	ssub.s32 @!p0 $0x0, s1;
	[sflag:s0] =	ssyncset.done @!p0 $0x0  }
0x118: {  	[sflag:s0] =	ssyncadd.s32 @!p0 s1  }
0x119: {  	[bflag:$0x3] =	sbarrier.arrive $0xFFFF  }
0x11a: {  	_ =	shalt  }

</sc_bundles>
